<compile_context>
chip_gen: v7x
topology: tpu7x:2x2x1
jax: 0.10.2.dev20260603
libtpu: 0.0.44.dev20260713+nightly
codegen_flags: <defaults>
</compile_context>

<pallas_src>
import functools

import jax
import jax.numpy as jnp
import numpy as np
from jax import lax
from jax.experimental import pallas as pl
from jax.experimental.pallas import tpu as pltpu
from jax.experimental.pallas import tpu_sc as plsc

D = 128
LANES = 16
NCORES = 2
NSUB = 16
NW = NCORES * NSUB
B = 64
PMW = 144
N_ACC = 10224
RPT = N_ACC // NSUB
N_TBL = 10240
RB = 2048


def _u_body(x_ref, p_ref, wx_ref, wp_ref, b_ref, u_ref):
    i = pl.program_id(0)
    ny = N_TBL // RB
    qb = jnp.dot(p_ref[...], wp_ref[...], preferred_element_type=jnp.float32)

    @pl.when(i < ny)
    def _():
        u_ref[...] = (
            jnp.dot(x_ref[...], wx_ref[...],
                    preferred_element_type=jnp.float32) + qb + b_ref[...]
        ).astype(jnp.bfloat16)

    @pl.when(i >= ny)
    def _():
        u_ref[...] = qb.astype(jnp.bfloat16)


def _combine_body(a0_ref, a1_ref, o_ref):
    s = a0_ref[...] + a1_ref[...]
    o_ref[...] = s[:, :D] / (s[:, D:D + 1] + 1e-16)


def _make_sc_kernel(n_blocks):
    mesh = plsc.VectorSubcoreMesh(core_axis_name="c", subcore_axis_name="s")

    @functools.partial(
        pl.kernel,
        out_type=jax.ShapeDtypeStruct((NCORES, N_ACC, PMW), jnp.float32),
        mesh=mesh,
        scratch_types=[
            [pltpu.VMEM((2 * B,), jnp.int32)] * 2,
            [pltpu.VMEM((B,), jnp.int32)] * 2,
            [pltpu.VMEM((2 * B, D), jnp.bfloat16)] * 2,
            [pltpu.VMEM((B, PMW), jnp.float32)] * 2,
            pltpu.VMEM((D,), jnp.float32),
            pltpu.VMEM((LANES,), jnp.float32),
            pltpu.VMEM_SHARED((N_ACC, PMW), jnp.float32),
            [pltpu.SemaphoreType.DMA] * 2,
            [pltpu.SemaphoreType.DMA] * 2,
            [pltpu.SemaphoreType.DMA] * 2,
        ],
        compiler_params=pltpu.CompilerParams(
            needs_layout_passes=False, use_tc_tiling_on_sc=False),
    )
    def sc_kernel(u_hbm, sd_hbm, wg_hbm, bg_hbm, zrows_hbm,
                  out_hbm, sdv, dsc, ubuf, pmbuf, wgv, bgv, acc,
                  sem_i, sem_g, sem_sc):
        cid = lax.axis_index("c")
        sid = lax.axis_index("s")
        wid = cid * NSUB + sid

        pltpu.sync_copy(wg_hbm, wgv)
        pltpu.sync_copy(bg_hbm, bgv)
        pltpu.sync_copy(zrows_hbm, acc.at[pl.ds(sid * RPT, RPT)])
        plsc.subcore_barrier()

        bg = bgv[...]
        wvs = [wgv[pl.ds(LANES * j, LANES)] for j in range(D // LANES)]
        ntv = jnp.full((LANES,), N_TBL, jnp.int32)
        ibase = wid * n_blocks * 2 * B

        def issue_gather(s):
            pltpu.async_copy(u_hbm.at[sdv[s]], ubuf[s], sem_g[s])

        def drain_gather(s):
            pltpu.make_async_copy(u_hbm.at[sdv[s]], ubuf[s], sem_g[s]).wait()

        def drain_scatter(s):
            pltpu.make_async_copy(pmbuf[s], acc.at[dsc[s]], sem_sc[s]).wait()

        def compute_block(s):
            @plsc.parallel_loop(0, B, unroll=3)
            def _edge(e):
                ms = []
                dot = None
                for c in range(D // (2 * LANES)):
                    yv = ubuf[s][e, pl.ds(2 * LANES * c, 2 * LANES)]
                    qv = ubuf[s][B + e, pl.ds(2 * LANES * c, 2 * LANES)]
                    z = yv - qv
                    m = z / (1.0 + jnp.exp(-z))
                    ma, mb = plsc.unpack(
                        m, format=plsc.PackFormat.INTERLEAVED,
                        preferred_element_type=jnp.float32)
                    ms.append(ma)
                    ms.append(mb)
                    acc2 = ma * wvs[2 * c] + mb * wvs[2 * c + 1]
                    dot = acc2 if dot is None else dot + acc2
                t = jnp.sum(dot)
                g = jnp.broadcast_to(t, (LANES,)) + bg
                g = g / (1.0 + jnp.exp(-g))
                p = jnp.exp(g)
                for j in range(D // LANES):
                    pmbuf[s][e, pl.ds(LANES * j, LANES)] = p * ms[j]
                pmbuf[s][e, pl.ds(D, LANES)] = p

        for s in (0, 1):
            pltpu.sync_copy(sd_hbm.at[pl.ds(ibase + s * 2 * B, 2 * B)],
                            sdv[s])
        issue_gather(0)

        @pl.loop(0, n_blocks, step=2)
        def _blk(b):
            for s in (0, 1):
                bb = b + s

                @pl.when(bb >= 2)
                def _():
                    drain_scatter(s)

                drain_gather(s)
                for j in range(B // LANES):
                    dsc[s][pl.ds(LANES * j, LANES)] = (
                        sdv[s][pl.ds(B + LANES * j, LANES)] - ntv)

                @pl.when(bb + 2 < n_blocks)
                def _():
                    pltpu.async_copy(
                        sd_hbm.at[pl.ds(ibase + (bb + 2) * 2 * B, 2 * B)],
                        sdv[s], sem_i[s])

                @pl.when(bb + 1 < n_blocks)
                def _():
                    @pl.when(bb >= 1)
                    def _():
                        pltpu.make_async_copy(
                            sd_hbm.at[pl.ds(0, 2 * B)], sdv[1 - s],
                            sem_i[1 - s]).wait()
                    issue_gather(1 - s)

                compute_block(s)
                pltpu.async_copy(pmbuf[s], acc.at[dsc[s]], sem_sc[s],
                                 add=True)

        drain_scatter(0)
        drain_scatter(1)
        plsc.subcore_barrier()
        pltpu.sync_copy(acc.at[pl.ds(sid * RPT, RPT)],
                        out_hbm.at[cid, pl.ds(sid * RPT, RPT)])

    return sc_kernel


def kernel(x, pos, W_local, b_local, W_gate, b_gate, edge_index):
    n, d = x.shape
    e = edge_index.shape[1]
    etot = e + n
    ew = -(-etot // (NW * 2 * B)) * 2 * B
    n_blocks = ew // B
    epad = ew * NW

    perm = np.empty((d,), np.int32)
    for c in range(d // (2 * LANES)):
        for i in range(LANES):
            perm[32 * c + 2 * i] = 32 * c + i
            perm[32 * c + 2 * i + 1] = 32 * c + LANES + i

    xp = jnp.zeros((N_TBL, d), jnp.float32).at[:n].set(x)
    posp = jnp.zeros((N_TBL, 8), jnp.float32).at[:n, :3].set(pos)
    wx = W_local[:d][:, perm]
    wp = jnp.zeros((8, d), jnp.float32).at[:3].set(W_local[d:])[:, perm]
    bl = b_local.reshape(1, d)[:, perm]
    src = jnp.full((epad,), n, jnp.int32).at[:e].set(edge_index[0]).at[
        e:etot].set(jnp.arange(n, dtype=jnp.int32))
    dst = jnp.full((epad,), n, jnp.int32).at[:e].set(edge_index[1]).at[
        e:etot].set(jnp.arange(n, dtype=jnp.int32))
    sd = jnp.concatenate(
        [src.reshape(-1, B), dst.reshape(-1, B) + N_TBL], axis=1).reshape(-1)
    wg = W_gate[:, 0]
    bg16 = jnp.broadcast_to(b_gate, (LANES,)).astype(jnp.float32)
    zrows = jnp.zeros((RPT, PMW), jnp.float32)

    u = pl.pallas_call(
        _u_body,
        grid=(2 * N_TBL // RB,),
        in_specs=[
            pl.BlockSpec((RB, d), lambda i: (i % (N_TBL // RB), 0)),
            pl.BlockSpec((RB, 8), lambda i: (i % (N_TBL // RB), 0)),
            pl.BlockSpec((d, d), lambda i: (0, 0)),
            pl.BlockSpec((8, d), lambda i: (0, 0)),
            pl.BlockSpec((1, d), lambda i: (0, 0)),
        ],
        out_specs=pl.BlockSpec((RB, d), lambda i: (i, 0)),
        out_shape=jax.ShapeDtypeStruct((2 * N_TBL, d), jnp.bfloat16),
    )(xp, posp, wx, wp, bl)

    accs = _make_sc_kernel(n_blocks)(u, sd, wg, bg16, zrows)

    out = pl.pallas_call(
        _combine_body,
        grid=(pl.cdiv(N_ACC, RB),),
        in_specs=[
            pl.BlockSpec((RB, PMW), lambda i: (i, 0)),
            pl.BlockSpec((RB, PMW), lambda i: (i, 0)),
        ],
        out_specs=pl.BlockSpec((RB, d), lambda i: (i, 0)),
        out_shape=jax.ShapeDtypeStruct((N_ACC, d), jnp.float32),
    )(accs[0], accs[1])
    return out[:n]

# --- scband reference (transcript-rebuilt; emitter-appended) ---
"""Pipeline reference for scband-attn-point-net-conv-18227841204607 (READ-ONLY COPY).

The authoritative reference and input builder live on the scoring server;
editing this copy changes nothing except your own understanding.
"""

import jax, jax.numpy as jnp
import numpy as np

N = 10000
E = 320000
D = 128


def setup_inputs(seed: int = 0) -> dict:
    key = jax.random.key(seed)
    k1, k2, k3, k4, k5 = jax.random.split(key, 5)
    x = jax.random.normal(k1, (N, D), dtype=jnp.float32)
    pos = jax.random.normal(k2, (N, 3), dtype=jnp.float32)
    edge_index = jax.random.randint(k3, (2, E), 0, N, dtype=jnp.int32)
    # local_nn: MLP([3 + in_channels, out_channels], act=SiLU, plain_last=False)
    # -> Linear(131, 128) + BatchNorm (identity at init in eval) + SiLU
    W_local = jax.random.normal(k4, (3 + D, D), dtype=jnp.float32) * (1.0 / np.sqrt(3 + D))
    b_local = jnp.zeros((D,), dtype=jnp.float32)
    # gate_nn: MLP([out_channels, 1], act=SiLU, plain_last=False)
    W_gate = jax.random.normal(k5, (D, 1), dtype=jnp.float32) * (1.0 / np.sqrt(D))
    b_gate = jnp.zeros((1,), dtype=jnp.float32)
    return {"x": x, "pos": pos, "W_local": W_local, "b_local": b_local,
            "W_gate": W_gate, "b_gate": b_gate, "edge_index": edge_index}


def reference(x, pos, W_local, b_local, W_gate, b_gate, edge_index):
    n = x.shape[0]
    # PointNetConv default add_self_loops=True
    loops = jnp.arange(n, dtype=edge_index.dtype)
    src = jnp.concatenate([edge_index[0], loops])
    dst = jnp.concatenate([edge_index[1], loops])
    # message: local_nn(concat(x_j, pos_j - pos_i))
    rel = pos[src] - pos[dst]
    h = jnp.concatenate([x[src], rel], axis=1)
    msg = jax.nn.silu(h @ W_local + b_local)
    # AttentionalAggregation: gate = gate_nn(msg); softmax over dst segments; weighted sum
    gate = jax.nn.silu(msg @ W_gate + b_gate)  # [E+n, 1]
    gmax = jax.ops.segment_max(gate, dst, num_segments=n)
    gate = jnp.exp(gate - gmax[dst])
    denom = jax.ops.segment_sum(gate, dst, num_segments=n)
    alpha = gate / (denom[dst] + 1e-16)
    out = jax.ops.segment_sum(alpha * msg, dst, num_segments=n)
    return out

if __name__ == "__main__":
    import jax
    _d = setup_inputs()
    print(jax.jit(kernel)(*tuple(_d.values())))

</pallas_src>

<mosaic_0001>
#map = affine_map<(d0, d1) -> (0, 0)>
#map1 = affine_map<(d0, d1) -> (0)>
#map2 = affine_map<(d0, d1) -> (0, 0, 0)>
module attributes {stable_mosaic.version = 14 : i64} {
  func.func @sc_kernel(%arg0: i32, %arg1: i32, %arg2: memref<20480x128xbf16, #tpu.memory_space<hbm>>, %arg3: memref<663552xi32, #tpu.memory_space<hbm>>, %arg4: memref<128xf32, #tpu.memory_space<hbm>>, %arg5: memref<16xf32, #tpu.memory_space<hbm>>, %arg6: memref<639x144xf32, #tpu.memory_space<hbm>>, %arg7: memref<2x10224x144xf32, #tpu.memory_space<hbm>>, %arg8: memref<128xi32, #tpu.memory_space<vmem>>, %arg9: memref<128xi32, #tpu.memory_space<vmem>>, %arg10: memref<64xi32, #tpu.memory_space<vmem>>, %arg11: memref<64xi32, #tpu.memory_space<vmem>>, %arg12: memref<128x128xbf16, #tpu.memory_space<vmem>>, %arg13: memref<128x128xbf16, #tpu.memory_space<vmem>>, %arg14: memref<64x144xf32, #tpu.memory_space<vmem>>, %arg15: memref<64x144xf32, #tpu.memory_space<vmem>>, %arg16: memref<128xf32, #tpu.memory_space<vmem>>, %arg17: memref<16xf32, #tpu.memory_space<vmem>>, %arg18: memref<10224x144xf32, #tpu.memory_space<vmem_shared>>, %arg19: memref<!tpu.dma_semaphore, #tpu.memory_space<semaphore_mem>>, %arg20: memref<!tpu.dma_semaphore, #tpu.memory_space<semaphore_mem>>, %arg21: memref<!tpu.dma_semaphore, #tpu.memory_space<semaphore_mem>>, %arg22: memref<!tpu.dma_semaphore, #tpu.memory_space<semaphore_mem>>, %arg23: memref<!tpu.dma_semaphore, #tpu.memory_space<semaphore_mem>>, %arg24: memref<!tpu.dma_semaphore, #tpu.memory_space<semaphore_mem>>) attributes {dimension_semantics = [#tpu.dimension_semantics<core_parallel>, #tpu.dimension_semantics<subcore_parallel>], iteration_bounds = array<i64: 2, 16>, scalar_prefetch = 0 : i64, scratch_operands = 17 : i64, tpu.core_type = #tpu.core_type<sc_vector_subcore>, window_params = [{transform_indices = #map}, {transform_indices = #map1}, {transform_indices = #map1}, {transform_indices = #map1}, {transform_indices = #map}, {transform_indices = #map2}]} {
    %mul3A = arith.constant 16 : i32
    %mul3A_0 = arith.muli %arg0, %mul3A : i32
    %add3A = arith.addi %mul3A_0, %arg1 : i32
    "tpu.region"() ({
      %run_scoped3A = tpu.sem_alloc : memref<!tpu.dma_semaphore, #tpu.memory_space<semaphore_mem>>
      tpu.enqueue_dma source(%arg4 : memref<128xf32, #tpu.memory_space<hbm>>) target(%arg16 : memref<128xf32, #tpu.memory_space<vmem>>) target_semaphore(%run_scoped3A : memref<!tpu.dma_semaphore, #tpu.memory_space<semaphore_mem>>)
      tpu.wait_dma2 semaphore(%run_scoped3A : memref<!tpu.dma_semaphore, #tpu.memory_space<semaphore_mem>>) src(%arg4 : memref<128xf32, #tpu.memory_space<hbm>>) dst(%arg16 : memref<128xf32, #tpu.memory_space<vmem>>)
      tpu.yield
    }) : () -> ()
    "tpu.region"() ({
      %run_scoped3A = tpu.sem_alloc : memref<!tpu.dma_semaphore, #tpu.memory_space<semaphore_mem>>
      tpu.enqueue_dma source(%arg5 : memref<16xf32, #tpu.memory_space<hbm>>) target(%arg17 : memref<16xf32, #tpu.memory_space<vmem>>) target_semaphore(%run_scoped3A : memref<!tpu.dma_semaphore, #tpu.memory_space<semaphore_mem>>)
      tpu.wait_dma2 semaphore(%run_scoped3A : memref<!tpu.dma_semaphore, #tpu.memory_space<semaphore_mem>>) src(%arg5 : memref<16xf32, #tpu.memory_space<hbm>>) dst(%arg17 : memref<16xf32, #tpu.memory_space<vmem>>)
      tpu.yield
    }) : () -> ()
    %mul3A_1 = arith.constant 639 : i32
    %mul3A_2 = arith.muli %arg1, %mul3A_1 : i32
    "tpu.region"() ({
      %run_scoped3A = tpu.sem_alloc : memref<!tpu.dma_semaphore, #tpu.memory_space<semaphore_mem>>
      %dma_start3A_47 = arith.constant 0 : i32
      %dma_start3A_48 = tpu.memref_slice %arg18[%mul3A_2, %dma_start3A_47] : memref<10224x144xf32, #tpu.memory_space<vmem_shared>> -> memref<639x144xf32, #tpu.memory_space<vmem_shared>>
      tpu.enqueue_dma source(%arg6 : memref<639x144xf32, #tpu.memory_space<hbm>>) target(%dma_start3A_48 : memref<639x144xf32, #tpu.memory_space<vmem_shared>>) target_semaphore(%run_scoped3A : memref<!tpu.dma_semaphore, #tpu.memory_space<semaphore_mem>>)
      %dma_wait3A_49 = arith.constant 0 : i32
      %dma_wait3A_50 = tpu.memref_slice %arg18[%mul3A_2, %dma_wait3A_49] : memref<10224x144xf32, #tpu.memory_space<vmem_shared>> -> memref<639x144xf32, #tpu.memory_space<vmem_shared>>
      tpu.wait_dma2 semaphore(%run_scoped3A : memref<!tpu.dma_semaphore, #tpu.memory_space<semaphore_mem>>) src(%arg6 : memref<639x144xf32, #tpu.memory_space<hbm>>) dst(%dma_wait3A_50 : memref<639x144xf32, #tpu.memory_space<vmem_shared>>)
      tpu.yield
    }) : () -> ()
    %barrier3A = arith.constant 0 : index
    tpu.barrier barrier_id(%barrier3A)
    %get3A = arith.constant 0 : index
    %get3A_3 = tpu.vector_load %arg17[%get3A] {strides = array<i32>} : memref<16xf32, #tpu.memory_space<vmem>>, vector<16xf32>,
    %get3A_4 = arith.constant 0 : index
    %get3A_5 = tpu.vector_load %arg16[%get3A_4] {strides = array<i32>} : memref<128xf32, #tpu.memory_space<vmem>>, vector<16xf32>,
    %get3A_6 = arith.constant 16 : index
    %get3A_7 = tpu.vector_load %arg16[%get3A_6] {strides = array<i32>} : memref<128xf32, #tpu.memory_space<vmem>>, vector<16xf32>,
    %get3A_8 = arith.constant 32 : index
    %get3A_9 = tpu.vector_load %arg16[%get3A_8] {strides = array<i32>} : memref<128xf32, #tpu.memory_space<vmem>>, vector<16xf32>,
    %get3A_10 = arith.constant 48 : index
    %get3A_11 = tpu.vector_load %arg16[%get3A_10] {strides = array<i32>} : memref<128xf32, #tpu.memory_space<vmem>>, vector<16xf32>,
    %get3A_12 = arith.constant 64 : index
    %get3A_13 = tpu.vector_load %arg16[%get3A_12] {strides = array<i32>} : memref<128xf32, #tpu.memory_space<vmem>>, vector<16xf32>,
    %get3A_14 = arith.constant 80 : index
    %get3A_15 = tpu.vector_load %arg16[%get3A_14] {strides = array<i32>} : memref<128xf32, #tpu.memory_space<vmem>>, vector<16xf32>,
    %get3A_16 = arith.constant 96 : index
    %get3A_17 = tpu.vector_load %arg16[%get3A_16] {strides = array<i32>} : memref<128xf32, #tpu.memory_space<vmem>>, vector<16xf32>,
    %get3A_18 = arith.constant 112 : index
    %get3A_19 = tpu.vector_load %arg16[%get3A_18] {strides = array<i32>} : memref<128xf32, #tpu.memory_space<vmem>>, vector<16xf32>,
    %broadcast_in_dim3A = arith.constant 10240 : i32
    %broadcast_in_dim3A_20 = vector.broadcast %broadcast_in_dim3A : i32 to vector<16xi32>
    %mul3A_21 = arith.constant 162 : i32
    %mul3A_22 = arith.muli %add3A, %mul3A_21 : i32
    %mul3A_23 = arith.constant 2 : i32
    %mul3A_24 = arith.muli %mul3A_22, %mul3A_23 : i32
    %mul3A_25 = arith.constant 64 : i32
    %mul3A_26 = arith.muli %mul3A_24, %mul3A_25 : i32
    %add3A_27 = arith.constant 0 : i32
    %add3A_28 = arith.addi %mul3A_26, %add3A_27 : i32
    "tpu.region"() ({
      %run_scoped3A = tpu.sem_alloc : memref<!tpu.dma_semaphore, #tpu.memory_space<semaphore_mem>>
      %dma_start3A_47 = tpu.memref_slice %arg3[%add3A_28] : memref<663552xi32, #tpu.memory_space<hbm>> -> memref<128xi32, #tpu.memory_space<hbm>>
      %dma_start3A_48 = tpu.memref_slice %arg3[%add3A_28] : memref<663552xi32, #tpu.memory_space<hbm>> -> memref<128xi32, #tpu.memory_space<hbm>>
      tpu.enqueue_dma source(%dma_start3A_48 : memref<128xi32, #tpu.memory_space<hbm>>) target(%arg8 : memref<128xi32, #tpu.memory_space<vmem>>) target_semaphore(%run_scoped3A : memref<!tpu.dma_semaphore, #tpu.memory_space<semaphore_mem>>)
      %dma_wait3A_49 = tpu.memref_slice %arg3[%add3A_28] : memref<663552xi32, #tpu.memory_space<hbm>> -> memref<128xi32, #tpu.memory_space<hbm>>
      %dma_wait3A_50 = tpu.memref_slice %arg3[%add3A_28] : memref<663552xi32, #tpu.memory_space<hbm>> -> memref<128xi32, #tpu.memory_space<hbm>>
      tpu.wait_dma2 semaphore(%run_scoped3A : memref<!tpu.dma_semaphore, #tpu.memory_space<semaphore_mem>>) src(%dma_wait3A_50 : memref<128xi32, #tpu.memory_space<hbm>>) dst(%arg8 : memref<128xi32, #tpu.memory_space<vmem>>)
      tpu.yield
    }) : () -> ()
    %add3A_29 = arith.constant 128 : i32
    %add3A_30 = arith.addi %mul3A_26, %add3A_29 : i32
    "tpu.region"() ({
      %run_scoped3A = tpu.sem_alloc : memref<!tpu.dma_semaphore, #tpu.memory_space<semaphore_mem>>
      %dma_start3A_47 = tpu.memref_slice %arg3[%add3A_30] : memref<663552xi32, #tpu.memory_space<hbm>> -> memref<128xi32, #tpu.memory_space<hbm>>
      %dma_start3A_48 = tpu.memref_slice %arg3[%add3A_30] : memref<663552xi32, #tpu.memory_space<hbm>> -> memref<128xi32, #tpu.memory_space<hbm>>
      tpu.enqueue_dma source(%dma_start3A_48 : memref<128xi32, #tpu.memory_space<hbm>>) target(%arg9 : memref<128xi32, #tpu.memory_space<vmem>>) target_semaphore(%run_scoped3A : memref<!tpu.dma_semaphore, #tpu.memory_space<semaphore_mem>>)
      %dma_wait3A_49 = tpu.memref_slice %arg3[%add3A_30] : memref<663552xi32, #tpu.memory_space<hbm>> -> memref<128xi32, #tpu.memory_space<hbm>>
      %dma_wait3A_50 = tpu.memref_slice %arg3[%add3A_30] : memref<663552xi32, #tpu.memory_space<hbm>> -> memref<128xi32, #tpu.memory_space<hbm>>
      tpu.wait_dma2 semaphore(%run_scoped3A : memref<!tpu.dma_semaphore, #tpu.memory_space<semaphore_mem>>) src(%dma_wait3A_50 : memref<128xi32, #tpu.memory_space<hbm>>) dst(%arg9 : memref<128xi32, #tpu.memory_space<vmem>>)
      tpu.yield
    }) : () -> ()
    %dma_start3A = arith.constant 0 : i32
    %dma_start3A_31 = arith.constant 0 : i32
    %dma_start3A_32 = tpu.memref_slice %arg2[%dma_start3A, %dma_start3A_31] : memref<20480x128xbf16, #tpu.memory_space<hbm>> -> memref<20480x128xbf16, #tpu.memory_space<hbm>>
    tpu.enqueue_indirect_dma source(%dma_start3A_32 : memref<20480x128xbf16, #tpu.memory_space<hbm>>) target(%arg12 : memref<128x128xbf16, #tpu.memory_space<vmem>>) offsets(%arg8 : memref<128xi32, #tpu.memory_space<vmem>>) semaphore(%arg21 : memref<!tpu.dma_semaphore, #tpu.memory_space<semaphore_mem>>)
    %scan3A = arith.constant 0 : i32
    %scan3A_33 = arith.constant 81 : i32
    %scan3A_34 = arith.addi %scan3A, %scan3A_33 : i32
    %scan3A_35 = arith.constant 1 : i32
    scf.for %scan3A_47 = %scan3A to %scan3A_34 step %scan3A_35  : i32 {
      %mul3A_48 = arith.constant 2 : i32
      %mul3A_49 = arith.muli %scan3A_47, %mul3A_48 : i32
      %add3A_50 = arith.constant 0 : i32
      %add3A_51 = arith.addi %add3A_50, %mul3A_49 : i32
      %add3A_52 = arith.constant 0 : i32
      %add3A_53 = arith.addi %add3A_51, %add3A_52 : i32
      %ge3A = arith.constant 2 : i32
      %ge3A_54 = arith.cmpi sge, %add3A_53, %ge3A : i32
      %convert_element_type3A = arith.extui %ge3A_54 : i1 to i32
      %cond3A = arith.constant 0 : i32
      %cond3A_55 = arith.cmpi ne, %convert_element_type3A, %cond3A : i32
      scf.if %cond3A_55 {
        %dma_wait3A_145 = arith.constant 0 : i32
        %dma_wait3A_146 = arith.constant 0 : i32
        %dma_wait3A_147 = tpu.memref_slice %arg18[%dma_wait3A_145, %dma_wait3A_146] : memref<10224x144xf32, #tpu.memory_space<vmem_shared>> -> memref<10224x144xf32, #tpu.memory_space<vmem_shared>>
        tpu.wait_indirect_dma semaphore(%arg23 : memref<!tpu.dma_semaphore, #tpu.memory_space<semaphore_mem>>) src(%arg14 : memref<64x144xf32, #tpu.memory_space<vmem>>) dst(%dma_wait3A_147 : memref<10224x144xf32, #tpu.memory_space<vmem_shared>>)
      } else {
      }
      %dma_wait3A_56 = arith.constant 0 : i32
      %dma_wait3A_57 = arith.constant 0 : i32
      %dma_wait3A_58 = tpu.memref_slice %arg2[%dma_wait3A_56, %dma_wait3A_57] : memref<20480x128xbf16, #tpu.memory_space<hbm>> -> memref<20480x128xbf16, #tpu.memory_space<hbm>>
      tpu.wait_indirect_dma semaphore(%arg21 : memref<!tpu.dma_semaphore, #tpu.memory_space<semaphore_mem>>) src(%dma_wait3A_58 : memref<20480x128xbf16, #tpu.memory_space<hbm>>) dst(%arg12 : memref<128x128xbf16, #tpu.memory_space<vmem>>)
      %get3A_59 = arith.constant 64 : index
      %get3A_60 = tpu.vector_load %arg8[%get3A_59] {strides = array<i32>} : memref<128xi32, #tpu.memory_space<vmem>>, vector<16xi32>,
      %sub3A = arith.subi %get3A_60, %broadcast_in_dim3A_20 : vector<16xi32>
      %swap3A = arith.constant 0 : index
      %swap3A_61 = tpu.vector_load %arg10[%swap3A] {strides = array<i32>} : memref<64xi32, #tpu.memory_space<vmem>>, vector<16xi32>,
      tpu.vector_store %arg10[%swap3A], %sub3A {strides = array<i32>} : memref<64xi32, #tpu.memory_space<vmem>>, vector<16xi32>,
      %get3A_62 = arith.constant 80 : index
      %get3A_63 = tpu.vector_load %arg8[%get3A_62] {strides = array<i32>} : memref<128xi32, #tpu.memory_space<vmem>>, vector<16xi32>,
      %sub3A_64 = arith.subi %get3A_63, %broadcast_in_dim3A_20 : vector<16xi32>
      %swap3A_65 = arith.constant 16 : index
      %swap3A_66 = tpu.vector_load %arg10[%swap3A_65] {strides = array<i32>} : memref<64xi32, #tpu.memory_space<vmem>>, vector<16xi32>,
      tpu.vector_store %arg10[%swap3A_65], %sub3A_64 {strides = array<i32>} : memref<64xi32, #tpu.memory_space<vmem>>, vector<16xi32>,
      %get3A_67 = arith.constant 96 : index
      %get3A_68 = tpu.vector_load %arg8[%get3A_67] {strides = array<i32>} : memref<128xi32, #tpu.memory_space<vmem>>, vector<16xi32>,
      %sub3A_69 = arith.subi %get3A_68, %broadcast_in_dim3A_20 : vector<16xi32>
      %swap3A_70 = arith.constant 32 : index
      %swap3A_71 = tpu.vector_load %arg10[%swap3A_70] {strides = array<i32>} : memref<64xi32, #tpu.memory_space<vmem>>, vector<16xi32>,
      tpu.vector_store %arg10[%swap3A_70], %sub3A_69 {strides = array<i32>} : memref<64xi32, #tpu.memory_space<vmem>>, vector<16xi32>,
      %get3A_72 = arith.constant 112 : index
      %get3A_73 = tpu.vector_load %arg8[%get3A_72] {strides = array<i32>} : memref<128xi32, #tpu.memory_space<vmem>>, vector<16xi32>,
      %sub3A_74 = arith.subi %get3A_73, %broadcast_in_dim3A_20 : vector<16xi32>
      %swap3A_75 = arith.constant 48 : index
      %swap3A_76 = tpu.vector_load %arg10[%swap3A_75] {strides = array<i32>} : memref<64xi32, #tpu.memory_space<vmem>>, vector<16xi32>,
      tpu.vector_store %arg10[%swap3A_75], %sub3A_74 {strides = array<i32>} : memref<64xi32, #tpu.memory_space<vmem>>, vector<16xi32>,
      %add3A_77 = arith.constant 2 : i32
      %add3A_78 = arith.addi %add3A_53, %add3A_77 : i32
      %lt3A = arith.constant 162 : i32
      %lt3A_79 = arith.cmpi slt, %add3A_78, %lt3A : i32
      %convert_element_type3A_80 = arith.extui %lt3A_79 : i1 to i32
      %cond3A_81 = arith.constant 0 : i32
      %cond3A_82 = arith.cmpi ne, %convert_element_type3A_80, %cond3A_81 : i32
      scf.if %cond3A_82 {
        %add3A_145 = arith.constant 2 : i32
        %add3A_146 = arith.addi %add3A_53, %add3A_145 : i32
        %mul3A_147 = arith.constant 2 : i32
        %mul3A_148 = arith.muli %add3A_146, %mul3A_147 : i32
        %mul3A_149 = arith.constant 64 : i32
        %mul3A_150 = arith.muli %mul3A_148, %mul3A_149 : i32
        %add3A_151 = arith.addi %mul3A_26, %mul3A_150 : i32
        %dma_start3A_152 = tpu.memref_slice %arg3[%add3A_151] : memref<663552xi32, #tpu.memory_space<hbm>> -> memref<128xi32, #tpu.memory_space<hbm>>
        %dma_start3A_153 = tpu.memref_slice %arg3[%add3A_151] : memref<663552xi32, #tpu.memory_space<hbm>> -> memref<128xi32, #tpu.memory_space<hbm>>
        tpu.enqueue_dma source(%dma_start3A_153 : memref<128xi32, #tpu.memory_space<hbm>>) target(%arg8 : memref<128xi32, #tpu.memory_space<vmem>>) target_semaphore(%arg19 : memref<!tpu.dma_semaphore, #tpu.memory_space<semaphore_mem>>)
      } else {
      }
      %add3A_83 = arith.constant 1 : i32
      %add3A_84 = arith.addi %add3A_53, %add3A_83 : i32
      %lt3A_85 = arith.constant 162 : i32
      %lt3A_86 = arith.cmpi slt, %add3A_84, %lt3A_85 : i32
      %convert_element_type3A_87 = arith.extui %lt3A_86 : i1 to i32
      %cond3A_88 = arith.constant 0 : i32
      %cond3A_89 = arith.cmpi ne, %convert_element_type3A_87, %cond3A_88 : i32
      scf.if %cond3A_89 {
        %ge3A_145 = arith.constant 1 : i32
        %ge3A_146 = arith.cmpi sge, %add3A_53, %ge3A_145 : i32
        %convert_element_type3A_147 = arith.extui %ge3A_146 : i1 to i32
        %cond3A_148 = arith.constant 0 : i32
        %cond3A_149 = arith.cmpi ne, %convert_element_type3A_147, %cond3A_148 : i32
        scf.if %cond3A_149 {
          %dma_wait3A_153 = arith.constant 0 : i32
          %dma_wait3A_154 = tpu.memref_slice %arg3[%dma_wait3A_153] : memref<663552xi32, #tpu.memory_space<hbm>> -> memref<128xi32, #tpu.memory_space<hbm>>
          %dma_wait3A_155 = arith.constant 0 : i32
          %dma_wait3A_156 = tpu.memref_slice %arg3[%dma_wait3A_155] : memref<663552xi32, #tpu.memory_space<hbm>> -> memref<128xi32, #tpu.memory_space<hbm>>
          tpu.wait_dma2 semaphore(%arg20 : memref<!tpu.dma_semaphore, #tpu.memory_space<semaphore_mem>>) src(%dma_wait3A_156 : memref<128xi32, #tpu.memory_space<hbm>>) dst(%arg9 : memref<128xi32, #tpu.memory_space<vmem>>)
        } else {
        }
        %dma_start3A_150 = arith.constant 0 : i32
        %dma_start3A_151 = arith.constant 0 : i32
        %dma_start3A_152 = tpu.memref_slice %arg2[%dma_start3A_150, %dma_start3A_151] : memref<20480x128xbf16, #tpu.memory_space<hbm>> -> memref<20480x128xbf16, #tpu.memory_space<hbm>>
        tpu.enqueue_indirect_dma source(%dma_start3A_152 : memref<20480x128xbf16, #tpu.memory_space<hbm>>) target(%arg13 : memref<128x128xbf16, #tpu.memory_space<vmem>>) offsets(%arg9 : memref<128xi32, #tpu.memory_space<vmem>>) semaphore(%arg22 : memref<!tpu.dma_semaphore, #tpu.memory_space<semaphore_mem>>)
      } else {
      }
      %parallel_loop3A = arith.constant 0 : i32
      %parallel_loop3A_90 = arith.constant 64 : i32
      %parallel_loop3A_91 = arith.constant 1 : i32
      scf.for %parallel_loop3A_145 = %parallel_loop3A to %parallel_loop3A_90 step %parallel_loop3A_91  : i32 {
        %parallel_loop3A_146 = arith.index_cast %parallel_loop3A_145 : i32 to index
        %parallel_loop3A_147 = arith.constant 0 : index
        %parallel_loop3A_148 = tpu.vector_load %arg12[%parallel_loop3A_146, %parallel_loop3A_147] {strides = array<i32>} : memref<128x128xbf16, #tpu.memory_space<vmem>>, vector<32xbf16>,
        %parallel_loop3A_149 = arith.constant 64 : i32
        %parallel_loop3A_150 = arith.addi %parallel_loop3A_149, %parallel_loop3A_145 : i32
        %parallel_loop3A_151 = arith.index_cast %parallel_loop3A_150 : i32 to index
        %parallel_loop3A_152 = arith.constant 0 : index
        %parallel_loop3A_153 = tpu.vector_load %arg12[%parallel_loop3A_151, %parallel_loop3A_152] {strides = array<i32>} : memref<128x128xbf16, #tpu.memory_space<vmem>>, vector<32xbf16>,
        %parallel_loop3A_154 = arith.subf %parallel_loop3A_148, %parallel_loop3A_153 : vector<32xbf16>
        %parallel_loop3A_155 = arith.constant 0.000000e+00 : bf16
        %parallel_loop3A_156 = vector.broadcast %parallel_loop3A_155 : bf16 to vector<32xbf16>
        %parallel_loop3A_157 = arith.subf %parallel_loop3A_156, %parallel_loop3A_154 : vector<32xbf16>
        %parallel_loop3A_158 = math.exp %parallel_loop3A_157 : vector<32xbf16>
        %parallel_loop3A_159 = arith.constant 1.000000e+00 : bf16
        %parallel_loop3A_160 = vector.broadcast %parallel_loop3A_159 : bf16 to vector<32xbf16>
        %parallel_loop3A_161 = arith.addf %parallel_loop3A_160, %parallel_loop3A_158 : vector<32xbf16>
        %parallel_loop3A_162 = arith.divf %parallel_loop3A_154, %parallel_loop3A_161 : vector<32xbf16>
        %parallel_loop3A_163 = tpu.unpack_subelements %parallel_loop3A_162, 0 {pack_format = #tpu.pack_format<interleaved>} : vector<32xbf16> -> vector<16xf32>
        %parallel_loop3A_164 = tpu.unpack_subelements %parallel_loop3A_162, 1 {pack_format = #tpu.pack_format<interleaved>} : vector<32xbf16> -> vector<16xf32>
        %parallel_loop3A_165 = arith.mulf %parallel_loop3A_163, %get3A_5 : vector<16xf32>
        %parallel_loop3A_166 = arith.mulf %parallel_loop3A_164, %get3A_7 : vector<16xf32>
        %parallel_loop3A_167 = arith.addf %parallel_loop3A_165, %parallel_loop3A_166 : vector<16xf32>
        %parallel_loop3A_168 = arith.index_cast %parallel_loop3A_145 : i32 to index
        %parallel_loop3A_169 = arith.constant 32 : index
        %parallel_loop3A_170 = tpu.vector_load %arg12[%parallel_loop3A_168, %parallel_loop3A_169] {strides = array<i32>} : memref<128x128xbf16, #tpu.memory_space<vmem>>, vector<32xbf16>,
        %parallel_loop3A_171 = arith.constant 64 : i32
        %parallel_loop3A_172 = arith.addi %parallel_loop3A_171, %parallel_loop3A_145 : i32
        %parallel_loop3A_173 = arith.index_cast %parallel_loop3A_172 : i32 to index
        %parallel_loop3A_174 = arith.constant 32 : index
        %parallel_loop3A_175 = tpu.vector_load %arg12[%parallel_loop3A_173, %parallel_loop3A_174] {strides = array<i32>} : memref<128x128xbf16, #tpu.memory_space<vmem>>, vector<32xbf16>,
        %parallel_loop3A_176 = arith.subf %parallel_loop3A_170, %parallel_loop3A_175 : vector<32xbf16>
        %parallel_loop3A_177 = arith.constant 0.000000e+00 : bf16
        %parallel_loop3A_178 = vector.broadcast %parallel_loop3A_177 : bf16 to vector<32xbf16>
        %parallel_loop3A_179 = arith.subf %parallel_loop3A_178, %parallel_loop3A_176 : vector<32xbf16>
        %parallel_loop3A_180 = math.exp %parallel_loop3A_179 : vector<32xbf16>
        %parallel_loop3A_181 = arith.constant 1.000000e+00 : bf16
        %parallel_loop3A_182 = vector.broadcast %parallel_loop3A_181 : bf16 to vector<32xbf16>
        %parallel_loop3A_183 = arith.addf %parallel_loop3A_182, %parallel_loop3A_180 : vector<32xbf16>
        %parallel_loop3A_184 = arith.divf %parallel_loop3A_176, %parallel_loop3A_183 : vector<32xbf16>
        %parallel_loop3A_185 = tpu.unpack_subelements %parallel_loop3A_184, 0 {pack_format = #tpu.pack_format<interleaved>} : vector<32xbf16> -> vector<16xf32>
        %parallel_loop3A_186 = tpu.unpack_subelements %parallel_loop3A_184, 1 {pack_format = #tpu.pack_format<interleaved>} : vector<32xbf16> -> vector<16xf32>
        %parallel_loop3A_187 = arith.mulf %parallel_loop3A_185, %get3A_9 : vector<16xf32>
        %parallel_loop3A_188 = arith.mulf %parallel_loop3A_186, %get3A_11 : vector<16xf32>
        %parallel_loop3A_189 = arith.addf %parallel_loop3A_187, %parallel_loop3A_188 : vector<16xf32>
        %parallel_loop3A_190 = arith.addf %parallel_loop3A_167, %parallel_loop3A_189 : vector<16xf32>
        %parallel_loop3A_191 = arith.index_cast %parallel_loop3A_145 : i32 to index
        %parallel_loop3A_192 = arith.constant 64 : index
        %parallel_loop3A_193 = tpu.vector_load %arg12[%parallel_loop3A_191, %parallel_loop3A_192] {strides = array<i32>} : memref<128x128xbf16, #tpu.memory_space<vmem>>, vector<32xbf16>,
        %parallel_loop3A_194 = arith.constant 64 : i32
        %parallel_loop3A_195 = arith.addi %parallel_loop3A_194, %parallel_loop3A_145 : i32
        %parallel_loop3A_196 = arith.index_cast %parallel_loop3A_195 : i32 to index
        %parallel_loop3A_197 = arith.constant 64 : index
        %parallel_loop3A_198 = tpu.vector_load %arg12[%parallel_loop3A_196, %parallel_loop3A_197] {strides = array<i32>} : memref<128x128xbf16, #tpu.memory_space<vmem>>, vector<32xbf16>,
        %parallel_loop3A_199 = arith.subf %parallel_loop3A_193, %parallel_loop3A_198 : vector<32xbf16>
        %parallel_loop3A_200 = arith.constant 0.000000e+00 : bf16
        %parallel_loop3A_201 = vector.broadcast %parallel_loop3A_200 : bf16 to vector<32xbf16>
        %parallel_loop3A_202 = arith.subf %parallel_loop3A_201, %parallel_loop3A_199 : vector<32xbf16>
        %parallel_loop3A_203 = math.exp %parallel_loop3A_202 : vector<32xbf16>
        %parallel_loop3A_204 = arith.constant 1.000000e+00 : bf16
        %parallel_loop3A_205 = vector.broadcast %parallel_loop3A_204 : bf16 to vector<32xbf16>
        %parallel_loop3A_206 = arith.addf %parallel_loop3A_205, %parallel_loop3A_203 : vector<32xbf16>
        %parallel_loop3A_207 = arith.divf %parallel_loop3A_199, %parallel_loop3A_206 : vector<32xbf16>
        %parallel_loop3A_208 = tpu.unpack_subelements %parallel_loop3A_207, 0 {pack_format = #tpu.pack_format<interleaved>} : vector<32xbf16> -> vector<16xf32>
        %parallel_loop3A_209 = tpu.unpack_subelements %parallel_loop3A_207, 1 {pack_format = #tpu.pack_format<interleaved>} : vector<32xbf16> -> vector<16xf32>
        %parallel_loop3A_210 = arith.mulf %parallel_loop3A_208, %get3A_13 : vector<16xf32>
        %parallel_loop3A_211 = arith.mulf %parallel_loop3A_209, %get3A_15 : vector<16xf32>
        %parallel_loop3A_212 = arith.addf %parallel_loop3A_210, %parallel_loop3A_211 : vector<16xf32>
        %parallel_loop3A_213 = arith.addf %parallel_loop3A_190, %parallel_loop3A_212 : vector<16xf32>
        %parallel_loop3A_214 = arith.index_cast %parallel_loop3A_145 : i32 to index
        %parallel_loop3A_215 = arith.constant 96 : index
        %parallel_loop3A_216 = tpu.vector_load %arg12[%parallel_loop3A_214, %parallel_loop3A_215] {strides = array<i32>} : memref<128x128xbf16, #tpu.memory_space<vmem>>, vector<32xbf16>,
        %parallel_loop3A_217 = arith.constant 64 : i32
        %parallel_loop3A_218 = arith.addi %parallel_loop3A_217, %parallel_loop3A_145 : i32
        %parallel_loop3A_219 = arith.index_cast %parallel_loop3A_218 : i32 to index
        %parallel_loop3A_220 = arith.constant 96 : index
        %parallel_loop3A_221 = tpu.vector_load %arg12[%parallel_loop3A_219, %parallel_loop3A_220] {strides = array<i32>} : memref<128x128xbf16, #tpu.memory_space<vmem>>, vector<32xbf16>,
        %parallel_loop3A_222 = arith.subf %parallel_loop3A_216, %parallel_loop3A_221 : vector<32xbf16>
        %parallel_loop3A_223 = arith.constant 0.000000e+00 : bf16
        %parallel_loop3A_224 = vector.broadcast %parallel_loop3A_223 : bf16 to vector<32xbf16>
        %parallel_loop3A_225 = arith.subf %parallel_loop3A_224, %parallel_loop3A_222 : vector<32xbf16>
        %parallel_loop3A_226 = math.exp %parallel_loop3A_225 : vector<32xbf16>
        %parallel_loop3A_227 = arith.constant 1.000000e+00 : bf16
        %parallel_loop3A_228 = vector.broadcast %parallel_loop3A_227 : bf16 to vector<32xbf16>
        %parallel_loop3A_229 = arith.addf %parallel_loop3A_228, %parallel_loop3A_226 : vector<32xbf16>
        %parallel_loop3A_230 = arith.divf %parallel_loop3A_222, %parallel_loop3A_229 : vector<32xbf16>
        %parallel_loop3A_231 = tpu.unpack_subelements %parallel_loop3A_230, 0 {pack_format = #tpu.pack_format<interleaved>} : vector<32xbf16> -> vector<16xf32>
        %parallel_loop3A_232 = tpu.unpack_subelements %parallel_loop3A_230, 1 {pack_format = #tpu.pack_format<interleaved>} : vector<32xbf16> -> vector<16xf32>
        %parallel_loop3A_233 = arith.mulf %parallel_loop3A_231, %get3A_17 : vector<16xf32>
        %parallel_loop3A_234 = arith.mulf %parallel_loop3A_232, %get3A_19 : vector<16xf32>
        %parallel_loop3A_235 = arith.addf %parallel_loop3A_233, %parallel_loop3A_234 : vector<16xf32>
        %parallel_loop3A_236 = arith.addf %parallel_loop3A_213, %parallel_loop3A_235 : vector<16xf32>
        %parallel_loop3A_237 = arith.constant true
        %parallel_loop3A_238 = vector.broadcast %parallel_loop3A_237 : i1 to vector<16xi1>
        %parallel_loop3A_239 = tpu.scan <sum>, %parallel_loop3A_236 masked %parallel_loop3A_238 : vector<16xf32>, vector<16xi1> -> vector<16xf32>
        %parallel_loop3A_240 = vector.extract %parallel_loop3A_239[15] : f32 from vector<16xf32>
        %parallel_loop3A_241 = vector.broadcast %parallel_loop3A_240 : f32 to vector<16xf32>
        %parallel_loop3A_242 = arith.addf %parallel_loop3A_241, %get3A_3 : vector<16xf32>
        %parallel_loop3A_243 = arith.constant 0.000000e+00 : f32
        %parallel_loop3A_244 = vector.broadcast %parallel_loop3A_243 : f32 to vector<16xf32>
        %parallel_loop3A_245 = arith.subf %parallel_loop3A_244, %parallel_loop3A_242 : vector<16xf32>
        %parallel_loop3A_246 = math.exp %parallel_loop3A_245 : vector<16xf32>
        %parallel_loop3A_247 = arith.constant 1.000000e+00 : f32
        %parallel_loop3A_248 = vector.broadcast %parallel_loop3A_247 : f32 to vector<16xf32>
        %parallel_loop3A_249 = arith.addf %parallel_loop3A_248, %parallel_loop3A_246 : vector<16xf32>
        %parallel_loop3A_250 = arith.divf %parallel_loop3A_242, %parallel_loop3A_249 : vector<16xf32>
        %parallel_loop3A_251 = math.exp %parallel_loop3A_250 : vector<16xf32>
        %parallel_loop3A_252 = arith.mulf %parallel_loop3A_251, %parallel_loop3A_163 : vector<16xf32>
        %parallel_loop3A_253 = arith.index_cast %parallel_loop3A_145 : i32 to index
        %parallel_loop3A_254 = arith.constant 0 : index
        %parallel_loop3A_255 = tpu.vector_load %arg14[%parallel_loop3A_253, %parallel_loop3A_254] {strides = array<i32>} : memref<64x144xf32, #tpu.memory_space<vmem>>, vector<16xf32>,
        tpu.vector_store %arg14[%parallel_loop3A_253, %parallel_loop3A_254], %parallel_loop3A_252 {strides = array<i32>} : memref<64x144xf32, #tpu.memory_space<vmem>>, vector<16xf32>,
        %parallel_loop3A_256 = arith.mulf %parallel_loop3A_251, %parallel_loop3A_164 : vector<16xf32>
        %parallel_loop3A_257 = arith.index_cast %parallel_loop3A_145 : i32 to index
        %parallel_loop3A_258 = arith.constant 16 : index
        %parallel_loop3A_259 = tpu.vector_load %arg14[%parallel_loop3A_257, %parallel_loop3A_258] {strides = array<i32>} : memref<64x144xf32, #tpu.memory_space<vmem>>, vector<16xf32>,
        tpu.vector_store %arg14[%parallel_loop3A_257, %parallel_loop3A_258], %parallel_loop3A_256 {strides = array<i32>} : memref<64x144xf32, #tpu.memory_space<vmem>>, vector<16xf32>,
        %parallel_loop3A_260 = arith.mulf %parallel_loop3A_251, %parallel_loop3A_185 : vector<16xf32>
        %parallel_loop3A_261 = arith.index_cast %parallel_loop3A_145 : i32 to index
        %parallel_loop3A_262 = arith.constant 32 : index
        %parallel_loop3A_263 = tpu.vector_load %arg14[%parallel_loop3A_261, %parallel_loop3A_262] {strides = array<i32>} : memref<64x144xf32, #tpu.memory_space<vmem>>, vector<16xf32>,
        tpu.vector_store %arg14[%parallel_loop3A_261, %parallel_loop3A_262], %parallel_loop3A_260 {strides = array<i32>} : memref<64x144xf32, #tpu.memory_space<vmem>>, vector<16xf32>,
        %parallel_loop3A_264 = arith.mulf %parallel_loop3A_251, %parallel_loop3A_186 : vector<16xf32>
        %parallel_loop3A_265 = arith.index_cast %parallel_loop3A_145 : i32 to index
        %parallel_loop3A_266 = arith.constant 48 : index
        %parallel_loop3A_267 = tpu.vector_load %arg14[%parallel_loop3A_265, %parallel_loop3A_266] {strides = array<i32>} : memref<64x144xf32, #tpu.memory_space<vmem>>, vector<16xf32>,
        tpu.vector_store %arg14[%parallel_loop3A_265, %parallel_loop3A_266], %parallel_loop3A_264 {strides = array<i32>} : memref<64x144xf32, #tpu.memory_space<vmem>>, vector<16xf32>,
        %parallel_loop3A_268 = arith.mulf %parallel_loop3A_251, %parallel_loop3A_208 : vector<16xf32>
        %parallel_loop3A_269 = arith.index_cast %parallel_loop3A_145 : i32 to index
        %parallel_loop3A_270 = arith.constant 64 : index
        %parallel_loop3A_271 = tpu.vector_load %arg14[%parallel_loop3A_269, %parallel_loop3A_270] {strides = array<i32>} : memref<64x144xf32, #tpu.memory_space<vmem>>, vector<16xf32>,
        tpu.vector_store %arg14[%parallel_loop3A_269, %parallel_loop3A_270], %parallel_loop3A_268 {strides = array<i32>} : memref<64x144xf32, #tpu.memory_space<vmem>>, vector<16xf32>,
        %parallel_loop3A_272 = arith.mulf %parallel_loop3A_251, %parallel_loop3A_209 : vector<16xf32>
        %parallel_loop3A_273 = arith.index_cast %parallel_loop3A_145 : i32 to index
        %parallel_loop3A_274 = arith.constant 80 : index
        %parallel_loop3A_275 = tpu.vector_load %arg14[%parallel_loop3A_273, %parallel_loop3A_274] {strides = array<i32>} : memref<64x144xf32, #tpu.memory_space<vmem>>, vector<16xf32>,
        tpu.vector_store %arg14[%parallel_loop3A_273, %parallel_loop3A_274], %parallel_loop3A_272 {strides = array<i32>} : memref<64x144xf32, #tpu.memory_space<vmem>>, vector<16xf32>,
        %parallel_loop3A_276 = arith.mulf %parallel_loop3A_251, %parallel_loop3A_231 : vector<16xf32>
        %parallel_loop3A_277 = arith.index_cast %parallel_loop3A_145 : i32 to index
        %parallel_loop3A_278 = arith.constant 96 : index
        %parallel_loop3A_279 = tpu.vector_load %arg14[%parallel_loop3A_277, %parallel_loop3A_278] {strides = array<i32>} : memref<64x144xf32, #tpu.memory_space<vmem>>, vector<16xf32>,
        tpu.vector_store %arg14[%parallel_loop3A_277, %parallel_loop3A_278], %parallel_loop3A_276 {strides = array<i32>} : memref<64x144xf32, #tpu.memory_space<vmem>>, vector<16xf32>,
        %parallel_loop3A_280 = arith.mulf %parallel_loop3A_251, %parallel_loop3A_232 : vector<16xf32>
        %parallel_loop3A_281 = arith.index_cast %parallel_loop3A_145 : i32 to index
        %parallel_loop3A_282 = arith.constant 112 : index
        %parallel_loop3A_283 = tpu.vector_load %arg14[%parallel_loop3A_281, %parallel_loop3A_282] {strides = array<i32>} : memref<64x144xf32, #tpu.memory_space<vmem>>, vector<16xf32>,
        tpu.vector_store %arg14[%parallel_loop3A_281, %parallel_loop3A_282], %parallel_loop3A_280 {strides = array<i32>} : memref<64x144xf32, #tpu.memory_space<vmem>>, vector<16xf32>,
        %parallel_loop3A_284 = arith.index_cast %parallel_loop3A_145 : i32 to index
        %parallel_loop3A_285 = arith.constant 128 : index
        %parallel_loop3A_286 = tpu.vector_load %arg14[%parallel_loop3A_284, %parallel_loop3A_285] {strides = array<i32>} : memref<64x144xf32, #tpu.memory_space<vmem>>, vector<16xf32>,
        tpu.vector_store %arg14[%parallel_loop3A_284, %parallel_loop3A_285], %parallel_loop3A_251 {strides = array<i32>} : memref<64x144xf32, #tpu.memory_space<vmem>>, vector<16xf32>,
      } {sc.loop_unroll_factor = 3 : i64, sc.parallel_access}
      %dma_start3A_92 = arith.constant 0 : i32
      %dma_start3A_93 = arith.constant 0 : i32
      %dma_start3A_94 = tpu.memref_slice %arg18[%dma_start3A_92, %dma_start3A_93] : memref<10224x144xf32, #tpu.memory_space<vmem_shared>> -> memref<10224x144xf32, #tpu.memory_space<vmem_shared>>
      tpu.enqueue_indirect_dma source(%arg14 : memref<64x144xf32, #tpu.memory_space<vmem>>) target(%dma_start3A_94 : memref<10224x144xf32, #tpu.memory_space<vmem_shared>>) offsets(%arg10 : memref<64xi32, #tpu.memory_space<vmem>>) semaphore(%arg23 : memref<!tpu.dma_semaphore, #tpu.memory_space<semaphore_mem>>) {add = true}
      %add3A_95 = arith.constant 1 : i32
      %add3A_96 = arith.addi %add3A_51, %add3A_95 : i32
      %ge3A_97 = arith.constant 2 : i32
      %ge3A_98 = arith.cmpi sge, %add3A_96, %ge3A_97 : i32
      %convert_element_type3A_99 = arith.extui %ge3A_98 : i1 to i32
      %cond3A_100 = arith.constant 0 : i32
      %cond3A_101 = arith.cmpi ne, %convert_element_type3A_99, %cond3A_100 : i32
      scf.if %cond3A_101 {
        %dma_wait3A_145 = arith.constant 0 : i32
        %dma_wait3A_146 = arith.constant 0 : i32
        %dma_wait3A_147 = tpu.memref_slice %arg18[%dma_wait3A_145, %dma_wait3A_146] : memref<10224x144xf32, #tpu.memory_space<vmem_shared>> -> memref<10224x144xf32, #tpu.memory_space<vmem_shared>>
        tpu.wait_indirect_dma semaphore(%arg24 : memref<!tpu.dma_semaphore, #tpu.memory_space<semaphore_mem>>) src(%arg15 : memref<64x144xf32, #tpu.memory_space<vmem>>) dst(%dma_wait3A_147 : memref<10224x144xf32, #tpu.memory_space<vmem_shared>>)
      } else {
      }
      %dma_wait3A_102 = arith.constant 0 : i32
      %dma_wait3A_103 = arith.constant 0 : i32
      %dma_wait3A_104 = tpu.memref_slice %arg2[%dma_wait3A_102, %dma_wait3A_103] : memref<20480x128xbf16, #tpu.memory_space<hbm>> -> memref<20480x128xbf16, #tpu.memory_space<hbm>>
      tpu.wait_indirect_dma semaphore(%arg22 : memref<!tpu.dma_semaphore, #tpu.memory_space<semaphore_mem>>) src(%dma_wait3A_104 : memref<20480x128xbf16, #tpu.memory_space<hbm>>) dst(%arg13 : memref<128x128xbf16, #tpu.memory_space<vmem>>)
      %get3A_105 = arith.constant 64 : index
      %get3A_106 = tpu.vector_load %arg9[%get3A_105] {strides = array<i32>} : memref<128xi32, #tpu.memory_space<vmem>>, vector<16xi32>,
      %sub3A_107 = arith.subi %get3A_106, %broadcast_in_dim3A_20 : vector<16xi32>
      %swap3A_108 = arith.constant 0 : index
      %swap3A_109 = tpu.vector_load %arg11[%swap3A_108] {strides = array<i32>} : memref<64xi32, #tpu.memory_space<vmem>>, vector<16xi32>,
      tpu.vector_store %arg11[%swap3A_108], %sub3A_107 {strides = array<i32>} : memref<64xi32, #tpu.memory_space<vmem>>, vector<16xi32>,
      %get3A_110 = arith.constant 80 : index
      %get3A_111 = tpu.vector_load %arg9[%get3A_110] {strides = array<i32>} : memref<128xi32, #tpu.memory_space<vmem>>, vector<16xi32>,
      %sub3A_112 = arith.subi %get3A_111, %broadcast_in_dim3A_20 : vector<16xi32>
      %swap3A_113 = arith.constant 16 : index
      %swap3A_114 = tpu.vector_load %arg11[%swap3A_113] {strides = array<i32>} : memref<64xi32, #tpu.memory_space<vmem>>, vector<16xi32>,
      tpu.vector_store %arg11[%swap3A_113], %sub3A_112 {strides = array<i32>} : memref<64xi32, #tpu.memory_space<vmem>>, vector<16xi32>,
      %get3A_115 = arith.constant 96 : index
      %get3A_116 = tpu.vector_load %arg9[%get3A_115] {strides = array<i32>} : memref<128xi32, #tpu.memory_space<vmem>>, vector<16xi32>,
      %sub3A_117 = arith.subi %get3A_116, %broadcast_in_dim3A_20 : vector<16xi32>
      %swap3A_118 = arith.constant 32 : index
      %swap3A_119 = tpu.vector_load %arg11[%swap3A_118] {strides = array<i32>} : memref<64xi32, #tpu.memory_space<vmem>>, vector<16xi32>,
      tpu.vector_store %arg11[%swap3A_118], %sub3A_117 {strides = array<i32>} : memref<64xi32, #tpu.memory_space<vmem>>, vector<16xi32>,
      %get3A_120 = arith.constant 112 : index
      %get3A_121 = tpu.vector_load %arg9[%get3A_120] {strides = array<i32>} : memref<128xi32, #tpu.memory_space<vmem>>, vector<16xi32>,
      %sub3A_122 = arith.subi %get3A_121, %broadcast_in_dim3A_20 : vector<16xi32>
      %swap3A_123 = arith.constant 48 : index
      %swap3A_124 = tpu.vector_load %arg11[%swap3A_123] {strides = array<i32>} : memref<64xi32, #tpu.memory_space<vmem>>, vector<16xi32>,
      tpu.vector_store %arg11[%swap3A_123], %sub3A_122 {strides = array<i32>} : memref<64xi32, #tpu.memory_space<vmem>>, vector<16xi32>,
      %add3A_125 = arith.constant 2 : i32
      %add3A_126 = arith.addi %add3A_96, %add3A_125 : i32
      %lt3A_127 = arith.constant 162 : i32
      %lt3A_128 = arith.cmpi slt, %add3A_126, %lt3A_127 : i32
      %convert_element_type3A_129 = arith.extui %lt3A_128 : i1 to i32
      %cond3A_130 = arith.constant 0 : i32
      %cond3A_131 = arith.cmpi ne, %convert_element_type3A_129, %cond3A_130 : i32
      scf.if %cond3A_131 {
        %add3A_145 = arith.constant 2 : i32
        %add3A_146 = arith.addi %add3A_96, %add3A_145 : i32
        %mul3A_147 = arith.constant 2 : i32
        %mul3A_148 = arith.muli %add3A_146, %mul3A_147 : i32
        %mul3A_149 = arith.constant 64 : i32
        %mul3A_150 = arith.muli %mul3A_148, %mul3A_149 : i32
        %add3A_151 = arith.addi %mul3A_26, %mul3A_150 : i32
        %dma_start3A_152 = tpu.memref_slice %arg3[%add3A_151] : memref<663552xi32, #tpu.memory_space<hbm>> -> memref<128xi32, #tpu.memory_space<hbm>>
        %dma_start3A_153 = tpu.memref_slice %arg3[%add3A_151] : memref<663552xi32, #tpu.memory_space<hbm>> -> memref<128xi32, #tpu.memory_space<hbm>>
        tpu.enqueue_dma source(%dma_start3A_153 : memref<128xi32, #tpu.memory_space<hbm>>) target(%arg9 : memref<128xi32, #tpu.memory_space<vmem>>) target_semaphore(%arg20 : memref<!tpu.dma_semaphore, #tpu.memory_space<semaphore_mem>>)
      } else {
      }
      %add3A_132 = arith.constant 1 : i32
      %add3A_133 = arith.addi %add3A_96, %add3A_132 : i32
      %lt3A_134 = arith.constant 162 : i32
      %lt3A_135 = arith.cmpi slt, %add3A_133, %lt3A_134 : i32
      %convert_element_type3A_136 = arith.extui %lt3A_135 : i1 to i32
      %cond3A_137 = arith.constant 0 : i32
      %cond3A_138 = arith.cmpi ne, %convert_element_type3A_136, %cond3A_137 : i32
      scf.if %cond3A_138 {
        %ge3A_145 = arith.constant 1 : i32
        %ge3A_146 = arith.cmpi sge, %add3A_96, %ge3A_145 : i32
        %convert_element_type3A_147 = arith.extui %ge3A_146 : i1 to i32
        %cond3A_148 = arith.constant 0 : i32
        %cond3A_149 = arith.cmpi ne, %convert_element_type3A_147, %cond3A_148 : i32
        scf.if %cond3A_149 {
          %dma_wait3A_153 = arith.constant 0 : i32
          %dma_wait3A_154 = tpu.memref_slice %arg3[%dma_wait3A_153] : memref<663552xi32, #tpu.memory_space<hbm>> -> memref<128xi32, #tpu.memory_space<hbm>>
          %dma_wait3A_155 = arith.constant 0 : i32
          %dma_wait3A_156 = tpu.memref_slice %arg3[%dma_wait3A_155] : memref<663552xi32, #tpu.memory_space<hbm>> -> memref<128xi32, #tpu.memory_space<hbm>>
          tpu.wait_dma2 semaphore(%arg19 : memref<!tpu.dma_semaphore, #tpu.memory_space<semaphore_mem>>) src(%dma_wait3A_156 : memref<128xi32, #tpu.memory_space<hbm>>) dst(%arg8 : memref<128xi32, #tpu.memory_space<vmem>>)
        } else {
        }
        %dma_start3A_150 = arith.constant 0 : i32
        %dma_start3A_151 = arith.constant 0 : i32
        %dma_start3A_152 = tpu.memref_slice %arg2[%dma_start3A_150, %dma_start3A_151] : memref<20480x128xbf16, #tpu.memory_space<hbm>> -> memref<20480x128xbf16, #tpu.memory_space<hbm>>
        tpu.enqueue_indirect_dma source(%dma_start3A_152 : memref<20480x128xbf16, #tpu.memory_space<hbm>>) target(%arg12 : memref<128x128xbf16, #tpu.memory_space<vmem>>) offsets(%arg8 : memref<128xi32, #tpu.memory_space<vmem>>) semaphore(%arg21 : memref<!tpu.dma_semaphore, #tpu.memory_space<semaphore_mem>>)
      } else {
      }
      %parallel_loop3A_139 = arith.constant 0 : i32
      %parallel_loop3A_140 = arith.constant 64 : i32
      %parallel_loop3A_141 = arith.constant 1 : i32
      scf.for %parallel_loop3A_145 = %parallel_loop3A_139 to %parallel_loop3A_140 step %parallel_loop3A_141  : i32 {
        %parallel_loop3A_146 = arith.index_cast %parallel_loop3A_145 : i32 to index
        %parallel_loop3A_147 = arith.constant 0 : index
        %parallel_loop3A_148 = tpu.vector_load %arg13[%parallel_loop3A_146, %parallel_loop3A_147] {strides = array<i32>} : memref<128x128xbf16, #tpu.memory_space<vmem>>, vector<32xbf16>,
        %parallel_loop3A_149 = arith.constant 64 : i32
        %parallel_loop3A_150 = arith.addi %parallel_loop3A_149, %parallel_loop3A_145 : i32
        %parallel_loop3A_151 = arith.index_cast %parallel_loop3A_150 : i32 to index
        %parallel_loop3A_152 = arith.constant 0 : index
        %parallel_loop3A_153 = tpu.vector_load %arg13[%parallel_loop3A_151, %parallel_loop3A_152] {strides = array<i32>} : memref<128x128xbf16, #tpu.memory_space<vmem>>, vector<32xbf16>,
        %parallel_loop3A_154 = arith.subf %parallel_loop3A_148, %parallel_loop3A_153 : vector<32xbf16>
        %parallel_loop3A_155 = arith.constant 0.000000e+00 : bf16
        %parallel_loop3A_156 = vector.broadcast %parallel_loop3A_155 : bf16 to vector<32xbf16>
        %parallel_loop3A_157 = arith.subf %parallel_loop3A_156, %parallel_loop3A_154 : vector<32xbf16>
        %parallel_loop3A_158 = math.exp %parallel_loop3A_157 : vector<32xbf16>
        %parallel_loop3A_159 = arith.constant 1.000000e+00 : bf16
        %parallel_loop3A_160 = vector.broadcast %parallel_loop3A_159 : bf16 to vector<32xbf16>
        %parallel_loop3A_161 = arith.addf %parallel_loop3A_160, %parallel_loop3A_158 : vector<32xbf16>
        %parallel_loop3A_162 = arith.divf %parallel_loop3A_154, %parallel_loop3A_161 : vector<32xbf16>
        %parallel_loop3A_163 = tpu.unpack_subelements %parallel_loop3A_162, 0 {pack_format = #tpu.pack_format<interleaved>} : vector<32xbf16> -> vector<16xf32>
        %parallel_loop3A_164 = tpu.unpack_subelements %parallel_loop3A_162, 1 {pack_format = #tpu.pack_format<interleaved>} : vector<32xbf16> -> vector<16xf32>
        %parallel_loop3A_165 = arith.mulf %parallel_loop3A_163, %get3A_5 : vector<16xf32>
        %parallel_loop3A_166 = arith.mulf %parallel_loop3A_164, %get3A_7 : vector<16xf32>
        %parallel_loop3A_167 = arith.addf %parallel_loop3A_165, %parallel_loop3A_166 : vector<16xf32>
        %parallel_loop3A_168 = arith.index_cast %parallel_loop3A_145 : i32 to index
        %parallel_loop3A_169 = arith.constant 32 : index
        %parallel_loop3A_170 = tpu.vector_load %arg13[%parallel_loop3A_168, %parallel_loop3A_169] {strides = array<i32>} : memref<128x128xbf16, #tpu.memory_space<vmem>>, vector<32xbf16>,
        %parallel_loop3A_171 = arith.constant 64 : i32
        %parallel_loop3A_172 = arith.addi %parallel_loop3A_171, %parallel_loop3A_145 : i32
        %parallel_loop3A_173 = arith.index_cast %parallel_loop3A_172 : i32 to index
        %parallel_loop3A_174 = arith.constant 32 : index
        %parallel_loop3A_175 = tpu.vector_load %arg13[%parallel_loop3A_173, %parallel_loop3A_174] {strides = array<i32>} : memref<128x128xbf16, #tpu.memory_space<vmem>>, vector<32xbf16>,
        %parallel_loop3A_176 = arith.subf %parallel_loop3A_170, %parallel_loop3A_175 : vector<32xbf16>
        %parallel_loop3A_177 = arith.constant 0.000000e+00 : bf16
        %parallel_loop3A_178 = vector.broadcast %parallel_loop3A_177 : bf16 to vector<32xbf16>
        %parallel_loop3A_179 = arith.subf %parallel_loop3A_178, %parallel_loop3A_176 : vector<32xbf16>
        %parallel_loop3A_180 = math.exp %parallel_loop3A_179 : vector<32xbf16>
        %parallel_loop3A_181 = arith.constant 1.000000e+00 : bf16
        %parallel_loop3A_182 = vector.broadcast %parallel_loop3A_181 : bf16 to vector<32xbf16>
        %parallel_loop3A_183 = arith.addf %parallel_loop3A_182, %parallel_loop3A_180 : vector<32xbf16>
        %parallel_loop3A_184 = arith.divf %parallel_loop3A_176, %parallel_loop3A_183 : vector<32xbf16>
        %parallel_loop3A_185 = tpu.unpack_subelements %parallel_loop3A_184, 0 {pack_format = #tpu.pack_format<interleaved>} : vector<32xbf16> -> vector<16xf32>
        %parallel_loop3A_186 = tpu.unpack_subelements %parallel_loop3A_184, 1 {pack_format = #tpu.pack_format<interleaved>} : vector<32xbf16> -> vector<16xf32>
        %parallel_loop3A_187 = arith.mulf %parallel_loop3A_185, %get3A_9 : vector<16xf32>
        %parallel_loop3A_188 = arith.mulf %parallel_loop3A_186, %get3A_11 : vector<16xf32>
        %parallel_loop3A_189 = arith.addf %parallel_loop3A_187, %parallel_loop3A_188 : vector<16xf32>
        %parallel_loop3A_190 = arith.addf %parallel_loop3A_167, %parallel_loop3A_189 : vector<16xf32>
        %parallel_loop3A_191 = arith.index_cast %parallel_loop3A_145 : i32 to index
        %parallel_loop3A_192 = arith.constant 64 : index
        %parallel_loop3A_193 = tpu.vector_load %arg13[%parallel_loop3A_191, %parallel_loop3A_192] {strides = array<i32>} : memref<128x128xbf16, #tpu.memory_space<vmem>>, vector<32xbf16>,
        %parallel_loop3A_194 = arith.constant 64 : i32
        %parallel_loop3A_195 = arith.addi %parallel_loop3A_194, %parallel_loop3A_145 : i32
        %parallel_loop3A_196 = arith.index_cast %parallel_loop3A_195 : i32 to index
        %parallel_loop3A_197 = arith.constant 64 : index
        %parallel_loop3A_198 = tpu.vector_load %arg13[%parallel_loop3A_196, %parallel_loop3A_197] {strides = array<i32>} : memref<128x128xbf16, #tpu.memory_space<vmem>>, vector<32xbf16>,
        %parallel_loop3A_199 = arith.subf %parallel_loop3A_193, %parallel_loop3A_198 : vector<32xbf16>
        %parallel_loop3A_200 = arith.constant 0.000000e+00 : bf16
        %parallel_loop3A_201 = vector.broadcast %parallel_loop3A_200 : bf16 to vector<32xbf16>
        %parallel_loop3A_202 = arith.subf %parallel_loop3A_201, %parallel_loop3A_199 : vector<32xbf16>
        %parallel_loop3A_203 = math.exp %parallel_loop3A_202 : vector<32xbf16>
        %parallel_loop3A_204 = arith.constant 1.000000e+00 : bf16
        %parallel_loop3A_205 = vector.broadcast %parallel_loop3A_204 : bf16 to vector<32xbf16>
        %parallel_loop3A_206 = arith.addf %parallel_loop3A_205, %parallel_loop3A_203 : vector<32xbf16>
        %parallel_loop3A_207 = arith.divf %parallel_loop3A_199, %parallel_loop3A_206 : vector<32xbf16>
        %parallel_loop3A_208 = tpu.unpack_subelements %parallel_loop3A_207, 0 {pack_format = #tpu.pack_format<interleaved>} : vector<32xbf16> -> vector<16xf32>
        %parallel_loop3A_209 = tpu.unpack_subelements %parallel_loop3A_207, 1 {pack_format = #tpu.pack_format<interleaved>} : vector<32xbf16> -> vector<16xf32>
        %parallel_loop3A_210 = arith.mulf %parallel_loop3A_208, %get3A_13 : vector<16xf32>
        %parallel_loop3A_211 = arith.mulf %parallel_loop3A_209, %get3A_15 : vector<16xf32>
        %parallel_loop3A_212 = arith.addf %parallel_loop3A_210, %parallel_loop3A_211 : vector<16xf32>
        %parallel_loop3A_213 = arith.addf %parallel_loop3A_190, %parallel_loop3A_212 : vector<16xf32>
        %parallel_loop3A_214 = arith.index_cast %parallel_loop3A_145 : i32 to index
        %parallel_loop3A_215 = arith.constant 96 : index
        %parallel_loop3A_216 = tpu.vector_load %arg13[%parallel_loop3A_214, %parallel_loop3A_215] {strides = array<i32>} : memref<128x128xbf16, #tpu.memory_space<vmem>>, vector<32xbf16>,
        %parallel_loop3A_217 = arith.constant 64 : i32
        %parallel_loop3A_218 = arith.addi %parallel_loop3A_217, %parallel_loop3A_145 : i32
        %parallel_loop3A_219 = arith.index_cast %parallel_loop3A_218 : i32 to index
        %parallel_loop3A_220 = arith.constant 96 : index
        %parallel_loop3A_221 = tpu.vector_load %arg13[%parallel_loop3A_219, %parallel_loop3A_220] {strides = array<i32>} : memref<128x128xbf16, #tpu.memory_space<vmem>>, vector<32xbf16>,
        %parallel_loop3A_222 = arith.subf %parallel_loop3A_216, %parallel_loop3A_221 : vector<32xbf16>
        %parallel_loop3A_223 = arith.constant 0.000000e+00 : bf16
        %parallel_loop3A_224 = vector.broadcast %parallel_loop3A_223 : bf16 to vector<32xbf16>
        %parallel_loop3A_225 = arith.subf %parallel_loop3A_224, %parallel_loop3A_222 : vector<32xbf16>
        %parallel_loop3A_226 = math.exp %parallel_loop3A_225 : vector<32xbf16>
        %parallel_loop3A_227 = arith.constant 1.000000e+00 : bf16
        %parallel_loop3A_228 = vector.broadcast %parallel_loop3A_227 : bf16 to vector<32xbf16>
        %parallel_loop3A_229 = arith.addf %parallel_loop3A_228, %parallel_loop3A_226 : vector<32xbf16>
        %parallel_loop3A_230 = arith.divf %parallel_loop3A_222, %parallel_loop3A_229 : vector<32xbf16>
        %parallel_loop3A_231 = tpu.unpack_subelements %parallel_loop3A_230, 0 {pack_format = #tpu.pack_format<interleaved>} : vector<32xbf16> -> vector<16xf32>
        %parallel_loop3A_232 = tpu.unpack_subelements %parallel_loop3A_230, 1 {pack_format = #tpu.pack_format<interleaved>} : vector<32xbf16> -> vector<16xf32>
        %parallel_loop3A_233 = arith.mulf %parallel_loop3A_231, %get3A_17 : vector<16xf32>
        %parallel_loop3A_234 = arith.mulf %parallel_loop3A_232, %get3A_19 : vector<16xf32>
        %parallel_loop3A_235 = arith.addf %parallel_loop3A_233, %parallel_loop3A_234 : vector<16xf32>
        %parallel_loop3A_236 = arith.addf %parallel_loop3A_213, %parallel_loop3A_235 : vector<16xf32>
        %parallel_loop3A_237 = arith.constant true
        %parallel_loop3A_238 = vector.broadcast %parallel_loop3A_237 : i1 to vector<16xi1>
        %parallel_loop3A_239 = tpu.scan <sum>, %parallel_loop3A_236 masked %parallel_loop3A_238 : vector<16xf32>, vector<16xi1> -> vector<16xf32>
        %parallel_loop3A_240 = vector.extract %parallel_loop3A_239[15] : f32 from vector<16xf32>
        %parallel_loop3A_241 = vector.broadcast %parallel_loop3A_240 : f32 to vector<16xf32>
        %parallel_loop3A_242 = arith.addf %parallel_loop3A_241, %get3A_3 : vector<16xf32>
        %parallel_loop3A_243 = arith.constant 0.000000e+00 : f32
        %parallel_loop3A_244 = vector.broadcast %parallel_loop3A_243 : f32 to vector<16xf32>
        %parallel_loop3A_245 = arith.subf %parallel_loop3A_244, %parallel_loop3A_242 : vector<16xf32>
        %parallel_loop3A_246 = math.exp %parallel_loop3A_245 : vector<16xf32>
        %parallel_loop3A_247 = arith.constant 1.000000e+00 : f32
        %parallel_loop3A_248 = vector.broadcast %parallel_loop3A_247 : f32 to vector<16xf32>
        %parallel_loop3A_249 = arith.addf %parallel_loop3A_248, %parallel_loop3A_246 : vector<16xf32>
        %parallel_loop3A_250 = arith.divf %parallel_loop3A_242, %parallel_loop3A_249 : vector<16xf32>
        %parallel_loop3A_251 = math.exp %parallel_loop3A_250 : vector<16xf32>
        %parallel_loop3A_252 = arith.mulf %parallel_loop3A_251, %parallel_loop3A_163 : vector<16xf32>
        %parallel_loop3A_253 = arith.index_cast %parallel_loop3A_145 : i32 to index
        %parallel_loop3A_254 = arith.constant 0 : index
        %parallel_loop3A_255 = tpu.vector_load %arg15[%parallel_loop3A_253, %parallel_loop3A_254] {strides = array<i32>} : memref<64x144xf32, #tpu.memory_space<vmem>>, vector<16xf32>,
        tpu.vector_store %arg15[%parallel_loop3A_253, %parallel_loop3A_254], %parallel_loop3A_252 {strides = array<i32>} : memref<64x144xf32, #tpu.memory_space<vmem>>, vector<16xf32>,
        %parallel_loop3A_256 = arith.mulf %parallel_loop3A_251, %parallel_loop3A_164 : vector<16xf32>
        %parallel_loop3A_257 = arith.index_cast %parallel_loop3A_145 : i32 to index
        %parallel_loop3A_258 = arith.constant 16 : index
        %parallel_loop3A_259 = tpu.vector_load %arg15[%parallel_loop3A_257, %parallel_loop3A_258] {strides = array<i32>} : memref<64x144xf32, #tpu.memory_space<vmem>>, vector<16xf32>,
        tpu.vector_store %arg15[%parallel_loop3A_257, %parallel_loop3A_258], %parallel_loop3A_256 {strides = array<i32>} : memref<64x144xf32, #tpu.memory_space<vmem>>, vector<16xf32>,
        %parallel_loop3A_260 = arith.mulf %parallel_loop3A_251, %parallel_loop3A_185 : vector<16xf32>
        %parallel_loop3A_261 = arith.index_cast %parallel_loop3A_145 : i32 to index
        %parallel_loop3A_262 = arith.constant 32 : index
        %parallel_loop3A_263 = tpu.vector_load %arg15[%parallel_loop3A_261, %parallel_loop3A_262] {strides = array<i32>} : memref<64x144xf32, #tpu.memory_space<vmem>>, vector<16xf32>,
        tpu.vector_store %arg15[%parallel_loop3A_261, %parallel_loop3A_262], %parallel_loop3A_260 {strides = array<i32>} : memref<64x144xf32, #tpu.memory_space<vmem>>, vector<16xf32>,
        %parallel_loop3A_264 = arith.mulf %parallel_loop3A_251, %parallel_loop3A_186 : vector<16xf32>
        %parallel_loop3A_265 = arith.index_cast %parallel_loop3A_145 : i32 to index
        %parallel_loop3A_266 = arith.constant 48 : index
        %parallel_loop3A_267 = tpu.vector_load %arg15[%parallel_loop3A_265, %parallel_loop3A_266] {strides = array<i32>} : memref<64x144xf32, #tpu.memory_space<vmem>>, vector<16xf32>,
        tpu.vector_store %arg15[%parallel_loop3A_265, %parallel_loop3A_266], %parallel_loop3A_264 {strides = array<i32>} : memref<64x144xf32, #tpu.memory_space<vmem>>, vector<16xf32>,
        %parallel_loop3A_268 = arith.mulf %parallel_loop3A_251, %parallel_loop3A_208 : vector<16xf32>
        %parallel_loop3A_269 = arith.index_cast %parallel_loop3A_145 : i32 to index
        %parallel_loop3A_270 = arith.constant 64 : index
        %parallel_loop3A_271 = tpu.vector_load %arg15[%parallel_loop3A_269, %parallel_loop3A_270] {strides = array<i32>} : memref<64x144xf32, #tpu.memory_space<vmem>>, vector<16xf32>,
        tpu.vector_store %arg15[%parallel_loop3A_269, %parallel_loop3A_270], %parallel_loop3A_268 {strides = array<i32>} : memref<64x144xf32, #tpu.memory_space<vmem>>, vector<16xf32>,
        %parallel_loop3A_272 = arith.mulf %parallel_loop3A_251, %parallel_loop3A_209 : vector<16xf32>
        %parallel_loop3A_273 = arith.index_cast %parallel_loop3A_145 : i32 to index
        %parallel_loop3A_274 = arith.constant 80 : index
        %parallel_loop3A_275 = tpu.vector_load %arg15[%parallel_loop3A_273, %parallel_loop3A_274] {strides = array<i32>} : memref<64x144xf32, #tpu.memory_space<vmem>>, vector<16xf32>,
        tpu.vector_store %arg15[%parallel_loop3A_273, %parallel_loop3A_274], %parallel_loop3A_272 {strides = array<i32>} : memref<64x144xf32, #tpu.memory_space<vmem>>, vector<16xf32>,
        %parallel_loop3A_276 = arith.mulf %parallel_loop3A_251, %parallel_loop3A_231 : vector<16xf32>
        %parallel_loop3A_277 = arith.index_cast %parallel_loop3A_145 : i32 to index
        %parallel_loop3A_278 = arith.constant 96 : index
        %parallel_loop3A_279 = tpu.vector_load %arg15[%parallel_loop3A_277, %parallel_loop3A_278] {strides = array<i32>} : memref<64x144xf32, #tpu.memory_space<vmem>>, vector<16xf32>,
        tpu.vector_store %arg15[%parallel_loop3A_277, %parallel_loop3A_278], %parallel_loop3A_276 {strides = array<i32>} : memref<64x144xf32, #tpu.memory_space<vmem>>, vector<16xf32>,
        %parallel_loop3A_280 = arith.mulf %parallel_loop3A_251, %parallel_loop3A_232 : vector<16xf32>
        %parallel_loop3A_281 = arith.index_cast %parallel_loop3A_145 : i32 to index
        %parallel_loop3A_282 = arith.constant 112 : index
        %parallel_loop3A_283 = tpu.vector_load %arg15[%parallel_loop3A_281, %parallel_loop3A_282] {strides = array<i32>} : memref<64x144xf32, #tpu.memory_space<vmem>>, vector<16xf32>,
        tpu.vector_store %arg15[%parallel_loop3A_281, %parallel_loop3A_282], %parallel_loop3A_280 {strides = array<i32>} : memref<64x144xf32, #tpu.memory_space<vmem>>, vector<16xf32>,
        %parallel_loop3A_284 = arith.index_cast %parallel_loop3A_145 : i32 to index
        %parallel_loop3A_285 = arith.constant 128 : index
        %parallel_loop3A_286 = tpu.vector_load %arg15[%parallel_loop3A_284, %parallel_loop3A_285] {strides = array<i32>} : memref<64x144xf32, #tpu.memory_space<vmem>>, vector<16xf32>,
        tpu.vector_store %arg15[%parallel_loop3A_284, %parallel_loop3A_285], %parallel_loop3A_251 {strides = array<i32>} : memref<64x144xf32, #tpu.memory_space<vmem>>, vector<16xf32>,
      } {sc.loop_unroll_factor = 3 : i64, sc.parallel_access}
      %dma_start3A_142 = arith.constant 0 : i32
      %dma_start3A_143 = arith.constant 0 : i32
      %dma_start3A_144 = tpu.memref_slice %arg18[%dma_start3A_142, %dma_start3A_143] : memref<10224x144xf32, #tpu.memory_space<vmem_shared>> -> memref<10224x144xf32, #tpu.memory_space<vmem_shared>>
      tpu.enqueue_indirect_dma source(%arg15 : memref<64x144xf32, #tpu.memory_space<vmem>>) target(%dma_start3A_144 : memref<10224x144xf32, #tpu.memory_space<vmem_shared>>) offsets(%arg11 : memref<64xi32, #tpu.memory_space<vmem>>) semaphore(%arg24 : memref<!tpu.dma_semaphore, #tpu.memory_space<semaphore_mem>>) {add = true}
    }
    %scan3A_36 = arith.constant 81 : i32
    %dma_wait3A = arith.constant 0 : i32
    %dma_wait3A_37 = arith.constant 0 : i32
    %dma_wait3A_38 = tpu.memref_slice %arg18[%dma_wait3A, %dma_wait3A_37] : memref<10224x144xf32, #tpu.memory_space<vmem_shared>> -> memref<10224x144xf32, #tpu.memory_space<vmem_shared>>
    tpu.wait_indirect_dma semaphore(%arg23 : memref<!tpu.dma_semaphore, #tpu.memory_space<semaphore_mem>>) src(%arg14 : memref<64x144xf32, #tpu.memory_space<vmem>>) dst(%dma_wait3A_38 : memref<10224x144xf32, #tpu.memory_space<vmem_shared>>)
    %dma_wait3A_39 = arith.constant 0 : i32
    %dma_wait3A_40 = arith.constant 0 : i32
    %dma_wait3A_41 = tpu.memref_slice %arg18[%dma_wait3A_39, %dma_wait3A_40] : memref<10224x144xf32, #tpu.memory_space<vmem_shared>> -> memref<10224x144xf32, #tpu.memory_space<vmem_shared>>
    tpu.wait_indirect_dma semaphore(%arg24 : memref<!tpu.dma_semaphore, #tpu.memory_space<semaphore_mem>>) src(%arg15 : memref<64x144xf32, #tpu.memory_space<vmem>>) dst(%dma_wait3A_41 : memref<10224x144xf32, #tpu.memory_space<vmem_shared>>)
    %barrier3A_42 = arith.constant 0 : index
    tpu.barrier barrier_id(%barrier3A_42)
    %mul3A_43 = arith.constant 639 : i32
    %mul3A_44 = arith.muli %arg1, %mul3A_43 : i32
    %mul3A_45 = arith.constant 639 : i32
    %mul3A_46 = arith.muli %arg1, %mul3A_45 : i32
    "tpu.region"() ({
      %run_scoped3A = tpu.sem_alloc : memref<!tpu.dma_semaphore, #tpu.memory_space<semaphore_mem>>
      %dma_start3A_47 = arith.constant 0 : i32
      %dma_start3A_48 = tpu.memref_slice %arg7[%arg0, %mul3A_46, %dma_start3A_47] : memref<2x10224x144xf32, #tpu.memory_space<hbm>> -> memref<1x639x144xf32, #tpu.memory_space<hbm>>
      %dma_start3A_49 = tpu.memref_squeeze %dma_start3A_48 : memref<1x639x144xf32, #tpu.memory_space<hbm>> -> memref<639x144xf32, #tpu.memory_space<hbm>>
      %dma_start3A_50 = arith.constant 0 : i32
      %dma_start3A_51 = tpu.memref_slice %arg18[%mul3A_44, %dma_start3A_50] : memref<10224x144xf32, #tpu.memory_space<vmem_shared>> -> memref<639x144xf32, #tpu.memory_space<vmem_shared>>
      tpu.enqueue_dma source(%dma_start3A_51 : memref<639x144xf32, #tpu.memory_space<vmem_shared>>) target(%dma_start3A_49 : memref<639x144xf32, #tpu.memory_space<hbm>>) target_semaphore(%run_scoped3A : memref<!tpu.dma_semaphore, #tpu.memory_space<semaphore_mem>>)
      %dma_wait3A_52 = arith.constant 0 : i32
      %dma_wait3A_53 = tpu.memref_slice %arg7[%arg0, %mul3A_46, %dma_wait3A_52] : memref<2x10224x144xf32, #tpu.memory_space<hbm>> -> memref<1x639x144xf32, #tpu.memory_space<hbm>>
      %dma_wait3A_54 = tpu.memref_squeeze %dma_wait3A_53 : memref<1x639x144xf32, #tpu.memory_space<hbm>> -> memref<639x144xf32, #tpu.memory_space<hbm>>
      %dma_wait3A_55 = arith.constant 0 : i32
      %dma_wait3A_56 = tpu.memref_slice %arg18[%mul3A_44, %dma_wait3A_55] : memref<10224x144xf32, #tpu.memory_space<vmem_shared>> -> memref<639x144xf32, #tpu.memory_space<vmem_shared>>
      tpu.wait_dma2 semaphore(%run_scoped3A : memref<!tpu.dma_semaphore, #tpu.memory_space<semaphore_mem>>) src(%dma_wait3A_56 : memref<639x144xf32, #tpu.memory_space<vmem_shared>>) dst(%dma_wait3A_54 : memref<639x144xf32, #tpu.memory_space<hbm>>)
      tpu.yield
    }) : () -> ()
    return
  }
}

module attributes {stable_mosaic.version = 14 : i64} {
  func.func @_u_body(%arg0: i32, %arg1: memref<2048x128xf32, #tpu.memory_space<vmem>>, %arg2: memref<2048x8xf32, #tpu.memory_space<vmem>>, %arg3: memref<128x128xf32, #tpu.memory_space<vmem>>, %arg4: memref<8x128xf32, #tpu.memory_space<vmem>>, %arg5: memref<1x128xf32, #tpu.memory_space<vmem>>, %arg6: memref<2048x128xbf16, #tpu.memory_space<vmem>>) attributes {dimension_semantics = [#tpu.dimension_semantics<arbitrary>], iteration_bounds = array<i64: 10>, scalar_prefetch = 0 : i64, scratch_operands = 0 : i64, tpu.core_type = #tpu.core_type<tc>, window_params = [{transform_indices = @transform_0, window_bounds = array<i64: 2048, 128>}, {transform_indices = @transform_1, window_bounds = array<i64: 2048, 8>}, {pipeline_mode = #tpu.pipeline_mode<synchronous>, transform_indices = @transform_2, window_bounds = array<i64: 128, 128>}, {pipeline_mode = #tpu.pipeline_mode<synchronous>, transform_indices = @transform_3, window_bounds = array<i64: 8, 128>}, {pipeline_mode = #tpu.pipeline_mode<synchronous>, transform_indices = @transform_4, window_bounds = array<i64: 1, 128>}, {transform_indices = @transform_5, window_bounds = array<i64: 2048, 128>}]} {
    %get3A = arith.constant 0 : index
    %get3A_0 = arith.constant 0 : index
    %get3A_1 = vector.load %arg2[%get3A, %get3A_0] : memref<2048x8xf32, #tpu.memory_space<vmem>>, vector<2048x8xf32>
    %get3A_2 = arith.constant 0 : index
    %get3A_3 = arith.constant 0 : index
    %get3A_4 = vector.load %arg4[%get3A_2, %get3A_3] : memref<8x128xf32, #tpu.memory_space<vmem>>, vector<8x128xf32>
    %dot_general3A = arith.constant dense<0.000000e+00> : vector<2048x128xf32>
    %dot_general3A_5 = tpu.matmul %get3A_1, %get3A_4, %dot_general3A {dimension_numbers = #tpu.dot_dimension_numbers<[1], [0], [0], [1], [0, 0, 1, 1], [], []>, transpose_lhs_hint = false} : vector<2048x8xf32>, vector<8x128xf32>, vector<2048x128xf32> -> vector<2048x128xf32>
    %lt3A = arith.constant 5 : i32
    %lt3A_6 = arith.cmpi slt, %arg0, %lt3A : i32
    %convert_element_type3A = arith.extui %lt3A_6 : i1 to i32
    %cond3A = arith.constant 0 : i32
    %cond3A_7 = arith.cmpi ne, %convert_element_type3A, %cond3A : i32
    scf.if %cond3A_7 {
      %get3A_12 = arith.constant 0 : index
      %get3A_13 = arith.constant 0 : index
      %get3A_14 = vector.load %arg1[%get3A_12, %get3A_13] : memref<2048x128xf32, #tpu.memory_space<vmem>>, vector<2048x128xf32>
      %get3A_15 = arith.constant 0 : index
      %get3A_16 = arith.constant 0 : index
      %get3A_17 = vector.load %arg3[%get3A_15, %get3A_16] : memref<128x128xf32, #tpu.memory_space<vmem>>, vector<128x128xf32>
      %dot_general3A_18 = arith.constant dense<0.000000e+00> : vector<2048x128xf32>
      %dot_general3A_19 = tpu.matmul %get3A_14, %get3A_17, %dot_general3A_18 {dimension_numbers = #tpu.dot_dimension_numbers<[1], [0], [0], [1], [0, 0, 1, 1], [], []>, transpose_lhs_hint = false} : vector<2048x128xf32>, vector<128x128xf32>, vector<2048x128xf32> -> vector<2048x128xf32>
      %add3A = arith.addf %dot_general3A_19, %dot_general3A_5 : vector<2048x128xf32>
      %get3A_20 = arith.constant 0 : index
      %get3A_21 = arith.constant 0 : index
      %get3A_22 = vector.load %arg5[%get3A_20, %get3A_21] : memref<1x128xf32, #tpu.memory_space<vmem>>, vector<1x128xf32>
      %add3A_23 = vector.broadcast %get3A_22 : vector<1x128xf32> to vector<2048x128xf32>
      %add3A_24 = arith.addf %add3A, %add3A_23 : vector<2048x128xf32>
      %convert_element_type3A_25 = arith.truncf %add3A_24 : vector<2048x128xf32> to vector<2048x128xbf16>
      %swap3A = arith.constant 0 : index
      %swap3A_26 = arith.constant 0 : index
      %swap3A_27 = vector.load %arg6[%swap3A, %swap3A_26] : memref<2048x128xbf16, #tpu.memory_space<vmem>>, vector<2048x128xbf16>
      tpu.vector_store %arg6[%swap3A, %swap3A_26], %convert_element_type3A_25 {strides = array<i32>} : memref<2048x128xbf16, #tpu.memory_space<vmem>>, vector<2048x128xbf16>,
    } else {
    }
    %ge3A = arith.constant 5 : i32
    %ge3A_8 = arith.cmpi sge, %arg0, %ge3A : i32
    %convert_element_type3A_9 = arith.extui %ge3A_8 : i1 to i32
    %cond3A_10 = arith.constant 0 : i32
    %cond3A_11 = arith.cmpi ne, %convert_element_type3A_9, %cond3A_10 : i32
    scf.if %cond3A_11 {
      %convert_element_type3A_12 = arith.truncf %dot_general3A_5 : vector<2048x128xf32> to vector<2048x128xbf16>
      %swap3A = arith.constant 0 : index
      %swap3A_13 = arith.constant 0 : index
      %swap3A_14 = vector.load %arg6[%swap3A, %swap3A_13] : memref<2048x128xbf16, #tpu.memory_space<vmem>>, vector<2048x128xbf16>
      tpu.vector_store %arg6[%swap3A, %swap3A_13], %convert_element_type3A_12 {strides = array<i32>} : memref<2048x128xbf16, #tpu.memory_space<vmem>>, vector<2048x128xbf16>,
    } else {
    }
    return
  }
  func.func @transform_0(%arg0: i32) -> (i32, i32) {
    %jit3A = arith.constant 5 : i32
    %eq3A = arith.constant 0 : i32
    %eq3A_0 = arith.cmpi eq, %jit3A, %eq3A : i32
    %jit3A_1 = arith.constant 1 : i32
    %select_n3A = arith.select %eq3A_0, %jit3A_1, %jit3A : i32
    %rem3A = arith.remsi %arg0, %select_n3A : i32
    %ne3A = arith.constant 0 : i32
    %ne3A_2 = arith.cmpi ne, %rem3A, %ne3A : i32
    %lt3A = arith.constant 0 : i32
    %lt3A_3 = arith.cmpi slt, %rem3A, %lt3A : i32
    %lt3A_4 = arith.constant 0 : i32
    %lt3A_5 = arith.cmpi slt, %select_n3A, %lt3A_4 : i32
    %ne3A_6 = arith.xori %lt3A_3, %lt3A_5 : i1
    %and3A = arith.andi %ne3A_6, %ne3A_2 : i1
    %add3A = arith.addi %rem3A, %select_n3A : i32
    %select_n3A_7 = arith.select %and3A, %add3A, %rem3A : i32
    %c0_i32 = arith.constant 0 : i32
    %c0_i32_8 = arith.constant 0 : i32
    return %select_n3A_7, %c0_i32 : i32, i32
  }
  func.func @transform_1(%arg0: i32) -> (i32, i32) {
    %jit3A = arith.constant 5 : i32
    %eq3A = arith.constant 0 : i32
    %eq3A_0 = arith.cmpi eq, %jit3A, %eq3A : i32
    %jit3A_1 = arith.constant 1 : i32
    %select_n3A = arith.select %eq3A_0, %jit3A_1, %jit3A : i32
    %rem3A = arith.remsi %arg0, %select_n3A : i32
    %ne3A = arith.constant 0 : i32
    %ne3A_2 = arith.cmpi ne, %rem3A, %ne3A : i32
    %lt3A = arith.constant 0 : i32
    %lt3A_3 = arith.cmpi slt, %rem3A, %lt3A : i32
    %lt3A_4 = arith.constant 0 : i32
    %lt3A_5 = arith.cmpi slt, %select_n3A, %lt3A_4 : i32
    %ne3A_6 = arith.xori %lt3A_3, %lt3A_5 : i1
    %and3A = arith.andi %ne3A_6, %ne3A_2 : i1
    %add3A = arith.addi %rem3A, %select_n3A : i32
    %select_n3A_7 = arith.select %and3A, %add3A, %rem3A : i32
    %c0_i32 = arith.constant 0 : i32
    %c0_i32_8 = arith.constant 0 : i32
    return %select_n3A_7, %c0_i32 : i32, i32
  }
  func.func @transform_2(%arg0: i32) -> (i32, i32) {
    %c0_i32 = arith.constant 0 : i32
    %c0_i32_0 = arith.constant 0 : i32
    %c0_i32_1 = arith.constant 0 : i32
    return %c0_i32, %c0_i32_0 : i32, i32
  }
  func.func @transform_3(%arg0: i32) -> (i32, i32) {
    %c0_i32 = arith.constant 0 : i32
    %c0_i32_0 = arith.constant 0 : i32
    %c0_i32_1 = arith.constant 0 : i32
    return %c0_i32, %c0_i32_0 : i32, i32
  }
  func.func @transform_4(%arg0: i32) -> (i32, i32) {
    %c0_i32 = arith.constant 0 : i32
    %c0_i32_0 = arith.constant 0 : i32
    %c0_i32_1 = arith.constant 0 : i32
    return %c0_i32, %c0_i32_0 : i32, i32
  }
  func.func @transform_5(%arg0: i32) -> (i32, i32) {
    %c0_i32 = arith.constant 0 : i32
    %c0_i32_0 = arith.constant 0 : i32
    return %arg0, %c0_i32 : i32, i32
  }
}

module attributes {stable_mosaic.version = 14 : i64} {
  func.func @_combine_body(%arg0: i32, %arg1: memref<2048x144xf32, #tpu.memory_space<vmem>>, %arg2: memref<2048x144xf32, #tpu.memory_space<vmem>>, %arg3: memref<2048x128xf32, #tpu.memory_space<vmem>>) attributes {dimension_semantics = [#tpu.dimension_semantics<arbitrary>], iteration_bounds = array<i64: 5>, scalar_prefetch = 0 : i64, scratch_operands = 0 : i64, tpu.core_type = #tpu.core_type<tc>, window_params = [{transform_indices = @transform_0, window_bounds = array<i64: 2048, 144>}, {transform_indices = @transform_1, window_bounds = array<i64: 2048, 144>}, {transform_indices = @transform_2, window_bounds = array<i64: 2048, 128>}]} {
    %get3A = arith.constant 0 : index
    %get3A_0 = arith.constant 0 : index
    %get3A_1 = vector.load %arg1[%get3A, %get3A_0] : memref<2048x144xf32, #tpu.memory_space<vmem>>, vector<2048x144xf32>
    %get3A_2 = arith.constant 0 : index
    %get3A_3 = arith.constant 0 : index
    %get3A_4 = vector.load %arg2[%get3A_2, %get3A_3] : memref<2048x144xf32, #tpu.memory_space<vmem>>, vector<2048x144xf32>
    %add3A = arith.addf %get3A_1, %get3A_4 : vector<2048x144xf32>
    %slice3A = vector.extract_strided_slice %add3A {offsets = [0, 0], sizes = [2048, 128], strides = [1, 1]} : vector<2048x144xf32> to vector<2048x128xf32>
    %slice3A_5 = vector.extract_strided_slice %add3A {offsets = [0, 128], sizes = [2048, 1], strides = [1, 1]} : vector<2048x144xf32> to vector<2048x1xf32>
    %add3A_6 = arith.constant 1.000000e-16 : f32
    %add3A_7 = vector.broadcast %add3A_6 : f32 to vector<2048x1xf32>
    %add3A_8 = arith.addf %slice3A_5, %add3A_7 : vector<2048x1xf32>
    %div3A = vector.broadcast %add3A_8 : vector<2048x1xf32> to vector<2048x128xf32>
    %div3A_9 = arith.divf %slice3A, %div3A : vector<2048x128xf32>
    %swap3A = arith.constant 0 : index
    %swap3A_10 = arith.constant 0 : index
    %swap3A_11 = vector.load %arg3[%swap3A, %swap3A_10] : memref<2048x128xf32, #tpu.memory_space<vmem>>, vector<2048x128xf32>
    tpu.vector_store %arg3[%swap3A, %swap3A_10], %div3A_9 {strides = array<i32>} : memref<2048x128xf32, #tpu.memory_space<vmem>>, vector<2048x128xf32>,
    return
  }
  func.func @transform_0(%arg0: i32) -> (i32, i32) {
    %c0_i32 = arith.constant 0 : i32
    %c0_i32_0 = arith.constant 0 : i32
    return %arg0, %c0_i32 : i32, i32
  }
  func.func @transform_1(%arg0: i32) -> (i32, i32) {
    %c0_i32 = arith.constant 0 : i32
    %c0_i32_0 = arith.constant 0 : i32
    return %arg0, %c0_i32 : i32, i32
  }
  func.func @transform_2(%arg0: i32) -> (i32, i32) {
    %c0_i32 = arith.constant 0 : i32
    %c0_i32_0 = arith.constant 0 : i32
    return %arg0, %c0_i32 : i32, i32
  }
}

</mosaic_0001>

<sc_bundles>
// kernel: kernel.5.cloned.1.call-start
scs
__scs_entry_jumppad:
0x0: {  	(pc) =	sbr.rel $0x88, $3  }
0x1: {  	(tag) =	ssettag $0x0;
	lr =	simm.s32 $0x1  }
0x2: {  	[smem:$0x3F9A] =	sst lr;
	_ =	strace $0xD0000000  }
0x3: {  	_ = 	snop  }
0x4: {  	_ = 	snop  }
0x5: {  	_ = 	snop  }
0x6: {  	_ = 	snop  }
0x7: {  	_ = 	snop  }
__scs_overlays_trampoline_lowered:
0x8: {  	[smem:$0x3FA9] =	sst s0  }
0x9: {  	[smem:$0x3FAA] =	sst s1  }
0xa: {  	[smem:$0x3FAB] =	sst s2  }
0xb: {  	[smem:$0x3FAC] =	sst s3  }
0xc: {  	[smem:$0x3FAD] =	sst s4  }
0xd: {  	[smem:$0x3FAE] =	sst s5  }
0xe: {  	[smem:$0x3FAF] =	sst s6  }
0xf: {  	[smem:$0x3FB0] =	sst s7  }
0x10: {  	[smem:$0x3FB1] =	sst s8  }
0x11: {  	[smem:$0x3FB2] =	sst s9;
	s0 =	simm.s32 @!p0 $0x0  }
0x12: {  	s1 =	sld [smem:$0x3F98];
	s0 =	simm.s32 @p0 $0x1  }
0x13: {  	[smem:$0x3FB3] =	sst s0;
	s0 =	simm.s32 @!p1 $0x0  }
0x14: {  	s2 =	sld [smem:$0x3F97];
	s0 =	simm.s32 @p1 $0x1  }
0x15: {  	[smem:$0x3FB4] =	sst s0;
	s0 =	simm.s32 @!p2 $0x0  }
0x16: {  	s3 =	sld [smem:$0x3FDB];
	s0 =	simm.s32 @p2 $0x1  }
0x17: {  	s4 =	simm.s32 $0x1BF5;
	[smem:$0x3FB6] =	sst s0  }
0x18: {  	s0 =	sld [smem:$0x3F99];
	_ =	swait.ge [sflag:s4], $0x0  }
0x19: {  	s7 =	sld [smem:$0x3F9A]  }
0x1a: {  	s8 =	sadd.s32 $0xFFFFE003, lr  }
0x1b: {  	s9 =	sadd.s32 $0xFFFFFEF7, lr;
	s5 =	simm.s32 $0xFFFFFFFF;
	p2 =	slt.u32 s8, $0xFFFFF086  }
0x1c: {  	p1 =	slt.u32 s9, $0xF7A;
	s5 =	simm.s32 @!p2 $0x0  }
0x1d: {  	s5 =	simm.s32 @p1 $0x1;
	p0 =	seq.s32 s7, s2  }
0x1e: {  	s7 =	smul.u32 @!p0 $0xF7A, s2;
	p2 =	seq.s32 @!p0 s5, $0x0  }
0x1f: {  	s9 =	smul.u32 $0xF7A, s1;
	s8 =	simm.s32 @!p0 $0x1BF5;
	p2 =	por !p2, p0  }
0x20: {  	[sflag:s8] =	ssyncset.s32 @!p0 $0xFFFFF086;
	s6 =	sadd.s32 @!p0 s3, s7;
	s7 =	simm.s32 @!p0 $0x108  }
0x21: {  	s3 =	sadd.s32 s3, s9;
	s6 =	sadd.s32 @!p0 $0x88, s6;
	s7 =	simm.s32 @p2 $0x1082  }
0x22: {  	[simem:s7], [sflag:s8] =	dma.local @!p0 [hbm:s6], $0xF7A  }
0x23: {  	s9 =	sor.u32 $0xD0000000, s2;
	s6 =	simm.s32 $0x108;
	_ =	swait.ge @!p0 [sflag:s8], $0x0  }
0x24: {  	s3 =	sadd.s32 $0x88, s3;
	s6 =	simm.s32 @!p1 $0x1082;
	[sflag:s4] =	ssyncset.s32 $0xFFFFF086  }
0x25: {  	[simem:s6], [sflag:s4] =	dma.local [hbm:s3], $0xF7A  }
0x26: {  	[smem:$0x3F9A] =	sst s1;
	(tag) =	ssettag s2;
	_ =	strace s9  }
0x27: {  	s1 =	sld [smem:$0x3FAA]  }
0x28: {  	s2 =	sld [smem:$0x3FAB]  }
0x29: {  	s4 =	sld [smem:$0x3FAD]  }
0x2a: {  	p0 =	seq.s32 s5, $0x0;
	s5 =	sld [smem:$0x3FAE]  }
0x2b: {  	s6 =	sld [smem:$0x3FAF]  }
0x2c: {  	s7 =	sld [smem:$0x3FB0]  }
0x2d: {  	s3 =	simm.s32 $0x108;
	s8 =	sld [smem:$0x3FB1]  }
0x2e: {  	s3 =	simm.s32 @!p0 $0x1082;
	s9 =	sld [smem:$0x3FB2]  }
0x2f: {  	lr =	sadd.s32 s0, s3;
	s0 =	sld [smem:$0x3FA9]  }
0x30: {  	s3 =	sld [smem:$0x3FAC]  }
0x31: {  	[smem:$0x3FB5] =	sst s10  }
0x32: {  	s10 =	sld [smem:$0x3FB3];
	_ =	sdelay $0x3  }
0x33: {  	p0 =	seq.s32 s10, $0x1;
	s10 =	sld [smem:$0x3FB5];
	_ =	sdelay $0x3  }
0x34: {  	[smem:$0x3FB5] =	sst s10  }
0x35: {  	s10 =	sld [smem:$0x3FB4];
	_ =	sdelay $0x3  }
0x36: {  	p1 =	seq.s32 s10, $0x1;
	s10 =	sld [smem:$0x3FB5];
	_ =	sdelay $0x3  }
0x37: {  	[smem:$0x3FB5] =	sst s10  }
0x38: {  	s10 =	sld [smem:$0x3FB6]  }
0x39: {  	_ = 	snop;
	(pc) =	sbr.ind lr, $3  }
0x3a: {  	_ = 	snop  }
0x3b: {  	_ = 	snop  }
0x3c: {  	p2 =	seq.s32 s10, $0x1;
	s10 =	sld [smem:$0x3FB5]  }
0x3d: {  	_ =	shalt  }
0x3e: {  	_ =	shalt  }
0x3f: {  	_ =	shalt  }
0x40: {  	_ =	shalt  }
0x41: {  	_ =	shalt  }
0x42: {  	_ =	shalt  }
0x43: {  	_ =	shalt  }
0x44: {  	_ =	shalt  }
0x45: {  	_ =	shalt  }
0x46: {  	_ =	shalt  }
0x47: {  	_ =	shalt  }
0x48: {  	_ =	shalt  }
0x49: {  	_ =	shalt  }
0x4a: {  	_ =	shalt  }
0x4b: {  	_ =	shalt  }
0x4c: {  	_ =	shalt  }
0x4d: {  	_ =	shalt  }
0x4e: {  	_ =	shalt  }
0x4f: {  	_ =	shalt  }
0x50: {  	_ =	shalt  }
0x51: {  	_ =	shalt  }
0x52: {  	_ =	shalt  }
0x53: {  	_ =	shalt  }
0x54: {  	_ =	shalt  }
0x55: {  	_ =	shalt  }
0x56: {  	_ =	shalt  }
0x57: {  	_ =	shalt  }
0x58: {  	_ =	shalt  }
0x59: {  	_ =	shalt  }
0x5a: {  	_ =	shalt  }
0x5b: {  	_ =	shalt  }
0x5c: {  	_ =	shalt  }
0x5d: {  	_ =	shalt  }
0x5e: {  	_ =	shalt  }
0x5f: {  	_ =	shalt  }
0x60: {  	_ =	shalt  }
0x61: {  	_ =	shalt  }
0x62: {  	_ =	shalt  }
0x63: {  	_ =	shalt  }
0x64: {  	_ =	shalt  }
0x65: {  	_ =	shalt  }
0x66: {  	_ =	shalt  }
0x67: {  	_ =	shalt  }
0x68: {  	_ =	shalt  }
0x69: {  	_ =	shalt  }
0x6a: {  	_ =	shalt  }
0x6b: {  	_ =	shalt  }
0x6c: {  	_ =	shalt  }
0x6d: {  	_ =	shalt  }
0x6e: {  	_ =	shalt  }
0x6f: {  	_ =	shalt  }
0x70: {  	_ =	shalt  }
0x71: {  	_ =	shalt  }
0x72: {  	_ =	shalt  }
0x73: {  	_ =	shalt  }
0x74: {  	_ =	shalt  }
0x75: {  	_ =	shalt  }
0x76: {  	_ =	shalt  }
0x77: {  	_ =	shalt  }
0x78: {  	_ =	shalt  }
0x79: {  	_ =	shalt  }
0x7a: {  	_ =	shalt  }
0x7b: {  	_ =	shalt  }
0x7c: {  	_ =	shalt  }
0x7d: {  	_ =	shalt  }
0x7e: {  	_ =	shalt  }
0x7f: {  	_ =	shalt  }
0x80: {  	_ =	shalt  }
0x81: {  	_ =	shalt  }
0x82: {  	_ =	shalt  }
0x83: {  	_ =	shalt  }
0x84: {  	_ =	shalt  }
0x85: {  	_ =	shalt  }
0x86: {  	_ =	shalt  }
0x87: {  	_ =	shalt  }
.Lfunc_end0:
.L_simem_size_0:
called_computation_lowered:
.L_overlay_start_0:
0x88: {  	s2 =	sld [smem:$0x3FD9]  }
0x89: {  	s3 =	sld [smem:$0x3FFE];
	_ =	sdelay $0x1  }
0x8a: {  	s1 =	srdreg.scid  }
0x8b: {  	s0 =	sand.u32 $0x1, s1  }
0x8c: {  	s17 =	sshll.u32 s0, $0xA;
	s2 =	sadd.s32 s3, s2  }
0x8d: {  	s2 =	sadd.s32 s2, s17  }
0x8e: {  	[smem:$0x3FC1] =	sst s2  }
0x8f: {  	_ = 	snop  }
0x90: {  	s2 =	sld [smem:$0x3FC5]  }
0x91: {  	s18 =	sld [smem:$0x3FD0];
	(tm) =	ssettm $0x1  }
0x92: {  	s4 =	sld [smem:$0x3FFB];
	_ =	sdelay $0x3  }
0x93: {  	_ =	strace s4  }
0x94: {  	s4 =	sld [smem:$0x3FFC];
	_ =	sdelay $0x3  }
0x95: {  	_ =	strace s4  }
0x96: {  	s4 =	sld [smem:$0x3FFD];
	_ =	sdelay $0x3  }
0x97: {  	_ =	strace s4  }
0x98: {  	_ =	strace $0x8FFFFFFF  }
0x99: {  	s19 =	sld [smem:$0x3FDB];
	_ =	sdelay $0x1  }
0x9a: {  	s5 =	simm.s32 $_scs_section_size  }
0x9b: {  	s6 =	simm.s32 $_size__tile_overlayer_lowered;
	s7 =	simm.s32 $_tile_overlayer_lowered  }
0x9c: {  	s22 =	simm.s32 $0x1BFF;
	s21 =	sshll.u32 s7, $0x1;
	s4 =	sadd.s32 s5, s19  }
0x9d: {  	s8 =	simm.s32 $0x0;
	s20 =	sshll.u32 s6, $0x1;
	s6 =	sadd.s32 s21, s4  }
0x9e: {  	[timem:s8], [sflag:s22] =	dma.local [hbm:s6], s20  }
0x9f: {  	_ =	swait.ge [sflag:s22], s20  }
0xa0: {  	s5 =	ssub.s32 $0x0, s20;
	[sflag:s22] =	ssyncset.done $0x0  }
0xa1: {  	[sflag:s22] =	ssyncadd.s32 s5;
	_ =	sdelay $0x1  }
0xa2: {  	s23 =	simm.s32 $0x1B8B  }
0xa3: {  	_ =	swait.ge [sflag:s23], $0x1  }
0xa4: {  	[sflag:s23] =	ssyncset.done $0x0  }
0xa5: {  	s25 =	simm.s32 $0x1B8E;
	s24 =	sld [smem:$0x3FFE];
	[sflag:s23] =	ssyncadd.s32 $0xFFFFFFFF  }
0xa6: {  	s26 =	simm.s32 $execute0_lowered;
	[smem:$0x3FD2] =	sst s25  }
0xa7: {  	s6 =	sshll.u32 s26, $0x1;
	_ =	strace $0x80000046;
	[dreg:$0x1] =	wrdreg $0xFFFFFFFF  }
0xa8: {  	s28 =	simm.s32 $_size_execute0_lowered;
	s4 =	sadd.s32 s4, s6;
	[dreg:$0x0] =	wrdreg $0x0  }
0xa9: {  	s6 =	sshll.u32 s28, $0x1;
	[dreg:$0x2] =	wrdreg s4  }
0xaa: {  	[dreg:$0x3] =	wrdreg s6  }
0xab: {  	[dreg:$0x4] =	wrdreg $0xC0  }
0xac: {  	_ =	task [dreg:s8], $0x5FFFF  }
0xad: {  	[dreg:$0x1] =	wrdreg $0xFFFFFFFF  }
0xae: {  	[dreg:$0x0] =	wrdreg $0x60  }
0xaf: {  	[dreg:$0x2] =	wrdreg s24  }
0xb0: {  	[dreg:$0x3] =	wrdreg s18  }
0xb1: {  	[dreg:$0x4] =	wrdreg s2  }
0xb2: {  	[dreg:$0x5] =	wrdreg $0x8A100  }
0xb3: {  	[dreg:$0x6] =	wrdreg $0x9  }
0xb4: {  	_ =	task.clear_ibuf [dreg:s8], $0x7FFFF;
	_ =	strace $0x90000046  }
0xb5: {  	s29 =	simm.s32 $0x9;
	_ =	strace $0x80000048  }
0xb6: {  	_ =	swait.ge [sflag:s29], $0x1  }
0xb7: {  	[sflag:s29] =	ssyncadd.s32 $0xFFFFFFFF  }
0xb8: {  	_ =	strace $0x90000048  }
0xb9: {  	_ =	sfence  }
0xba: {  	s30 =	sld [smem:$0x0];
	_ =	sdelay $0x2  }
0xbb: {  	s31 =	sshll.u32 s1, $0xD;
	s1 =	sshrl.u32 s1, $0x2  }
0xbc: {  	s3 =	sand.u32 $0x4000, s31;
	s1 =	sadd.s32 s1, s30  }
0xbd: {  	s0 =	sor.u32 s3, s0;
	s1 =	sshll.u32 s1, $0x11  }
0xbe: {  	s0 =	sor.u32 s1, s0  }
0xbf: {  	s0 =	sadd.s32 $0x8F2B, s0  }
0xc0: {  	[sflag:s0] =	ssyncadd.remote.s32 $0x1  }
0xc1: {  	_ =	sfence.sel $0xFFFF  }
0xc2: {  	[dreg:$0x0] =	wrdreg $0xFFFFFFFF;
	(pc) =	sbr.abs _section_cstart, $3  }
0xc3: {  	[dreg:$0x1] =	wrdreg $0xFFFFFFFF  }
0xc4: {  	_ =	task.clear_ibuf [dreg:s8], $0x2FFFF;
	_ =	strace $0x9FFFFFFF  }
0xc5: {  	(tm) =	ssettm $0x7FFFFFFF  }
tec
execute0_lowered:
.L_overlay_start_1:
0x0: {  	(tag) =	ssettag $0x1  }
0x1: {  	s0 =	rddreg [dreg:$0x0]  }
0x2: {  	s1 =	rddreg [dreg:$0x1]  }
0x3: {  	s4 =	rddreg [dreg:$0x3]  }
0x4: {  	s2 =	srdreg.scid;
	s10 =	stileid.u32  }
0x5: {  	s5 =	simm.s32 $0x0;
	s16 =	simm.s32 $0x7;
	s20 =	simm.s32 $0x80  }
0x6: {  	s28 =	simm.s32 $0x4;
	s29 =	simm.s32 $0x140;
	s30 =	simm.s32 $0x6580  }
0x7: {  	s31 =	simm.s32 $0x5;
	s2 =	sand.u32 $0x1, s2;
	s3 =	smul.u32 $0x16770, s10  }
0x8: {  	[smem:$0x7FF] =	sst s5;
	s9 =	sadd.s32 $0x28E00, s0;
	s21 =	sadd.s32 $0x29000, s0  }
0x9: {  	s26 =	sshll.u32 s10, $0x6;
	_ =	strace $0x80000047;
	[dreg:$0x5] =	wrdreg s9  }
0xa: {  	s6 =	sshll.u32 s2, $0x4;
	s7 =	smul.u32 $0x167700, s2;
	[dreg:$0x6] =	wrdreg s21  }
0xb: {  	s2 =	ssub.s32 $0x2, s2;
	s18 =	sor.u32 $0x1C07, s26;
	s26 =	simm.s32 $0x4180  }
0xc: {  	s8 =	sor.u32 s10, s6;
	s6 =	sadd.s32 $0xE00, s0;
	s23 =	sshrl.u32 s2, $0x1  }
0xd: {  	s8 =	smul.u32 $0x5100, s8;
	s7 =	sadd.s32 s3, s7;
	s2 =	ssub.s32 s2, s23  }
0xe: {  	s3 =	sadd.s32 s3, s4;
	s23 =	simm.s32 $0x2180;
	s7 =	sshrl.u32 s7, $0x3  }
0xf: {  	s25 =	smax.u32 s2, $0x1;
	s19 =	sshrl.u32 s3, $0x3;
	s2 =	simm.s32 $0x2  }
0x10: {  	s3 =	simm.s32 $0x0;
	s22 =	sshrl.u32 s8, $0x3;
	s0 =	sadd.s32 s7, s0  }
0x11: {  	s11 =	sadd.s32 $0x100, s8;
	s12 =	sadd.s32 $0x180, s8;
	[dreg:$0x9] =	wrdreg s25  }
0x12: {  	s25 =	simm.s32 $0x100;
	s9 =	sadd.s32 s1, s22;
	s0 =	sadd.s32 $0x2BE00, s0  }
0x13: {  	s22 =	simm.s32 $0x3;
	s24 =	sadd.s32 $0x10, s9;
	[dreg:$0x8] =	wrdreg s0  }
0x14: {  	v44 =	vimm.bf16 $0.0e+00;
	v45 =	vimm.bf16 $1.4450e+00;
	v52 =	vimm.bf16 $1.0000e+00;
	s0 =	simm.s32 $0x6;
	[dreg:$0x7] =	wrdreg s24;
	s24 =	simm.s32 $0x40  }
.LBB2_1:
0x15: {  	s7 =	rddreg [dreg:$0x2];
	s8 =	simm.s32 $0x8980  }
0x16: {  	[tilespmem:s8], [sflag:$0x7] =	stream.linear.gather [hbm4b:s7+s5], $0x80, $0x38;
	[tilespmem:$0x1F180] =	vst v63  }
0x17: {  	_ =	swait.ge [sflag:s16], $0x80  }
0x18: {  	[sflag:s16] =	ssyncset.done $0x0  }
0x19: {  	s14 =	simm.s32 $0x8A00;
	s13 =	rddreg [dreg:$0x5];
	[sflag:s16] =	ssyncadd.s32 $0xFFFFFF80  }
0x1a: {  	[tilespmem:s14], [sflag:$0x7] =	stream.linear.gather [hbm4b:s13+s5], $0x10, $0x38;
	[tilespmem:$0x1F180] =	vst v63  }
0x1b: {  	_ =	swait.ge [sflag:s16], $0x10  }
0x1c: {  	[sflag:s16] =	ssyncset.done $0x0  }
0x1d: {  	s15 =	rddreg [dreg:$0x6];
	[sflag:s16] =	ssyncadd.s32 $0xFFFFFFF0  }
0x1e: {  	[spmem:s19], [sflag:s18] =	dma.local [hbm:s15], $0x2CEE  }
0x1f: {  	_ =	swait.ge [sflag:s16], $0x2CEE  }
0x20: {  	[sflag:s16] =	ssyncset.done $0x0  }
0x21: {  	[sflag:s16] =	ssyncadd.s32 $0xFFFFD312  }
0x22: {  	[bflag:$0x0] =	sbarrier.arrive $0xFFFF  }
0x23: {  	v55 =	vld [tilespmem:$0x8A00]  }
0x24: {  	v57 =	vld [tilespmem:$0x8980]  }
0x25: {  	v48 =	vld [tilespmem:$0x8990]  }
0x26: {  	v60 =	vld [tilespmem:$0x89A0]  }
0x27: {  	v24 =	vld [tilespmem:$0x89B0]  }
0x28: {  	v25 =	vld [tilespmem:$0x89C0]  }
0x29: {  	v62 =	vld [tilespmem:$0x89D0]  }
0x2a: {  	v38 =	vld [tilespmem:$0x89E0]  }
0x2b: {  	v50 =	vld [tilespmem:$0x89F0];
	[tilespmem:s5], [sflag:$0x7] =	stream.linear.gather [hbm4b:s9+s5], $0x80, $0x38  }
0x2c: {  	_ =	swait.ge [sflag:s16], $0x80  }
0x2d: {  	[sflag:s16] =	ssyncset.done $0x0  }
0x2e: {  	s17 =	rddreg [dreg:$0x7];
	[sflag:s16] =	ssyncadd.s32 $0xFFFFFF80  }
0x2f: {  	[tilespmem:s20], [sflag:$0x7] =	stream.linear.gather [hbm4b:s17+s5], $0x80, $0x38;
	[tilespmem:$0x1F180] =	vst v63  }
0x30: {  	_ =	swait.ge [sflag:s16], $0x80  }
0x31: {  	[tilespmem:$0x1FF70] =	vst v55  }
0x32: {  	[tilespmem:$0x1FF80] =	vst v50  }
0x33: {  	[tilespmem:$0x1FF90] =	vst v57  }
0x34: {  	[tilespmem:$0x1FFA0] =	vst v48  }
0x35: {  	[tilespmem:$0x1FFB0] =	vst v60  }
0x36: {  	[tilespmem:$0x1FFC0] =	vst v24  }
0x37: {  	[tilespmem:$0x1FFD0] =	vst v25  }
0x38: {  	[sflag:s16] =	ssyncset.done $0x0;
	[tilespmem:$0x1FFE0] =	vst v62  }
0x39: {  	s21 =	simm.s32 $0x180;
	s15 =	simm.s32 $0x0;
	[tilespmem:$0x1FFF0] =	vst v38;
	[sflag:s16] =	ssyncadd.s32 $0xFFFFFF80  }
0x3a: {  	[tilespmem:s21], [sflag:$0x3] =	stream.indirect.gather [hbm4b:s6+s20], $0x40, s5, s20, $0xb8;
	[tilespmem:$0x1F180] =	vst v63  }
.LBB2_2:
0x3b: {  	p1 =	seq.s32 s15, $0x0  }
0x3c: {  	s7 =	simm.s32 @!p1 $0x5  }
0x3d: {  	_ =	swait.ge @!p1 [sflag:s7], $0x2400  }
0x3e: {  	[sflag:s7] =	ssyncset.done @!p1 $0x0  }
0x3f: {  	[sflag:s7] =	ssyncadd.s32 @!p1 $0xFFFFDC00  }
0x40: {  	_ =	swait.ge [sflag:s22], $0x2000  }
0x41: {  	[sflag:s22] =	ssyncset.done $0x0  }
0x42: {  	[sflag:s22] =	ssyncadd.s32 $0xFFFFE000  }
0x43: {  	v0 =	vld [tilespmem:$0x40]  }
0x44: {  	v1 =	vld [tilespmem:$0x50]  }
0x45: {  	v2 =	vld [tilespmem:$0x60]  }
0x46: {  	v3 =	vld [tilespmem:$0x70];
	_ =	sdelay $0x1  }
0x47: {  	p0 =	seq.s32 s15, $0x50;
	v0 =	vadd.s32 $0xFFFFD800, v0  }
0x48: {  	s17 =	sshll.u32 @!p0 s15, $0x8;
	[tilespmem:$0x100] =	vst v0;
	v0 =	vadd.s32 $0xFFFFD800, v1  }
0x49: {  	s7 =	sadd.s32 @!p0 s17, s11;
	[tilespmem:$0x110] =	vst v0;
	v0 =	vadd.s32 $0xFFFFD800, v2  }
0x4a: {  	p2 =	seq.s32 @!p0 s15, $0x0;
	s7 =	sshrl.u32 @!p0 s7, $0x3;
	[tilespmem:$0x120] =	vst v0;
	v0 =	vadd.s32 $0xFFFFD800, v3  }
0x4b: {  	s8 =	simm.s32 @!p0 $0x0;
	p2 =	por p0, !p2;
	s7 =	sadd.s32 @!p0 s1, s7;
	[tilespmem:$0x130] =	vst v0  }
0x4c: {  	[tilespmem:s8], [sflag:$0x1] =	stream.linear.gather @!p0 [hbm4b:s7+s8], $0x80, $0x38;
	[tilespmem:$0x1F180] =	vst v63  }
0x4d: {  	_ =	swait.ge @p2 [sflag:s2], $0x80  }
0x4e: {  	[sflag:s2] =	ssyncset.done @p2 $0x0  }
0x4f: {  	s10 =	simm.s32 $0x1180;
	[sflag:s2] =	ssyncadd.s32 @p2 $0xFFFFFF80  }
0x50: {  	[tilespmem:s23], [sflag:$0x4] =	stream.indirect.gather [hbm4b:s6+s20], $0x40, s20, s20, $0xb8;
	[tilespmem:$0x1F180] =	vst v63  }
0x51: {  	v0 =	vld [tilespmem:s10+$0xFFFFF0B0]  }
0x52: {  	v1 =	vld [tilespmem:s10+$0xB0]  }
0x53: {  	v2 =	vld [tilespmem:s10+$0xFFFFF0A0]  }
0x54: {  	v3 =	vld [tilespmem:s10+$0xA0]  }
0x55: {  	v4 =	vld [tilespmem:s10+$0xFFFFF080]  }
0x56: {  	v5 =	vld [tilespmem:s10+$0x80]  }
0x57: {  	v6 =	vld [tilespmem:s10+$0xFFFFF090]  }
0x58: {  	v7 =	vld [tilespmem:s10+$0x90];
	v8 =	vsub.bf16 v0, v1;
	_ =	sdelay $0x1  }
0x59: {  	v9 =	vsub.bf16 v2, v3;
	v1 =	vld [tilespmem:s10+$0xFFFFF010];
	v0 =	vsub.bf16 v44, v8  }
0x5a: {  	v2 =	vld [tilespmem:s10+$0x10];
	v10 =	vsub.bf16 v4, v5  }
0x5b: {  	v3 =	vsub.bf16 v44, v9;
	v0 =	vmul.bf16 v45, v0  }
0x5c: {  	v4 =	vld [tilespmem:s10+$0xFFFFF040];
	v6 =	vsub.bf16 v6, v7;
	v7 =	vsub.bf16 v44, v10  }
0x5d: {  	v5 =	vld [tilespmem:s10+$0x40];
	v3 =	vmul.bf16 v45, v3;
	(erf) = vpow2.bf16 v0  }
0x5e: {  	v7 =	vmul.bf16 v45, v7  }
0x5f: {  	v0 =	vsub.bf16 v44, v6;
	(erf) = vpow2.bf16 v3;
	v3 =	vsub.bf16 v1, v2;
	_ =	sdelay $0x1  }
0x60: {  	v1 =	vmul.bf16 v45, v0;
	(erf) = vpow2.bf16 v7;
	v2 =	vsub.bf16 v44, v3  }
0x61: {  	v0 =	vsub.bf16 v4, v5  }
0x62: {  	(erf) = vpow2.bf16 v1;
	v1 =	vmul.bf16 v45, v2  }
0x63: {  	v2 =	vsub.bf16 v44, v0;
	_ =	sdelay $0x1  }
0x64: {  	v2 =	vmul.bf16 v45, v2  }
0x65: {  	(erf) = vpow2.bf16 v1;
	v1 =	vpop (erf)  }
0x66: {  	v1 =	vadd.bf16 v52, v1  }
0x67: {  	(erf) = vpow2.bf16 v2  }
0x68: {  	v2 =	vpop (erf)  }
0x69: {  	v2 =	vadd.bf16 v52, v2;
	(erf) = vrcp.bf16 v1  }
0x6a: {  	v11 =	vld [tilespmem:s10+$0xFFFFF020];
	v1 =	vpop (erf)  }
0x6b: {  	v4 =	vld [tilespmem:s10+$0x0];
	(erf) = vrcp.bf16 v2;
	v1 =	vadd.bf16 v52, v1  }
0x6c: {  	v7 =	vld [tilespmem:s10+$0x50];
	v5 =	vpop (erf)  }
0x6d: {  	v2 =	vld [tilespmem:s10+$0xFFFFF050];
	v5 =	vadd.bf16 v52, v5;
	(erf) = vrcp.bf16 v1  }
0x6e: {  	v1 =	vld [tilespmem:s10+$0xFFFFF000]  }
0x6f: {  	v12 =	vld [tilespmem:s10+$0x20];
	(erf) = vrcp.bf16 v5;
	_ =	sdelay $0x1  }
0x70: {  	v13 =	vld [tilespmem:s10+$0xFFFFF060]  }
0x71: {  	v14 =	vld [tilespmem:s10+$0x60]  }
0x72: {  	v16 =	vpop (erf);
	v5 =	vsub.bf16 v2, v7;
	v7 =	vld [tilespmem:s10+$0x30];
	v15 =	vsub.bf16 v1, v4  }
0x73: {  	v1 =	vld [tilespmem:s10+$0xFFFFF030];
	v4 =	vsub.bf16 v11, v12;
	v11 =	vpop (erf)  }
0x74: {  	v17 =	vpop (erf);
	v2 =	vsub.bf16 v44, v15  }
0x75: {  	v20 =	vpop (erf)  }
0x76: {  	v18 =	vmul.bf16 v45, v2;
	v2 =	vsub.bf16 v13, v14;
	v13 =	vpop (erf)  }
0x77: {  	v19 =	vsub.bf16 v44, v4;
	v10 =	vmul.bf16 v13, v10  }
0x78: {  	v12 =	vsub.bf16 v44, v5;
	v1 =	vsub.bf16 v1, v7;
	v7 =	vpop (erf)  }
0x79: {  	v14 =	vmul.bf16 v45, v19;
	v6 =	vmul.bf16 v7, v6;
	v19 =	vunpack.i.u.bf16.f32 v10  }
0x7a: {  	v12 =	vmul.bf16 v45, v12;
	v8 =	vmul.bf16 v17, v8;
	v13 =	vunpack.i.l.bf16.f32 v10;
	[tilespmem:$0x1FE90] =	vst v19  }
0x7b: {  	v9 =	vmul.bf16 v20, v9;
	(erf) = vpow2.bf16 v18;
	[tilespmem:$0x1FE80] =	vst v13;
	v27 =	vunpack.i.u.bf16.f32 v6  }
0x7c: {  	v13 =	vmul.f32 v13, v57;
	v17 =	vmul.f32 v19, v48;
	v19 =	vunpack.i.l.bf16.f32 v6;
	[tilespmem:$0x1FEB0] =	vst v27  }
0x7d: {  	v28 =	vunpack.i.l.bf16.f32 v9;
	v20 =	vmul.f32 v27, v24;
	v10 =	vld [tilespmem:s10+$0xFFFFF070];
	[tilespmem:$0x1FEA0] =	vst v19;
	v19 =	vmul.f32 v19, v60  }
0x7e: {  	v27 =	vunpack.i.u.bf16.f32 v9;
	v9 =	vmul.f32 v28, v25;
	v13 =	vadd.f32 v13, v17  }
0x7f: {  	v6 =	vld [tilespmem:s10+$0x70];
	[tilespmem:$0x1FEC0] =	vst v28;
	v28 =	vunpack.i.l.bf16.f32 v8;
	v17 =	vadd.f32 v19, v20;
	v19 =	vmul.f32 v27, v62  }
0x80: {  	(erf) = vpow2.bf16 v12;
	v20 =	vunpack.i.u.bf16.f32 v8;
	v8 =	vmul.f32 v28, v38  }
0x81: {  	v12 =	vadd.f32 v17, v13;
	v9 =	vadd.f32 v9, v19;
	v13 =	vmul.f32 v20, v50  }
0x82: {  	v18 =	vsub.bf16 v44, v2;
	v7 =	vsub.bf16 v44, v1  }
0x83: {  	v9 =	vadd.f32 v9, v12;
	v8 =	vadd.f32 v8, v13  }
0x84: {  	(erf) = vpow2.bf16 v14;
	v17 =	vmul.bf16 v45, v18;
	v6 =	vsub.bf16 v10, v6  }
0x85: {  	v8 =	vadd.f32 v8, v9  }
0x86: {  	v7 =	vmul.bf16 v45, v7;
	(erf) = vpow2.bf16 v17;
	v10 =	vsub.bf16 v44, v6;
	_ =	sdelay $0x1  }
0x87: {  	(erf) = vpow2.bf16 v7;
	v9 =	vmul.bf16 v45, v10  }
0x88: {  	(xrf2) =	vadd.scan.msk.f32 $0xffff, v8;
	v8 =	vpop (erf)  }
0x89: {  	v7 =	vadd.bf16 v52, v16;
	(erf) = vpow2.bf16 v9;
	v8 =	vadd.bf16 v52, v8;
	_ =	sdelay $0x1  }
0x8a: {  	(erf) = vrcp.bf16 v7  }
0x8b: {  	v7 =	vadd.bf16 v52, v11  }
0x8c: {  	(erf) = vrcp.bf16 v8;
	v8 =	vpop (erf)  }
0x8d: {  	v8 =	vadd.bf16 v52, v8  }
0x8e: {  	(erf) = vrcp.bf16 v7  }
0x8f: {  	v7 =	vpop (erf)  }
0x90: {  	v9 =	vpop (erf);
	v7 =	vadd.bf16 v52, v7;
	(erf) = vrcp.bf16 v8  }
0x91: {  	v9 =	vadd.bf16 v52, v9;
	v8, _, _ =	vpop (xrf2)  }
0x92: {  	(erf) = vrcp.bf16 v7;
	v7 =	vbroadcast v8, $0xF  }
0x93: {  	v8 =	vpop (erf)  }
0x94: {  	v8 =	vadd.bf16 v52, v8;
	(erf) = vrcp.bf16 v9;
	v7 =	vadd.f32 v7, v55  }
0x95: {  	v9 =	vpop (erf)  }
0x96: {  	v9 =	vadd.bf16 v52, v9;
	(erf) = vrcp.bf16 v8;
	v8 =	vsub.f32 $0.0e+00, v7;
	_ =	sdelay $0x1  }
0x97: {  	(erf) = vrcp.bf16 v9;
	v8 =	vmul.f32 $1.442695020e+00, v8;
	_ =	sdelay $0x1  }
0x98: {  	(erf) = vpow2.f32 v8  }
0x99: {  	[tilespmem:$0x1FED0] =	vst v27;
	v9 =	vpop (erf)  }
0x9a: {  	[tilespmem:$0x1FEE0] =	vst v28;
	v10 =	vpop (erf)  }
0x9b: {  	s13 =	simm.s32 $0x1240;
	[tilespmem:$0x1FE70] =	vst v20;
	v11 =	vpop (erf)  }
0x9c: {  	v18 =	vld [tilespmem:s13+$0xFFFFF0A0];
	v12 =	vpop (erf)  }
0x9d: {  	v16 =	vld [tilespmem:s13+$0xB0];
	v13 =	vpop (erf)  }
0x9e: {  	v8 =	vld [tilespmem:s13+$0xFFFFF0B0];
	v14 =	vpop (erf)  }
0x9f: {  	v20 =	vld [tilespmem:s13+$0xA0];
	v17 =	vpop (erf)  }
0xa0: {  	v21 =	vld [tilespmem:s13+$0xFFFFF080];
	v19 =	vpop (erf)  }
0xa1: {  	v23 =	vld [tilespmem:s13+$0x80];
	v22 =	vpop (erf)  }
0xa2: {  	v58 =	vmov v24;
	v24 =	vld [tilespmem:s13+$0xFFFFF090];
	v22 =	vadd.f32 $1.000000000e+00, v22  }
0xa3: {  	v41 =	vmov v25;
	v25 =	vld [tilespmem:s13+$0x90];
	v8 =	vsub.bf16 v8, v16  }
0xa4: {  	v3 =	vmul.bf16 v9, v3;
	v9 =	vsub.bf16 v18, v20;
	(erf) = vrcp.f32 v22  }
0xa5: {  	v16 =	vsub.bf16 v44, v8  }
0xa6: {  	v18 =	vsub.bf16 v21, v23;
	v10 =	vmul.bf16 v10, v15;
	v15 =	vld [tilespmem:s13+$0x10];
	v20 =	vsub.bf16 v44, v9  }
0xa7: {  	v27 =	vunpack.i.u.bf16.f32 v3;
	v16 =	vmul.bf16 v45, v16;
	v22 =	vunpack.i.l.bf16.f32 v3;
	v3 =	vld [tilespmem:s13+$0xFFFFF010]  }
0xa8: {  	v23 =	vsub.bf16 v24, v25;
	v25 =	vsub.bf16 v44, v18;
	v20 =	vmul.bf16 v45, v20;
	[tilespmem:$0x1FBB0] =	vst v22  }
0xa9: {  	v28 =	vunpack.i.l.bf16.f32 v10;
	v21 =	vmul.f32 v22, v60;
	(erf) = vpow2.bf16 v16;
	v22 =	vld [tilespmem:s13+$0xFFFFF040]  }
0xaa: {  	v0 =	vmul.bf16 v11, v0;
	v11 =	vmul.f32 v28, v57;
	v16 =	vsub.bf16 v44, v23;
	v24 =	vld [tilespmem:s13+$0x40]  }
0xab: {  	[tilespmem:$0x1FBC0] =	vst v28;
	v28 =	vunpack.i.u.bf16.f32 v10;
	v10 =	vmul.bf16 v45, v25;
	(erf) = vpow2.bf16 v20  }
0xac: {  	v12 =	vmul.bf16 v12, v5;
	v4 =	vmul.bf16 v13, v4;
	v3 =	vsub.bf16 v3, v15  }
0xad: {  	v15 =	vmul.bf16 v45, v16;
	(erf) = vpow2.bf16 v10;
	v5 =	vpop (erf)  }
0xae: {  	v1 =	vmul.bf16 v17, v1;
	v16 =	vsub.bf16 v44, v3;
	v7 =	vmul.f32 v5, v7  }
0xaf: {  	v20 =	vunpack.i.u.bf16.f32 v0;
	(erf) = vpow2.bf16 v15;
	v5 =	vsub.bf16 v22, v24  }
0xb0: {  	v15 =	vmul.bf16 v45, v16;
	v22 =	vunpack.i.l.bf16.f32 v0;
	v0 =	vmul.f32 $1.442695020e+00, v7  }
0xb1: {  	v6 =	vmul.bf16 v19, v6;
	v13 =	vmul.f32 v20, v48;
	v16 =	vsub.bf16 v44, v5  }
0xb2: {  	[tilespmem:$0x1FBE0] =	vst v27;
	v25 =	vunpack.i.l.bf16.f32 v12;
	v10 =	vmul.f32 v28, v48;
	(erf) = vpow2.f32 v0  }
0xb3: {  	[tilespmem:$0x1FBD0] =	vst v28;
	v24 =	vunpack.i.u.bf16.f32 v12;
	v0 =	vmul.bf16 v45, v16;
	(erf) = vpow2.bf16 v15  }
0xb4: {  	[tilespmem:$0x1FBF0] =	vst v22;
	v12 =	vmul.f32 v22, v57;
	v22 =	vunpack.i.u.bf16.f32 v4;
	v7 =	vmul.f32 v27, v58;
	v15 =	vpop (erf)  }
0xb5: {  	[tilespmem:$0x1FC10] =	vst v25;
	v16 =	vmul.f32 v25, v60;
	v15 =	vadd.bf16 v52, v15;
	(erf) = vpow2.bf16 v0  }
0xb6: {  	[tilespmem:$0x1FC00] =	vst v20;
	v7 =	vadd.f32 v21, v7;
	v0 =	vmul.bf16 v14, v2;
	v14 =	vunpack.i.l.bf16.f32 v4;
	v4 =	vpop (erf)  }
0xb7: {  	[tilespmem:$0x1FC20] =	vst v24;
	v2 =	vmul.f32 v24, v58;
	v4 =	vadd.bf16 v52, v4;
	(erf) = vrcp.bf16 v15  }
0xb8: {  	v20 =	vunpack.i.u.bf16.f32 v0;
	v17 =	vunpack.i.l.bf16.f32 v0;
	v0 =	vadd.f32 v11, v10;
	v11 =	vld [tilespmem:s13+$0x0]  }
0xb9: {  	v21 =	vunpack.i.u.bf16.f32 v1;
	v10 =	vpop (erf);
	(erf) = vrcp.bf16 v4;
	v4 =	vadd.f32 v12, v13;
	v12 =	vld [tilespmem:s13+$0xFFFFF050];
	[tilespmem:$0x1FC30] =	vst v14  }
0xba: {  	v2 =	vadd.f32 v16, v2;
	v10 =	vadd.bf16 v52, v10;
	v16 =	vmul.f32 v17, v41;
	v15 =	vld [tilespmem:s13+$0x50];
	[tilespmem:$0x1FC40] =	vst v22  }
0xbb: {  	v24 =	vunpack.i.l.bf16.f32 v1;
	v1 =	vmul.f32 v20, v62;
	v13 =	vpop (erf);
	v14 =	vmul.f32 v14, v41;
	[tilespmem:$0x1FC50] =	vst v17  }
0xbc: {  	v13 =	vadd.bf16 v52, v13;
	(erf) = vrcp.bf16 v10;
	v10 =	vmul.f32 v22, v62;
	v17 =	vld [tilespmem:s13+$0xFFFFF000];
	[tilespmem:$0x1FC60] =	vst v20  }
0xbd: {  	v0 =	vadd.f32 v7, v0;
	v1 =	vadd.f32 v16, v1;
	v22 =	vunpack.i.u.bf16.f32 v6;
	v19 =	vld [tilespmem:s13+$0xFFFFF020]  }
0xbe: {  	v2 =	vadd.f32 v2, v4;
	(erf) = vrcp.bf16 v13;
	v7 =	vadd.f32 v14, v10;
	v10 =	vld [tilespmem:s13+$0x20];
	[tilespmem:$0x1FC70] =	vst v24  }
0xbf: {  	v4 =	vmul.f32 v21, v50;
	v6 =	vunpack.i.l.bf16.f32 v6;
	v13 =	vmul.f32 v24, v38;
	[tilespmem:$0x1FC80] =	vst v21  }
0xc0: {  	v21 =	vmul.f32 v6, v38;
	v14 =	vld [tilespmem:s13+$0xFFFFF060];
	[tilespmem:$0x1FF60] =	vst v6  }
0xc1: {  	v40 =	vpop (erf);
	v1 =	vadd.f32 v1, v2;
	v20 =	vld [tilespmem:s13+$0x60];
	v13 =	vadd.f32 v13, v4  }
0xc2: {  	v16 =	vsub.bf16 v12, v15;
	v15 =	vpop (erf);
	v4 =	vsub.bf16 v17, v11;
	v11 =	vld [tilespmem:s13+$0xFFFFF030];
	[tilespmem:$0x1FC90] =	vst v22;
	v17 =	vmul.f32 v22, v50  }
0xc3: {  	v7 =	vadd.f32 v7, v0;
	v2 =	vld [tilespmem:s13+$0x30];
	v6 =	vsub.bf16 v19, v10;
	v19 =	vpop (erf)  }
0xc4: {  	v10 =	vadd.f32 v21, v17;
	v21 =	vpop (erf)  }
0xc5: {  	v22 =	vadd.f32 v13, v7;
	v17 =	vsub.bf16 v44, v16;
	v13 =	vpop (erf)  }
0xc6: {  	v7 =	vsub.bf16 v44, v6;
	v24 =	vadd.f32 v10, v1;
	v1 =	vpop (erf)  }
0xc7: {  	v12 =	vsub.bf16 v44, v4;
	v25 =	vmul.bf16 v45, v17;
	v1 =	vmul.bf16 v1, v18  }
0xc8: {  	v17 =	vsub.bf16 v14, v20;
	v14 =	vmul.bf16 v45, v7;
	v7 =	vsub.bf16 v11, v2;
	v2 =	vpop (erf)  }
0xc9: {  	v12 =	vmul.bf16 v45, v12;
	v10 =	vmul.bf16 v2, v23;
	v2 =	vunpack.i.u.bf16.f32 v1  }
0xca: {  	v1 =	vunpack.i.l.bf16.f32 v1;
	[tilespmem:$0x1FF00] =	vst v2  }
0xcb: {  	(erf) = vpow2.bf16 v12;
	v12 =	vmul.bf16 v13, v9;
	[tilespmem:$0x1FEF0] =	vst v1;
	v0 =	vunpack.i.u.bf16.f32 v10  }
0xcc: {  	v13 =	vmul.bf16 v21, v8;
	v21 =	vmul.f32 v1, v57;
	v1 =	vunpack.i.l.bf16.f32 v10;
	[tilespmem:$0x1FF20] =	vst v0  }
0xcd: {  	v20 =	vsub.bf16 v44, v17;
	v23 =	vsub.bf16 v44, v7;
	v26 =	vmul.f32 v2, v48;
	v18 =	vld [tilespmem:s13+$0xFFFFF070];
	[tilespmem:$0x1FF10] =	vst v1  }
0xce: {  	v28 =	vmul.f32 v1, v60;
	v29 =	vmul.f32 v0, v58;
	v0 =	vunpack.i.l.bf16.f32 v12;
	v27 =	vld [tilespmem:s13+$0x70]  }
0xcf: {  	v21 =	vadd.f32 v21, v26;
	v1 =	vunpack.i.u.bf16.f32 v12;
	v30 =	vmul.f32 v0, v41  }
0xd0: {  	[tilespmem:$0x1FF30] =	vst v0;
	v0 =	vunpack.i.l.bf16.f32 v13;
	v26 =	vadd.f32 v28, v29;
	v28 =	vmul.f32 v1, v62  }
0xd1: {  	(erf) = vpow2.bf16 v25;
	v13 =	vunpack.i.u.bf16.f32 v13;
	v25 =	vmul.f32 v0, v38  }
0xd2: {  	v21 =	vadd.f32 v26, v21;
	v26 =	vadd.f32 v30, v28;
	v28 =	vmul.f32 v13, v50  }
0xd3: {  	v20 =	vmul.bf16 v45, v20;
	(erf) = vpow2.bf16 v14;
	v18 =	vsub.bf16 v18, v27  }
0xd4: {  	v14 =	vadd.f32 v26, v21;
	v21 =	vadd.f32 v25, v28  }
0xd5: {  	(xrf2) =	vadd.scan.msk.f32 $0xffff, v22;
	v22 =	vmul.bf16 v45, v23;
	(erf) = vpow2.bf16 v20;
	v23 =	vsub.bf16 v44, v18  }
0xd6: {  	v14 =	vadd.f32 v21, v14  }
0xd7: {  	(xrf2) =	vadd.scan.msk.f32 $0xffff, v24;
	(erf) = vpow2.bf16 v22;
	v20 =	vmul.bf16 v45, v23  }
0xd8: {  	(xrf2) =	vadd.scan.msk.f32 $0xffff, v14;
	v14 =	vadd.bf16 v52, v15;
	v15 =	vpop (erf)  }
0xd9: {  	v15 =	vadd.bf16 v52, v15;
	(erf) = vpow2.bf16 v20;
	_ =	sdelay $0x1  }
0xda: {  	(erf) = vrcp.bf16 v14  }
0xdb: {  	v19 =	vadd.bf16 v52, v19  }
0xdc: {  	(erf) = vrcp.bf16 v15;
	v15 =	vpop (erf)  }
0xdd: {  	v15 =	vadd.bf16 v52, v15  }
0xde: {  	v14, _, _ =	vpop (xrf2)  }
0xdf: {  	(erf) = vrcp.bf16 v19;
	v19 =	vpop (erf)  }
0xe0: {  	v20, _, _ =	vpop (xrf2);
	v19 =	vadd.bf16 v52, v19  }
0xe1: {  	(erf) = vrcp.bf16 v15;
	v15, _, _ =	vpop (xrf2)  }
0xe2: {  	v21 =	vpop (erf);
	v15 =	vbroadcast v15, $0xF  }
0xe3: {  	v21 =	vadd.bf16 v52, v21;
	(erf) = vrcp.bf16 v19  }
0xe4: {  	v19 =	vpop (erf)  }
0xe5: {  	v19 =	vadd.bf16 v52, v19;
	(erf) = vrcp.bf16 v21;
	v21 =	vadd.f32 v15, v55  }
0xe6: {  	v15 =	vpop (erf)  }
0xe7: {  	(erf) = vrcp.bf16 v19;
	v19 =	vsub.f32 $0.0e+00, v21;
	v15 =	vadd.bf16 v52, v15;
	_ =	sdelay $0x1  }
0xe8: {  	(erf) = vrcp.bf16 v15;
	v15 =	vmul.f32 $1.442695020e+00, v19;
	_ =	sdelay $0x1  }
0xe9: {  	(erf) = vpow2.f32 v15  }
0xea: {  	v19 =	vpop (erf)  }
0xeb: {  	v14 =	vbroadcast v14, $0xF;
	v22 =	vpop (erf)  }
0xec: {  	[tilespmem:$0x1FF40] =	vst v1;
	v15 =	vbroadcast v20, $0xF;
	v23 =	vpop (erf)  }
0xed: {  	s14 =	simm.s32 $0x1300;
	[tilespmem:$0x1FF50] =	vst v0;
	v12 =	vadd.f32 v14, v55;
	v24 =	vpop (erf)  }
0xee: {  	v27 =	vld [tilespmem:s14+$0xB0];
	v14 =	vadd.f32 v15, v55;
	v25 =	vpop (erf)  }
0xef: {  	v20 =	vsub.f32 $0.0e+00, v12;
	v15 =	vld [tilespmem:s14+$0xFFFFF0B0];
	v26 =	vpop (erf)  }
0xf0: {  	v30 =	vld [tilespmem:s14+$0xFFFFF0A0];
	v28 =	vsub.f32 $0.0e+00, v14;
	v29 =	vpop (erf)  }
0xf1: {  	v32 =	vld [tilespmem:s14+$0xA0];
	v20 =	vmul.f32 $1.442695020e+00, v20;
	v31 =	vpop (erf)  }
0xf2: {  	v33 =	vld [tilespmem:s14+$0xFFFFF080];
	v28 =	vmul.f32 $1.442695020e+00, v28;
	v34 =	vpop (erf)  }
0xf3: {  	v35 =	vld [tilespmem:s14+$0x80];
	(erf) = vpow2.f32 v20;
	v20 =	vadd.f32 $1.000000000e+00, v34  }
0xf4: {  	v59 =	vld [tilespmem:s14+$0x90];
	v15 =	vsub.bf16 v15, v27;
	(erf) = vpow2.f32 v28  }
0xf5: {  	v28 =	vld [tilespmem:s14+$0xFFFFF090];
	(erf) = vrcp.f32 v20  }
0xf6: {  	v27 =	vsub.bf16 v44, v15  }
0xf7: {  	v61 =	vld [tilespmem:s14+$0x10];
	v20 =	vsub.bf16 v30, v32  }
0xf8: {  	v36 =	vld [tilespmem:s14+$0xFFFFF040];
	v33 =	vsub.bf16 v33, v35;
	v27 =	vmul.bf16 v45, v27  }
0xf9: {  	v30 =	vld [tilespmem:s14+$0xFFFFF010];
	v63 =	vsub.bf16 v44, v20  }
0xfa: {  	v37 =	vld [tilespmem:s14+$0x40];
	v42 =	vsub.bf16 v44, v33;
	v34 =	vsub.bf16 v28, v59;
	(erf) = vpow2.bf16 v27  }
0xfb: {  	v35 =	vmul.bf16 v45, v63  }
0xfc: {  	v10 =	vmov v38;
	v38 =	vmul.bf16 v45, v42;
	v28 =	vpop (erf);
	v39 =	vsub.bf16 v44, v34  }
0xfd: {  	v19 =	vmul.bf16 v19, v3;
	v27 =	vpop (erf);
	(erf) = vpow2.bf16 v35  }
0xfe: {  	v22 =	vmul.bf16 v22, v4;
	v3 =	vsub.bf16 v30, v61;
	v30 =	vmul.bf16 v45, v39;
	v4 =	vpop (erf)  }
0xff: {  	(erf) = vpow2.bf16 v38;
	v21 =	vmul.f32 v4, v21;
	v4 =	vsub.bf16 v36, v37  }
0x100: {  	v1 =	vunpack.i.u.bf16.f32 v19;
	v0 =	vunpack.i.l.bf16.f32 v19;
	v32 =	vsub.bf16 v44, v3  }
0x101: {  	(erf) = vpow2.bf16 v30;
	v19 =	vmul.f32 $1.442695020e+00, v21;
	v43 =	vsub.bf16 v44, v4  }
0x102: {  	v5 =	vmul.bf16 v23, v5;
	v30 =	vmul.bf16 v45, v32  }
0x103: {  	(erf) = vpow2.f32 v19;
	v19 =	vmul.bf16 v45, v43  }
0x104: {  	v2 =	vunpack.i.u.bf16.f32 v22;
	v16 =	vmul.bf16 v24, v16;
	v23 =	vpop (erf);
	(erf) = vpow2.bf16 v30  }
0x105: {  	v24 =	vmul.f32 v2, v48;
	[tilespmem:$0x1FCA0] =	vst v0;
	v23 =	vadd.bf16 v52, v23  }
0x106: {  	v6 =	vmul.bf16 v25, v6;
	v8 =	vunpack.i.l.bf16.f32 v16;
	[tilespmem:$0x1FCC0] =	vst v2;
	(erf) = vpow2.bf16 v19  }
0x107: {  	v17 =	vmul.bf16 v26, v17;
	v2 =	vunpack.i.l.bf16.f32 v5;
	[tilespmem:$0x1FCD0] =	vst v1;
	v21 =	vmul.f32 v0, v60;
	v19 =	vpop (erf)  }
0x108: {  	[tilespmem:$0x1FD00] =	vst v8;
	v0 =	vunpack.i.l.bf16.f32 v22;
	v19 =	vadd.bf16 v52, v19;
	(erf) = vrcp.bf16 v23  }
0x109: {  	[tilespmem:$0x1FCB0] =	vst v0;
	v22 =	vmul.f32 v0, v57;
	v0 =	vunpack.i.u.bf16.f32 v5;
	v5 =	vmul.f32 v1, v58;
	v23 =	vpop (erf)  }
0x10a: {  	[tilespmem:$0x1FCE0] =	vst v2;
	v1 =	vunpack.i.u.bf16.f32 v16;
	v23 =	vadd.bf16 v52, v23;
	(erf) = vrcp.bf16 v19  }
0x10b: {  	v16 =	vmul.f32 v2, v57;
	[tilespmem:$0x1FCF0] =	vst v0;
	v22 =	vadd.f32 v22, v24;
	v24 =	vpop (erf);
	v19 =	vmul.f32 v0, v48  }
0x10c: {  	v2 =	vunpack.i.u.bf16.f32 v6;
	[tilespmem:$0x1FD10] =	vst v1;
	v24 =	vadd.bf16 v52, v24;
	(erf) = vrcp.bf16 v23  }
0x10d: {  	v23 =	vmul.f32 v8, v60;
	v8 =	vunpack.i.l.bf16.f32 v6;
	v16 =	vadd.f32 v16, v19;
	v19 =	vld [tilespmem:s14+$0x0];
	[tilespmem:$0x1FD30] =	vst v2  }
0x10e: {  	v6 =	vmul.f32 v1, v58;
	v1 =	vunpack.i.l.bf16.f32 v17;
	[tilespmem:$0x1FD20] =	vst v8  }
0x10f: {  	v0 =	vunpack.i.u.bf16.f32 v17;
	(erf) = vrcp.bf16 v24;
	v24 =	vld [tilespmem:s14+$0xFFFFF050];
	[tilespmem:$0x1FD40] =	vst v1  }
0x110: {  	v5 =	vadd.f32 v21, v5;
	v21 =	vmul.f32 v2, v62;
	v17 =	vmul.f32 v8, v41;
	[tilespmem:$0x1FD50] =	vst v0  }
0x111: {  	v7 =	vmul.bf16 v29, v7;
	v25 =	vmul.f32 v0, v62;
	v26 =	vld [tilespmem:s14+$0x50]  }
0x112: {  	v6 =	vadd.f32 v23, v6;
	v23 =	vmul.f32 v1, v41;
	v17 =	vadd.f32 v17, v21;
	v21 =	vld [tilespmem:s14+$0xFFFFF000]  }
0x113: {  	v18 =	vmul.bf16 v31, v18;
	v2 =	vunpack.i.u.bf16.f32 v7;
	v8 =	vunpack.i.l.bf16.f32 v7;
	v7 =	vld [tilespmem:s14+$0x20]  }
0x114: {  	v5 =	vadd.f32 v5, v22;
	v22 =	vadd.f32 v23, v25;
	v25 =	vld [tilespmem:s14+$0xFFFFF020];
	[tilespmem:$0x1FD60] =	vst v8  }
0x115: {  	v1 =	vunpack.i.u.bf16.f32 v18;
	v0 =	vunpack.i.l.bf16.f32 v18;
	[tilespmem:$0x1FD70] =	vst v2  }
0x116: {  	v18 =	vmul.f32 v8, v10;
	v6 =	vadd.f32 v6, v16;
	v23 =	vmul.f32 v2, v50;
	v29 =	vld [tilespmem:s14+$0xFFFFF060];
	[tilespmem:$0x1FD80] =	vst v0  }
0x117: {  	v30 =	vmul.f32 v1, v50;
	v16 =	vpop (erf);
	v5 =	vadd.f32 v17, v5;
	v17 =	vmul.f32 v0, v10;
	[tilespmem:$0x1FD90] =	vst v1  }
0x118: {  	v46 =	vpop (erf);
	v31 =	vld [tilespmem:s14+$0x60];
	v18 =	vadd.f32 v18, v23;
	v6 =	vadd.f32 v22, v6  }
0x119: {  	v47 =	vpop (erf);
	v17 =	vadd.f32 v17, v30;
	v23 =	vsub.bf16 v21, v19;
	v19 =	vld [tilespmem:s14+$0xFFFFF030]  }
0x11a: {  	v49 =	vpop (erf);
	v21 =	vld [tilespmem:s14+$0x30];
	v30 =	vsub.bf16 v24, v26;
	v51 =	vadd.f32 v18, v5  }
0x11b: {  	v24 =	vpop (erf);
	v7 =	vsub.bf16 v25, v7;
	v22 =	vsub.bf16 v44, v23  }
0x11c: {  	v15 =	vmul.bf16 v49, v15;
	v53 =	vadd.f32 v17, v6;
	v6 =	vld [tilespmem:s14+$0xFFFFF070];
	v20 =	vmul.bf16 v24, v20;
	v5 =	vpop (erf)  }
0x11d: {  	v25 =	vld [tilespmem:s14+$0x70];
	v18 =	vsub.bf16 v44, v30;
	v24 =	vsub.bf16 v44, v7;
	v17 =	vmul.bf16 v45, v22;
	v26 =	vpop (erf)  }
0x11e: {  	v22 =	vsub.bf16 v29, v31;
	v29 =	vmul.bf16 v5, v33;
	v26 =	vmul.bf16 v26, v34  }
0x11f: {  	v31 =	vmul.bf16 v45, v18;
	v5 =	vsub.bf16 v19, v21;
	(erf) = vpow2.bf16 v17  }
0x120: {  	v19 =	vunpack.i.u.bf16.f32 v29;
	v18 =	vunpack.i.l.bf16.f32 v29;
	v17 =	vunpack.i.u.bf16.f32 v26  }
0x121: {  	v21 =	vunpack.i.l.bf16.f32 v26;
	v26 =	vmul.f32 v18, v57;
	v29 =	vmul.f32 v19, v48  }
0x122: {  	v6 =	vsub.bf16 v6, v25;
	v25 =	vmul.f32 v21, v60;
	v54 =	vmul.f32 v17, v58  }
0x123: {  	(erf) = vpow2.bf16 v31;
	v31 =	vmul.bf16 v45, v24;
	v24 =	vunpack.i.u.bf16.f32 v20  }
0x124: {  	v29 =	vadd.f32 v26, v29;
	v26 =	vunpack.i.l.bf16.f32 v20;
	v25 =	vadd.f32 v25, v54  }
0x125: {  	v59 =	vmul.f32 v24, v62;
	v20 =	vunpack.i.u.bf16.f32 v15;
	v56 =	vmul.f32 v26, v41  }
0x126: {  	v29 =	vadd.f32 v25, v29;
	v25 =	vunpack.i.l.bf16.f32 v15;
	v15 =	vsub.bf16 v44, v22  }
0x127: {  	v63 =	vmul.f32 v20, v50;
	v33 =	vadd.f32 v56, v59;
	v61 =	vmul.f32 v25, v10  }
0x128: {  	(xrf2) =	vadd.scan.msk.f32 $0xffff, v51;
	(erf) = vpow2.bf16 v31;
	v31 =	vsub.bf16 v44, v5;
	v15 =	vmul.bf16 v45, v15  }
0x129: {  	v29 =	vadd.f32 v33, v29;
	v39 =	vadd.f32 v61, v63  }
0x12a: {  	(erf) = vpow2.bf16 v15;
	v15 =	vmul.bf16 v45, v31;
	v31 =	vsub.bf16 v44, v6  }
0x12b: {  	(xrf2) =	vadd.scan.msk.f32 $0xffff, v53;
	v29 =	vadd.f32 v39, v29  }
0x12c: {  	(erf) = vpow2.bf16 v15;
	v15 =	vmul.bf16 v45, v31  }
0x12d: {  	(xrf2) =	vadd.scan.msk.f32 $0xffff, v29  }
0x12e: {  	(erf) = vpow2.bf16 v15;
	v15 =	vadd.bf16 v52, v46  }
0x12f: {  	v29 =	vpop (erf)  }
0x130: {  	(erf) = vrcp.bf16 v15;
	v15 =	vadd.bf16 v52, v29;
	_ =	sdelay $0x1  }
0x131: {  	v29, _, _ =	vpop (xrf2);
	(erf) = vrcp.bf16 v15;
	v15 =	vadd.bf16 v52, v47  }
0x132: {  	v31 =	vpop (erf)  }
0x133: {  	v11 =	vmov v41;
	v41 =	vpop (erf);
	(erf) = vrcp.bf16 v15;
	v15 =	vadd.bf16 v52, v31  }
0x134: {  	v31, _, _ =	vpop (xrf2)  }
0x135: {  	v42 =	vpop (erf);
	(erf) = vrcp.bf16 v15;
	v15 =	vadd.bf16 v52, v41  }
0x136: {  	v43, _, _ =	vpop (xrf2)  }
0x137: {  	(erf) = vrcp.bf16 v15;
	v15 =	vadd.bf16 v52, v42;
	v46 =	vbroadcast v43, $0xF  }
0x138: {  	v47 =	vpop (erf)  }
0x139: {  	(erf) = vrcp.bf16 v15;
	v15 =	vadd.bf16 v52, v47;
	v37 =	vadd.f32 v46, v55  }
0x13a: {  	v49 =	vpop (erf)  }
0x13b: {  	(erf) = vrcp.bf16 v15;
	v15 =	vadd.bf16 v52, v49;
	v50 =	vsub.f32 $0.0e+00, v37;
	_ =	sdelay $0x1  }
0x13c: {  	(erf) = vrcp.bf16 v15;
	v15 =	vmul.f32 $1.442695020e+00, v50;
	_ =	sdelay $0x1  }
0x13d: {  	(erf) = vpow2.f32 v15;
	v15 =	vbroadcast v29, $0xF  }
0x13e: {  	v29 =	vbroadcast v31, $0xF  }
0x13f: {  	v0 =	vadd.f32 v15, v55  }
0x140: {  	v46 =	vpop (erf);
	v2 =	vadd.f32 v29, v55  }
0x141: {  	v47 =	vpop (erf);
	[tilespmem:$0x1FDA0] =	vst v0  }
0x142: {  	s21 =	simm.s32 $0x13C0;
	v1 =	vpop (erf);
	[tilespmem:$0x1FDB0] =	vst v2  }
0x143: {  	v49 =	vpop (erf);
	v15 =	vsub.f32 $0.0e+00, v0;
	v31 =	vld [tilespmem:s21+$0xFFFFF0B0]  }
0x144: {  	v52 =	vpop (erf);
	v29 =	vsub.f32 $0.0e+00, v2;
	v51 =	vld [tilespmem:s21+$0xB0]  }
0x145: {  	v53 =	vpop (erf);
	v54 =	vld [tilespmem:s21+$0xFFFFF0A0];
	v15 =	vmul.f32 $1.442695020e+00, v15  }
0x146: {  	v56 =	vld [tilespmem:s21+$0x80];
	v29 =	vmul.f32 $1.442695020e+00, v29;
	v8 =	vpop (erf)  }
0x147: {  	(erf) = vpow2.f32 v15;
	v15 =	vadd.f32 $1.000000000e+00, v28;
	v42 =	vpop (erf);
	v28 =	vld [tilespmem:s21+$0xA0]  }
0x148: {  	v27 =	vadd.f32 $1.000000000e+00, v27;
	(erf) = vpow2.f32 v29;
	v29 =	vld [tilespmem:s21+$0xFFFFF080];
	v55 =	vpop (erf)  }
0x149: {  	(erf) = vrcp.f32 v15;
	v15 =	vadd.f32 $1.000000000e+00, v55;
	v33 =	vsub.bf16 v31, v51  }
0x14a: {  	(erf) = vrcp.f32 v27  }
0x14b: {  	(erf) = vrcp.f32 v15;
	v15 =	vld [tilespmem:s21+$0xFFFFF090];
	v27 =	vsub.bf16 v44, v33  }
0x14c: {  	v35 =	vsub.bf16 v54, v28;
	v28 =	vld [tilespmem:s21+$0x90]  }
0x14d: {  	v43 =	vsub.bf16 v29, v56;
	v27 =	vmul.bf16 v45, v27  }
0x14e: {  	v29 =	vsub.bf16 v44, v35  }
0x14f: {  	v59 =	vld [tilespmem:s21+$0x10];
	v36 =	vsub.bf16 v44, v43  }
0x150: {  	v31 =	vld [tilespmem:s21+$0xFFFFF010];
	(erf) = vpow2.bf16 v27  }
0x151: {  	v50 =	vld [tilespmem:s21+$0xFFFFF040];
	v41 =	vmul.bf16 v45, v29;
	v27 =	vpop (erf);
	v63 =	vsub.bf16 v15, v28;
	v28 =	vmul.bf16 v45, v36  }
0x152: {  	v15 =	vld [tilespmem:s21+$0x40];
	v29 =	vpop (erf)  }
0x153: {  	(erf) = vpow2.bf16 v41;
	v36 =	vpop (erf)  }
0x154: {  	v51 =	vsub.bf16 v44, v63;
	v34 =	vpop (erf)  }
0x155: {  	v32 =	vsub.bf16 v31, v59;
	(erf) = vpow2.bf16 v28;
	v28 =	vpop (erf)  }
0x156: {  	v54 =	vmul.bf16 v45, v51;
	v28 =	vmul.f32 v28, v37  }
0x157: {  	v31 =	vsub.bf16 v50, v15;
	v15 =	vsub.bf16 v44, v32  }
0x158: {  	(erf) = vpow2.bf16 v54;
	v28 =	vmul.f32 $1.442695020e+00, v28  }
0x159: {  	v15 =	vmul.bf16 v45, v15;
	v55 =	vsub.bf16 v44, v31  }
0x15a: {  	v38 =	vld [tilespmem:s21+$0xFFFFF000];
	(erf) = vpow2.f32 v28  }
0x15b: {  	v39 =	vld [tilespmem:s21+$0x50];
	(erf) = vpow2.bf16 v15;
	v15 =	vmul.bf16 v45, v55  }
0x15c: {  	v0 =	vimm.bf16 $1.0000e+00;
	v56 =	vpop (erf);
	v28 =	vld [tilespmem:s21+$0x0]  }
0x15d: {  	v37 =	vld [tilespmem:s21+$0xFFFFF050];
	(erf) = vpow2.bf16 v15;
	v15 =	vadd.bf16 v0, v56  }
0x15e: {  	v51 =	vld [tilespmem:s21+$0x20];
	v59 =	vpop (erf)  }
0x15f: {  	v50 =	vld [tilespmem:s21+$0xFFFFF020];
	v41 =	vadd.bf16 v0, v59;
	(erf) = vrcp.bf16 v15  }
0x160: {  	v54 =	vld [tilespmem:s21+$0xFFFFF060];
	v61 =	vpop (erf)  }
0x161: {  	v15 =	vsub.bf16 v38, v28;
	v28 =	vadd.bf16 v0, v61;
	v38 =	vld [tilespmem:s21+$0x60];
	(erf) = vrcp.bf16 v41  }
0x162: {  	v61 =	vld [tilespmem:s21+$0x30];
	v41 =	vsub.bf16 v37, v39;
	v59 =	vpop (erf)  }
0x163: {  	v39 =	vld [tilespmem:s21+$0xFFFFF030];
	v56 =	vsub.bf16 v44, v15;
	(erf) = vrcp.bf16 v28;
	v28 =	vadd.bf16 v0, v59  }
0x164: {  	v37 =	vsub.bf16 v50, v51  }
0x165: {  	v51 =	vld [tilespmem:s21+$0xFFFFF070];
	(erf) = vrcp.bf16 v28;
	v28 =	vmul.bf16 v45, v56;
	v56 =	vsub.bf16 v44, v41  }
0x166: {  	v3 =	vmul.bf16 v46, v3;
	v23 =	vmul.bf16 v47, v23;
	v50 =	vld [tilespmem:s21+$0x70];
	v38 =	vsub.bf16 v54, v38  }
0x167: {  	v59 =	vsub.bf16 v44, v37;
	(erf) = vpow2.bf16 v28;
	v28 =	vmul.bf16 v45, v56  }
0x168: {  	v4 =	vmul.bf16 v1, v4;
	v39 =	vsub.bf16 v39, v61;
	v61 =	vsub.bf16 v44, v38  }
0x169: {  	v1 =	vunpack.i.l.bf16.f32 v3;
	(erf) = vpow2.bf16 v28;
	v28 =	vmul.bf16 v45, v59  }
0x16a: {  	v9 =	vunpack.i.l.bf16.f32 v23;
	v7 =	vmul.bf16 v52, v7;
	v54 =	vmul.bf16 v45, v61  }
0x16b: {  	v55 =	vsub.bf16 v44, v39;
	(erf) = vpow2.bf16 v28;
	v28 =	vsub.bf16 v51, v50  }
0x16c: {  	v52 =	vimm.bf16 $1.0000e+00;
	v22 =	vmul.bf16 v53, v22;
	v0 =	vunpack.i.u.bf16.f32 v3  }
0x16d: {  	v51 =	vmul.bf16 v45, v55;
	(erf) = vpow2.bf16 v54;
	v59 =	vsub.bf16 v44, v28  }
0x16e: {  	v2 =	vunpack.i.u.bf16.f32 v23;
	v46 =	vmul.f32 v0, v58;
	v54 =	vmul.bf16 v49, v30  }
0x16f: {  	v47 =	vunpack.i.u.bf16.f32 v7;
	v30 =	vpop (erf);
	(erf) = vpow2.bf16 v51;
	v3 =	vmul.bf16 v45, v59  }
0x170: {  	[tilespmem:$0x1FDF0] =	vst v0;
	v0 =	vunpack.i.u.bf16.f32 v4;
	v61 =	vmul.f32 v1, v60;
	v44 =	vmul.f32 v9, v57;
	v23 =	vpop (erf)  }
0x171: {  	v45 =	vmul.f32 v2, v48;
	(erf) = vpow2.bf16 v3;
	v3 =	vadd.bf16 v52, v23  }
0x172: {  	[tilespmem:$0x1FDC0] =	vst v1;
	v1 =	vunpack.i.l.bf16.f32 v4;
	v55 =	vadd.f32 v61, v46;
	v46 =	vunpack.i.u.bf16.f32 v54;
	v59 =	vpop (erf)  }
0x173: {  	[tilespmem:$0x1FE10] =	vst v0;
	v49 =	vmul.f32 v0, v48;
	v0 =	vmul.f32 v46, v58;
	v53 =	vadd.f32 v44, v45;
	v23 =	vpop (erf)  }
0x174: {  	[tilespmem:$0x1FDD0] =	vst v9;
	v45 =	vunpack.i.l.bf16.f32 v54;
	v54 =	vunpack.i.l.bf16.f32 v7;
	v7 =	vmul.f32 v1, v57;
	v9 =	vpop (erf)  }
0x175: {  	[tilespmem:$0x1FE00] =	vst v1;
	v1 =	vmul.f32 v45, v60;
	(erf) = vrcp.bf16 v3;
	v3 =	vpop (erf)  }
0x176: {  	v6 =	vmul.bf16 v42, v6;
	v4 =	vpop (erf)  }
0x177: {  	v8 =	vmul.bf16 v8, v5;
	v0 =	vadd.f32 v1, v0;
	v61 =	vpop (erf)  }
0x178: {  	v56 =	vunpack.i.l.bf16.f32 v6;
	v1 =	vadd.bf16 v52, v59;
	v61 =	vadd.bf16 v52, v61  }
0x179: {  	[tilespmem:$0x1FDE0] =	vst v2;
	v50 =	vld [tilespmem:$0x1FF80];
	v2 =	vmul.f32 v47, v62;
	v44 =	vunpack.i.u.bf16.f32 v22;
	v51 =	vmul.f32 v54, v11  }
0x17a: {  	v7 =	vadd.f32 v7, v49;
	v49 =	vunpack.i.l.bf16.f32 v22;
	(erf) = vrcp.bf16 v61  }
0x17b: {  	v2 =	vadd.f32 v51, v2;
	v22 =	vmul.f32 v49, v11;
	v51 =	vmul.f32 v44, v62  }
0x17c: {  	v0 =	vadd.f32 v0, v7;
	v61 =	vadd.f32 v55, v53;
	(erf) = vrcp.bf16 v1;
	v1 =	vpop (erf)  }
0x17d: {  	v7 =	vadd.f32 v22, v51;
	v51 =	vunpack.i.u.bf16.f32 v6;
	v1 =	vadd.bf16 v52, v1  }
0x17e: {  	v22 =	vmul.f32 v56, v10;
	v59 =	vmul.f32 v51, v50;
	v5 =	vadd.f32 v2, v61  }
0x17f: {  	v61 =	vunpack.i.u.bf16.f32 v8;
	(erf) = vrcp.bf16 v1;
	v1 =	vunpack.i.l.bf16.f32 v8  }
0x180: {  	v6 =	vmul.f32 v61, v50;
	v8 =	vpop (erf);
	[tilespmem:$0x1FE20] =	vst v1;
	v1 =	vmul.f32 v1, v10  }
0x181: {  	v3 =	vmul.bf16 v3, v43;
	v22 =	vadd.f32 v22, v59;
	v8 =	vadd.bf16 v52, v8  }
0x182: {  	v2 =	vadd.f32 v7, v0;
	v1 =	vadd.f32 v1, v6;
	v6 =	vmul.bf16 v4, v63  }
0x183: {  	v59 =	vpop (erf);
	(erf) = vrcp.bf16 v8;
	v4 =	vunpack.i.u.bf16.f32 v3;
	v3 =	vunpack.i.l.bf16.f32 v3  }
0x184: {  	v42 =	vadd.bf16 v52, v59;
	v7 =	vmul.f32 v3, v57;
	v8 =	vmul.f32 v4, v48  }
0x185: {  	v0 =	vunpack.i.u.bf16.f32 v6;
	v1 =	vadd.f32 v1, v5;
	v5 =	vmul.bf16 v9, v35  }
0x186: {  	v63 =	vunpack.i.l.bf16.f32 v6;
	v9 =	vmul.bf16 v23, v33;
	(erf) = vrcp.bf16 v42  }
0x187: {  	v2 =	vadd.f32 v22, v2;
	v23 =	vpop (erf);
	v59 =	vmul.f32 v63, v60;
	[tilespmem:$0x1FE40] =	vst v0;
	v0 =	vmul.f32 v0, v58  }
0x188: {  	[tilespmem:$0x1FE30] =	vst v3;
	v8 =	vadd.f32 v7, v8;
	v23 =	vadd.bf16 v52, v23;
	v3 =	vunpack.i.l.bf16.f32 v5  }
0x189: {  	v5 =	vunpack.i.u.bf16.f32 v5;
	[tilespmem:$0x1FE50] =	vst v3;
	v22 =	vmul.f32 v3, v11;
	v3 =	vunpack.i.l.bf16.f32 v9  }
0x18a: {  	v0 =	vadd.f32 v59, v0;
	v43 =	vmul.f32 v5, v62;
	[tilespmem:$0x1FE60] =	vst v3;
	v33 =	vmul.f32 v3, v10;
	v3 =	vld [tilespmem:$0x1FE90]  }
0x18b: {  	v35 =	vmul.f32 v36, v12;
	(erf) = vrcp.bf16 v23;
	v23 =	vunpack.i.u.bf16.f32 v9  }
0x18c: {  	v36 =	vmul.f32 v23, v50;
	v0 =	vadd.f32 v0, v8;
	v22 =	vadd.f32 v22, v43;
	_ =	sdelay $0x1  }
0x18d: {  	(xrf2) =	vadd.scan.msk.f32 $0xffff, v1;
	v1 =	vadd.f32 v33, v36;
	v0 =	vadd.f32 v22, v0  }
0x18e: {  	v22 =	vmul.f32 v40, v3;
	v3 =	vld [tilespmem:$0x1FEA0]  }
0x18f: {  	v8 =	vpop (erf);
	v0 =	vadd.f32 v1, v0;
	v1 =	vld [tilespmem:$0x1FE70]  }
0x190: {  	v9 =	vpop (erf)  }
0x191: {  	v59 =	vpop (erf)  }
0x192: {  	v34 =	vmul.f32 v34, v14;
	(xrf2) =	vadd.scan.msk.f32 $0xffff, v2;
	v2 =	vld [tilespmem:$0x1FE80];
	v14 =	vpop (erf)  }
0x193: {  	v14 =	vmul.bf16 v14, v31;
	v31 =	vmul.f32 v40, v3;
	v3 =	vld [tilespmem:$0x1FEC0]  }
0x194: {  	v1 =	vmul.f32 v40, v1  }
0x195: {  	s8 =	simm.s32 $0x4250;
	v55 =	vld [tilespmem:$0x1FF70]  }
0x196: {  	(xrf2) =	vadd.scan.msk.f32 $0xffff, v0;
	v0 =	vld [tilespmem:$0x1FEB0];
	[tilespmem:s8+$0xC0] =	vst v1  }
0x197: {  	v2 =	vmul.f32 v40, v2;
	v1 =	vld [tilespmem:$0x1FED0]  }
0x198: {  	v9 =	vmul.bf16 v9, v32;
	v32 =	vmul.f32 v40, v3;
	v3 =	vld [tilespmem:$0x1FEE0];
	[tilespmem:s8+$0xD0] =	vst v40  }
0x199: {  	[tilespmem:s8+$0x50] =	vst v2  }
0x19a: {  	v8 =	vadd.bf16 v52, v8;
	[tilespmem:s8+$0x60] =	vst v22  }
0x19b: {  	v2 =	vld [tilespmem:$0x1FEF0];
	_ =	sdelay $0x2  }
0x19c: {  	(erf) = vrcp.bf16 v8;
	v8 =	vpop (erf)  }
0x19d: {  	v33 =	vpop (erf)  }
0x19e: {  	v37 =	vmul.bf16 v33, v37;
	v33 =	vmul.f32 v16, v2;
	v2 =	vld [tilespmem:$0x1FF00];
	_ =	sdelay $0x3  }
0x19f: {  	v0 =	vmul.f32 v40, v0;
	v1 =	vmul.f32 v40, v1;
	[tilespmem:s8+$0x70] =	vst v31  }
0x1a0: {  	v36 =	vmul.f32 v40, v3;
	v40 =	vmul.f32 v16, v2;
	v2 =	vld [tilespmem:$0x1FF10];
	_ =	sdelay $0x4  }
0x1a1: {  	v8 =	vmul.bf16 v8, v41;
	v41 =	vmul.f32 v16, v2;
	v2 =	vld [tilespmem:$0x1FF20];
	_ =	sdelay $0x1  }
0x1a2: {  	[tilespmem:s8+$0x80] =	vst v0  }
0x1a3: {  	v0 =	vld [tilespmem:$0x1FF30]  }
0x1a4: {  	v15 =	vmul.bf16 v59, v15;
	v59 =	vpop (erf)  }
0x1a5: {  	v38 =	vmul.bf16 v59, v38;
	v59 =	vmul.f32 v16, v2;
	v2 =	vld [tilespmem:$0x1FF40];
	[tilespmem:s8+$0x90] =	vst v32  }
0x1a6: {  	v13 =	vmul.f32 v16, v13;
	s21 =	simm.s32 $0x4400;
	v43 =	vpop (erf);
	v3 =	vld [tilespmem:$0x1FF50];
	[tilespmem:s8+$0xB0] =	vst v36  }
0x1a7: {  	v39 =	vmul.bf16 v43, v39;
	v43 =	vmul.f32 v30, v20;
	[tilespmem:s21+$0x60] =	vst v40  }
0x1a8: {  	v0 =	vmul.f32 v16, v0;
	v36 =	vmul.f32 v30, v18;
	[tilespmem:s21+$0x70] =	vst v41  }
0x1a9: {  	v40 =	vmul.f32 v30, v19;
	v41 =	vmul.f32 v30, v21;
	[tilespmem:s21+$0x80] =	vst v59  }
0x1aa: {  	v53 =	vmovc v11;
	v20 =	vunpack.i.l.bf16.f32 v9;
	v59 =	vmul.f32 v30, v25;
	[tilespmem:s21+$0x90] =	vst v0;
	v0 =	vmul.f32 v30, v17  }
0x1ab: {  	v22 =	vunpack.i.u.bf16.f32 v9;
	[tilespmem:s8+$0xA0] =	vst v1;
	v17 =	vmul.f32 v30, v26;
	v11 =	vmul.f32 v16, v2;
	v2, _, _ =	vpop (xrf2)  }
0x1ac: {  	v18 =	vunpack.i.u.bf16.f32 v15;
	[tilespmem:s21+$0xC0] =	vst v13;
	v26 =	vmul.f32 $1.442695020e+00, v35;
	v12 =	vbroadcast v2, $0xF;
	v2, _, _ =	vpop (xrf2)  }
0x1ad: {  	[tilespmem:s21+$0xD0] =	vst v16;
	v10 =	vmul.f32 v16, v3;
	v32 =	vbroadcast v2, $0xF;
	v2 =	vunpack.i.l.bf16.f32 v15  }
0x1ae: {  	[tilespmem:s21+$0x50] =	vst v33;
	v25 =	vadd.f32 $1.000000000e+00, v29;
	v1, _, _ =	vpop (xrf2);
	v15 =	vmul.f32 v18, v48;
	v13 =	vmul.f32 v2, v57  }
0x1af: {  	v16 =	vmul.f32 v22, v58;
	[tilespmem:s21+$0xA0] =	vst v11;
	v9 =	vbroadcast v1, $0xF;
	v1 =	vunpack.i.u.bf16.f32 v14  }
0x1b0: {  	s10 =	simm.s32 $0x45B0;
	v14 =	vunpack.i.l.bf16.f32 v14;
	[tilespmem:s21+$0xB0] =	vst v10;
	v21 =	vadd.f32 v12, v55;
	v13 =	vadd.f32 v13, v15  }
0x1b1: {  	v15 =	vmul.f32 v20, v60;
	v31 =	vadd.f32 v9, v55;
	v9 =	vmul.f32 v14, v57;
	v57 =	vld [tilespmem:$0x1FF60];
	[tilespmem:s10+$0x80] =	vst v0  }
0x1b2: {  	v12 =	vunpack.i.u.bf16.f32 v38;
	v0 =	vunpack.i.l.bf16.f32 v37;
	[tilespmem:s10+$0x90] =	vst v17;
	v17 =	vunpack.i.u.bf16.f32 v39  }
0x1b3: {  	[tilespmem:s10+$0x50] =	vst v36;
	v36 =	vmul.f32 v12, v62;
	v16 =	vadd.f32 v15, v16;
	v15 =	vmul.f32 v1, v48  }
0x1b4: {  	v35 =	vmul.f32 v0, v53;
	v19 =	vsub.f32 $0.0e+00, v31;
	v48 =	vunpack.i.l.bf16.f32 v8  }
0x1b5: {  	v10 =	vmul.f32 v48, v60;
	v33 =	vadd.f32 v9, v15;
	v15 =	vunpack.i.u.bf16.f32 v8  }
0x1b6: {  	v8 =	vmul.f32 $1.442695020e+00, v19;
	v19 =	vadd.f32 v32, v55;
	v32 =	vadd.f32 v16, v13  }
0x1b7: {  	[tilespmem:s10+$0xC0] =	vst v43;
	v16 =	vunpack.i.u.bf16.f32 v37;
	v11 =	vmul.f32 v15, v58;
	v58 =	vmul.f32 v30, v24  }
0x1b8: {  	[tilespmem:s10+$0xD0] =	vst v30;
	v24 =	vadd.f32 $1.000000000e+00, v27;
	v27 =	vmul.f32 $1.442695020e+00, v34;
	v37 =	vmul.f32 v16, v62  }
0x1b9: {  	[tilespmem:s10+$0x60] =	vst v40;
	(erf) = vpow2.f32 v8;
	v8 =	vsub.f32 $0.0e+00, v21;
	v30 =	vadd.f32 v10, v11;
	v10 =	vpop (erf)  }
0x1ba: {  	[tilespmem:s10+$0x70] =	vst v41;
	v11 =	vunpack.i.l.bf16.f32 v38;
	v60 =	vmul.bf16 v10, v28;
	v10 =	vsub.f32 $0.0e+00, v19  }
0x1bb: {  	[tilespmem:s10+$0xB0] =	vst v59;
	v13 =	vunpack.i.l.bf16.f32 v39;
	v28 =	vmul.f32 $1.442695020e+00, v8;
	v34 =	vmul.f32 v11, v53  }
0x1bc: {  	s7 =	simm.s32 $0x45B0;
	s13 =	simm.s32 $0x9;
	s14 =	simm.s32 $0x1480;
	[tilespmem:s10+$0xA0] =	vst v58;
	v29 =	vmul.f32 $1.442695020e+00, v10;
	v10 =	vunpack.i.u.bf16.f32 v60;
	v9 =	vunpack.i.l.bf16.f32 v60  }
.LBB2_3:
0x1bd: {  	[tilespmem:$0x1FB70] =	vst v61;
	v61 =	vld [tilespmem:$0x1FFF0]  }
0x1be: {  	v38 =	vld [tilespmem:s14+$0xFFFFF0B0]  }
0x1bf: {  	[tilespmem:$0x1FB60] =	vst v44;
	v44 =	vld [tilespmem:s14+$0xB0]  }
0x1c0: {  	v39 =	vmul.f32 v17, v50;
	v40 =	vld [tilespmem:s14+$0xFFFFF0A0];
	v3 =	vmul.f32 v10, v50;
	v35 =	vadd.f32 v35, v37  }
0x1c1: {  	v30 =	vadd.f32 v30, v33;
	v34 =	vadd.f32 v34, v36;
	(erf) = vpow2.f32 v28;
	v28 =	vld [tilespmem:s14+$0xA0]  }
0x1c2: {  	(erf) = vpow2.f32 v29;
	v62 =	vmul.f32 v13, v61  }
0x1c3: {  	[tilespmem:$0x1FB80] =	vst v51;
	v29 =	vld [tilespmem:s14+$0xFFFFF080];
	v32 =	vadd.f32 v35, v32;
	v30 =	vadd.f32 v34, v30;
	v51 =	vmul.f32 v9, v61  }
0x1c4: {  	[tilespmem:$0x1FB50] =	vst v54;
	v38 =	vsub.bf16 v38, v44;
	v54 =	vpop (erf);
	(erf) = vrcp.f32 v24;
	v24 =	vld [tilespmem:s14+$0x80];
	v37 =	vadd.f32 v62, v39  }
0x1c5: {  	v53 =	vadd.f32 v51, v3;
	v35 =	vadd.f32 $1.000000000e+00, v54;
	(erf) = vrcp.f32 v25;
	v25 =	vld [tilespmem:s14+$0xFFFFF090]  }
0x1c6: {  	v39 =	vsub.bf16 v40, v28;
	v54 =	vimm.bf16 $0.0e+00;
	(erf) = vpow2.f32 v26;
	v26 =	vld [tilespmem:s14+$0x90]  }
0x1c7: {  	v58 =	vld [tilespmem:s14+$0xFFFFF010];
	v28 =	vsub.bf16 v54, v38;
	v32 =	vadd.f32 v37, v32;
	(erf) = vrcp.f32 v35  }
0x1c8: {  	v59 =	vld [tilespmem:s14+$0x50];
	v30 =	vadd.f32 v53, v30;
	v53 =	vimm.bf16 $1.4450e+00  }
0x1c9: {  	v34 =	vld [tilespmem:s14+$0x40];
	(erf) = vpow2.f32 v27;
	v3 =	vmul.bf16 v53, v28;
	(xrf2) =	vadd.scan.msk.f32 $0xffff, v32  }
0x1ca: {  	v27 =	vld [tilespmem:s14+$0x10];
	v41 =	vsub.bf16 v29, v24;
	v24 =	vpop (erf)  }
0x1cb: {  	v29 =	vsub.bf16 v54, v39;
	v42 =	vsub.bf16 v25, v26;
	v25 =	vpop (erf);
	(erf) = vpow2.bf16 v3;
	v3 =	vld [tilespmem:$0x1FDA0]  }
0x1cc: {  	v51 =	vld [tilespmem:s14+$0xFFFFF000];
	(xrf2) =	vadd.scan.msk.f32 $0xffff, v30  }
0x1cd: {  	v32 =	vld [tilespmem:s14+$0x0];
	v26 =	vsub.bf16 v54, v41;
	v29 =	vmul.bf16 v53, v29;
	v28 =	vpop (erf)  }
0x1ce: {  	v6 =	vmov v5;
	v35 =	vld [tilespmem:s14+$0xFFFFF050];
	v50 =	vsub.bf16 v54, v42;
	v43 =	vpop (erf)  }
0x1cf: {  	v5 =	vmov v45;
	v30 =	vld [tilespmem:s14+$0xFFFFF040];
	v7 =	vmul.bf16 v53, v26;
	(erf) = vpow2.bf16 v29;
	v45 =	vpop (erf)  }
0x1d0: {  	v36 =	vsub.bf16 v58, v27;
	v29 =	vmul.bf16 v53, v50;
	v28 =	vmul.f32 v28, v3;
	v58 =	vpop (erf);
	v3 =	vld [tilespmem:$0x1FDB0]  }
0x1d1: {  	v27 =	vld [tilespmem:s14+$0xFFFFF020];
	[tilespmem:s8+$0xFFFFFFB0] =	vst v45;
	(erf) = vpow2.bf16 v7;
	v33 =	vmul.f32 v58, v31  }
0x1d2: {  	v37 =	vsub.bf16 v51, v32;
	v40 =	vpop (erf);
	v32 =	vld [tilespmem:s14+$0xFFFFF030]  }
0x1d3: {  	v44 =	vld [tilespmem:s14+$0x30];
	(erf) = vpow2.bf16 v29;
	v26, _, _ =	vpop (xrf2);
	v29 =	vmul.f32 $1.442695020e+00, v33  }
0x1d4: {  	[tilespmem:$0x1FBA0] =	vst v9;
	v9 =	vmovc v63;
	v7 =	vmov v47;
	v47 =	vbroadcast v26, $0xF;
	v26 =	vmul.f32 $1.442695020e+00, v28;
	v28 =	vld [tilespmem:s14+$0x60]  }
0x1d5: {  	v63 =	vmovc v4;
	v4 =	vmovc v46;
	v46 =	vmul.f32 v43, v3;
	v3 =	vmov v21;
	v21 =	vld [tilespmem:s14+$0x20];
	(erf) = vpow2.f32 v29  }
0x1d6: {  	v30 =	vsub.bf16 v30, v34;
	v31 =	vsub.bf16 v35, v59;
	v59, _, _ =	vpop (xrf2);
	v43 =	vld [tilespmem:s14+$0xFFFFF060];
	[tilespmem:s8+$0x40] =	vst v40  }
0x1d7: {  	v8 =	vsub.bf16 v54, v36;
	v58 =	vbroadcast v59, $0xF;
	v59 =	vld [tilespmem:s14+$0xFFFFF070]  }
0x1d8: {  	v33 =	vsub.bf16 v54, v30;
	[tilespmem:$0x1FDA0] =	vst v3;
	v60 =	vld [tilespmem:s14+$0x70];
	v3 =	vmov v19  }
0x1d9: {  	v62 =	vmov v49;
	v29 =	vsub.bf16 v54, v37;
	[tilespmem:$0x1FDB0] =	vst v3;
	v3 =	vmul.bf16 v53, v8  }
0x1da: {  	v19 =	vpop (erf);
	v8 =	vmul.bf16 v53, v33;
	v35 =	vsub.bf16 v27, v21;
	v21 =	vadd.f32 v47, v55  }
0x1db: {  	v34 =	vsub.bf16 v43, v28;
	v28 =	vadd.bf16 v52, v19;
	v27 =	vpop (erf);
	(erf) = vpow2.bf16 v3  }
0x1dc: {  	v47 =	vmul.bf16 v53, v29;
	v19 =	vadd.f32 v58, v55;
	v58 =	vpop (erf);
	v29 =	vsub.bf16 v54, v35  }
0x1dd: {  	v33 =	vsub.bf16 v32, v44;
	v3 =	vimm.bf16 $1.0000e+00;
	v32 =	vsub.bf16 v59, v60;
	v59 =	vpop (erf)  }
0x1de: {  	(erf) = vpow2.bf16 v8;
	v49 =	vmul.bf16 v53, v29;
	v29 =	vsub.bf16 v54, v34;
	v43 =	vpop (erf)  }
0x1df: {  	v27 =	vadd.bf16 v52, v27;
	v50 =	vadd.bf16 v3, v59;
	v59 =	vld [tilespmem:$0x1FCA0];
	v23 =	vmul.f32 v43, v23  }
0x1e0: {  	[tilespmem:$0x1FB90] =	vst v10;
	s10 =	sadd.s32 $0x1B0, s10;
	(erf) = vrcp.bf16 v28;
	v52 =	vmul.bf16 v53, v29;
	v29 =	vadd.bf16 v3, v58;
	v58 =	vld [tilespmem:$0x1FBB0]  }
0x1e1: {  	v10 =	vmov v48;
	v48 =	vsub.bf16 v54, v31;
	v44 =	vsub.bf16 v54, v33;
	[tilespmem:s10+$0xC0] =	vst v23;
	v23 =	vld [tilespmem:$0x1FBC0]  }
0x1e2: {  	v51 =	vsub.bf16 v54, v32;
	(erf) = vrcp.bf16 v27  }
0x1e3: {  	v48 =	vmul.bf16 v53, v48;
	v44 =	vmul.bf16 v53, v44;
	v27 =	vsub.f32 $0.0e+00, v19  }
0x1e4: {  	v55 =	vld [tilespmem:$0x1FBD0];
	v51 =	vmul.bf16 v53, v51;
	(erf) = vrcp.bf16 v29  }
0x1e5: {  	v29 =	vmul.f32 $1.442695020e+00, v27;
	v60 =	vpop (erf);
	v53 =	vmul.f32 v45, v58;
	v58 =	vld [tilespmem:$0x1FC30]  }
0x1e6: {  	v27 =	vmul.f32 $1.442695020e+00, v46;
	v46 =	vadd.bf16 v3, v60;
	v23 =	vmul.f32 v45, v23;
	v60 =	vmovc v59;
	v59 =	vld [tilespmem:$0x1FC40]  }
0x1e7: {  	v8 =	vmov v56;
	v56 =	vld [tilespmem:$0x1FCD0]  }
0x1e8: {  	[tilespmem:s8+$0xFFFFFF30] =	vst v23;
	v23 =	vld [tilespmem:$0x1FBE0]  }
0x1e9: {  	(erf) = vrcp.bf16 v50;
	v50 =	vmul.f32 v45, v55  }
0x1ea: {  	v54 =	vmul.f32 v45, v58;
	v58 =	vld [tilespmem:$0x1FC70]  }
0x1eb: {  	[tilespmem:s8+$0xFFFFFF40] =	vst v50;
	v50 =	vmul.f32 v45, v59;
	v59 =	vld [tilespmem:$0x1FC80];
	_ =	sdelay $0x1  }
0x1ec: {  	[tilespmem:$0x1FBB0] =	vst v60;
	v60 =	vmov v56;
	v23 =	vmul.f32 v45, v23  }
0x1ed: {  	[tilespmem:$0x1FBE0] =	vst v60;
	v60 =	vld [tilespmem:$0x1FDF0]  }
0x1ee: {  	[tilespmem:s8+$0xFFFFFF60] =	vst v23;
	v23 =	vld [tilespmem:$0x1FBF0]  }
0x1ef: {  	[tilespmem:s8+$0xFFFFFF50] =	vst v53;
	v53 =	vmul.f32 v45, v58;
	v58 =	vmov v22;
	v45 =	vmul.f32 v45, v59;
	v59 =	vld [tilespmem:$0x1FDC0]  }
0x1f0: {  	[tilespmem:$0x1FDF0] =	vst v58;
	v58 =	vld [tilespmem:$0x1FC10];
	_ =	sdelay $0x1  }
0x1f1: {  	(erf) = vpow2.bf16 v47  }
0x1f2: {  	v56 =	vmov v60  }
0x1f3: {  	v47 =	vpop (erf);
	(erf) = vpow2.bf16 v48;
	[tilespmem:$0x1FCD0] =	vst v56;
	v56 =	vld [tilespmem:$0x1FC00]  }
0x1f4: {  	[tilespmem:s8+$0xFFFFFF70] =	vst v54;
	v23 =	vmul.f32 v40, v23;
	v60 =	vmov v59;
	v54 =	vmul.f32 v40, v58;
	v58 =	vld [tilespmem:$0x1FC20]  }
0x1f5: {  	v59 =	vmov v20;
	[tilespmem:$0x1FCA0] =	vst v60;
	v60 =	vld [tilespmem:$0x1FCC0]  }
0x1f6: {  	v48 =	vpop (erf);
	(erf) = vpow2.bf16 v49;
	[tilespmem:$0x1FDC0] =	vst v59;
	v59 =	vld [tilespmem:$0x1FDE0]  }
0x1f7: {  	[tilespmem:s8+$0xFFFFFFA0] =	vst v45;
	v45 =	vld [tilespmem:$0x1FDD0]  }
0x1f8: {  	v22 =	vpop (erf);
	(erf) = vpow2.bf16 v52;
	v49 =	vmul.f32 v40, v56;
	v56 =	vld [tilespmem:$0x1FC50];
	[tilespmem:s8+$0xFFFFFFC0] =	vst v23;
	v23 =	vmov v2  }
0x1f9: {  	[tilespmem:$0x1FDD0] =	vst v23;
	v23 =	vld [tilespmem:$0x1FCF0]  }
0x1fa: {  	[tilespmem:s8+$0xFFFFFF80] =	vst v50;
	v20 =	vpop (erf);
	(erf) = vpow2.bf16 v44;
	v44 =	vmul.f32 v40, v57;
	v57 =	vld [tilespmem:$0x1FFA0]  }
0x1fb: {  	[tilespmem:s8+$0xFFFFFF90] =	vst v53;
	v50 =	vmul.f32 v40, v58;
	v58 =	vld [tilespmem:$0x1FC60];
	v55 =	vmov v60;
	v60 =	vmov v59  }
0x1fc: {  	v59 =	vmov v18;
	[tilespmem:$0x1FCC0] =	vst v60;
	v60 =	vld [tilespmem:$0x1FCB0]  }
0x1fd: {  	[tilespmem:$0x1FDE0] =	vst v59;
	v59 =	vld [tilespmem:$0x1FFC0]  }
0x1fe: {  	[tilespmem:s8+$0xFFFFFFF0] =	vst v50;
	v50 =	vld [tilespmem:$0x1FE00];
	v2 =	vmov v23  }
0x1ff: {  	v23 =	vmov v1;
	[tilespmem:$0x1FC00] =	vst v2;
	v2 =	vmul.bf16 v22, v39;
	v22 =	vmul.bf16 v48, v38;
	v48 =	vld [tilespmem:$0x1FE10]  }
0x200: {  	[tilespmem:$0x1FE10] =	vst v23;
	v23 =	vld [tilespmem:$0x1FCE0]  }
0x201: {  	[tilespmem:s8+$0xFFFFFFD0] =	vst v49;
	v18 =	vpop (erf);
	v53 =	vmul.f32 v40, v58;
	v58 =	vld [tilespmem:$0x1FFB0]  }
0x202: {  	v52 =	vmul.f32 v40, v56;
	v56 =	vld [tilespmem:$0x1FF90];
	[tilespmem:$0x1FBD0] =	vst v55;
	v18 =	vmul.bf16 v18, v42  }
0x203: {  	v20 =	vmul.bf16 v20, v41;
	v55 =	vmov v60;
	v60 =	vmov v50;
	[tilespmem:s8+$0x10] =	vst v53;
	v53 =	vld [tilespmem:$0x1FFE0]  }
0x204: {  	v41 =	vunpack.i.u.bf16.f32 v18;
	[tilespmem:$0x1FCE0] =	vst v60;
	v60 =	vld [tilespmem:$0x1FFD0]  }
0x205: {  	v18 =	vunpack.i.l.bf16.f32 v18;
	v39 =	vunpack.i.u.bf16.f32 v20;
	v20 =	vunpack.i.l.bf16.f32 v20;
	[tilespmem:$0x1FBC0] =	vst v55  }
0x206: {  	v55 =	vmovc v45;
	v49 =	vmovc v48;
	v1 =	vmov v23;
	v45 =	vmul.f32 v18, v58;
	v48 =	vmul.f32 v41, v59  }
0x207: {  	v23 =	vmul.f32 v39, v57;
	[tilespmem:$0x1FBF0] =	vst v1;
	v1 =	vmul.f32 v20, v56  }
0x208: {  	v38 =	vpop (erf);
	[tilespmem:$0x1FCF0] =	vst v49;
	v49 =	vunpack.i.l.bf16.f32 v2;
	v2 =	vunpack.i.u.bf16.f32 v2;
	v45 =	vadd.f32 v45, v48  }
0x209: {  	v42 =	vpop (erf);
	v48 =	vmul.f32 v2, v53;
	v50 =	vmul.f32 v49, v60;
	v1 =	vadd.f32 v1, v23  }
0x20a: {  	[tilespmem:s8+$0xFFFFFFE0] =	vst v54;
	v54 =	vpop (erf)  }
0x20b: {  	[tilespmem:s8+$0x20] =	vst v44;
	v44 =	vpop (erf);
	(erf) = vpow2.bf16 v51;
	v1 =	vadd.f32 v45, v1;
	v45 =	vadd.f32 v50, v48;
	v50 =	vld [tilespmem:$0x1FF80];
	_ =	sdelay $0x1  }
0x20c: {  	v47 =	vadd.bf16 v3, v47;
	v51 =	vadd.bf16 v3, v38;
	(erf) = vrcp.bf16 v46  }
0x20d: {  	[tilespmem:s8+$0x0] =	vst v52;
	v52 =	vunpack.i.l.bf16.f32 v22  }
0x20e: {  	v38 =	vadd.bf16 v3, v42;
	v42 =	vpop (erf);
	(erf) = vrcp.bf16 v51;
	v23 =	vunpack.i.u.bf16.f32 v22  }
0x20f: {  	v22 =	vmul.f32 v52, v61;
	v48 =	vmul.f32 v23, v50  }
0x210: {  	v44 =	vadd.bf16 v3, v44;
	(erf) = vrcp.bf16 v47;
	v47 =	vmov v20;
	v20 =	vld [tilespmem:$0x1FD00]  }
0x211: {  	v61 =	vmovc v14;
	v14 =	vmov v4;
	v1 =	vadd.f32 v45, v1;
	v22 =	vadd.f32 v22, v48;
	v48 =	vld [tilespmem:$0x1FD10]  }
0x212: {  	v45 =	vadd.bf16 v3, v54;
	[tilespmem:$0x1FD10] =	vst v14;
	v14 =	vadd.bf16 v3, v42;
	v3 =	vld [tilespmem:$0x1FE30];
	_ =	sdelay $0x4  }
0x213: {  	v46 =	vmov v15;
	[tilespmem:$0x1FE00] =	vst v61;
	v61 =	vld [tilespmem:$0x1FC90];
	v15 =	vmul.f32 v43, v3;
	v3 =	vmov v20  }
0x214: {  	[tilespmem:$0x1FC10] =	vst v3;
	v3 =	vld [tilespmem:$0x1FE40];
	_ =	sdelay $0x4  }
0x215: {  	v40 =	vmul.f32 v40, v61;
	v61 =	vmovc v48;
	v48 =	vmul.f32 v43, v3;
	v3 =	vmov v41  }
0x216: {  	v1 =	vadd.f32 v22, v1;
	[tilespmem:$0x1FE40] =	vst v3;
	v3 =	vld [tilespmem:$0x1FE50];
	_ =	sdelay $0x1  }
0x217: {  	(xrf2) =	vadd.scan.msk.f32 $0xffff, v1;
	v1 =	vmul.f32 v43, v9;
	_ =	sdelay $0x1  }
0x218: {  	v9 =	vmov v49;
	[tilespmem:s10+$0x70] =	vst v1;
	v1 =	vmul.f32 v43, v6;
	v6 =	vld [tilespmem:$0x1FB50]  }
0x219: {  	[tilespmem:$0x1FE50] =	vst v9;
	v9 =	vld [tilespmem:$0x1FD30];
	v20 =	vmul.f32 v43, v3;
	v3 =	vmov v5  }
0x21a: {  	[tilespmem:$0x1FD00] =	vst v3;
	v3 =	vld [tilespmem:$0x1FE60]  }
0x21b: {  	v63 =	vmul.f32 v43, v63;
	_ =	sdelay $0x1  }
0x21c: {  	[tilespmem:s10+$0xA0] =	vst v1;
	v1 =	vld [tilespmem:$0x1FD50]  }
0x21d: {  	[tilespmem:s10+$0x60] =	vst v63  }
0x21e: {  	v63 =	vmovc v18;
	[tilespmem:s10+$0x50] =	vst v15;
	v15 =	vmov v9;
	v9 =	vld [tilespmem:$0x1FD20];
	v18 =	vmul.f32 v43, v3;
	v3 =	vmov v6  }
0x21f: {  	[tilespmem:$0x1FD20] =	vst v3;
	v3 =	vld [tilespmem:$0x1FB60];
	_ =	sdelay $0x1  }
0x220: {  	v54 =	vmov v0;
	v0 =	vmov v1;
	_ =	sdelay $0x2  }
0x221: {  	[tilespmem:$0x1FC60] =	vst v0;
	v0 =	vmov v3;
	v3 =	vld [tilespmem:$0x1FD40];
	_ =	sdelay $0x1  }
0x222: {  	(erf) = vrcp.bf16 v38;
	_ =	sdelay $0x1  }
0x223: {  	(erf) = vrcp.bf16 v45;
	v45 =	vmov v10  }
0x224: {  	v5 =	vmov v2;
	v2 =	vpop (erf);
	v6 =	vmov v3;
	v3 =	vmov v62  }
0x225: {  	v10 =	vmov v7;
	v7 =	vmov v9;
	v9 =	vpop (erf);
	(erf) = vrcp.bf16 v44;
	[tilespmem:$0x1FD40] =	vst v3;
	v3 =	vld [tilespmem:$0x1FD70]  }
0x226: {  	v22 =	vmov v52;
	v52 =	vimm.bf16 $1.0000e+00  }
0x227: {  	v2 =	vadd.bf16 v52, v2;
	v1 =	vpop (erf);
	(erf) = vrcp.bf16 v14;
	_ =	sdelay $0x1  }
0x228: {  	[tilespmem:$0x1FD50] =	vst v0;
	v0 =	vpop (erf);
	(erf) = vrcp.bf16 v2;
	v2 =	vld [tilespmem:$0x1FD60]  }
0x229: {  	[tilespmem:$0x1FD30] =	vst v10;
	v10 =	vmul.bf16 v9, v36;
	v9 =	vmov v3;
	v3 =	vld [tilespmem:$0x1FB70];
	_ =	sdelay $0x2  }
0x22a: {  	[tilespmem:$0x1FE60] =	vst v22  }
0x22b: {  	v49 =	vmov v11;
	[tilespmem:s10+$0x90] =	vst v20;
	v11 =	vpop (erf)  }
0x22c: {  	[tilespmem:$0x1FC30] =	vst v7;
	v22 =	vunpack.i.u.bf16.f32 v10;
	v20 =	vunpack.i.l.bf16.f32 v10;
	v10 =	vmul.bf16 v11, v31;
	v11 =	vld [tilespmem:$0x1FD90];
	v7 =	vmovc v3;
	v3 =	vmovc v2  }
0x22d: {  	[tilespmem:$0x1FC70] =	vst v3;
	v3 =	vld [tilespmem:$0x1FE20];
	_ =	sdelay $0x3  }
0x22e: {  	[tilespmem:$0x1FC50] =	vst v6;
	v6 =	vmul.bf16 v1, v37;
	v1, _, _ =	vpop (xrf2)  }
0x22f: {  	[tilespmem:$0x1FD70] =	vst v7;
	v7 =	vbroadcast v1, $0xF;
	v1 =	vmov v3;
	v3 =	vmov v11  }
0x230: {  	[tilespmem:$0x1FC90] =	vst v3;
	v3 =	vld [tilespmem:$0x1FB80]  }
0x231: {  	v0 =	vmul.bf16 v0, v30;
	_ =	sdelay $0x1  }
0x232: {  	[tilespmem:$0x1FCB0] =	vst v55  }
0x233: {  	[tilespmem:$0x1FC20] =	vst v61  }
0x234: {  	v55 =	vld [tilespmem:$0x1FF70];
	v14 =	vunpack.i.l.bf16.f32 v0;
	[tilespmem:$0x1FD60] =	vst v1;
	v1 =	vunpack.i.u.bf16.f32 v0;
	v0 =	vmov v3  }
0x235: {  	v28 =	vsub.f32 $0.0e+00, v21;
	[tilespmem:$0x1FD90] =	vst v0;
	v0 =	vld [tilespmem:$0x1FB90]  }
0x236: {  	[tilespmem:s10+$0x80] =	vst v48  }
0x237: {  	v24 =	vadd.f32 $1.000000000e+00, v24;
	v25 =	vadd.f32 $1.000000000e+00, v25;
	v28 =	vmul.f32 $1.442695020e+00, v28;
	[tilespmem:$0x1FC40] =	vst v15  }
0x238: {  	v61 =	vmovc v17;
	[tilespmem:s10+$0xB0] =	vst v18;
	v17 =	vmul.f32 v20, v58;
	v36 =	vmul.f32 v22, v59;
	v15 =	vunpack.i.u.bf16.f32 v10  }
0x239: {  	v48 =	vunpack.i.l.bf16.f32 v10;
	v10 =	vmul.f32 v14, v56;
	v18 =	vunpack.i.u.bf16.f32 v6;
	[tilespmem:$0x1FC80] =	vst v9;
	v9 =	vpop (erf)  }
0x23a: {  	v37 =	vmul.f32 v48, v58;
	v31 =	vadd.f32 v7, v55;
	v51 =	vmov v0;
	v0 =	vpop (erf)  }
0x23b: {  	v38 =	vmul.f32 v15, v59;
	v2 =	vunpack.i.l.bf16.f32 v6;
	v6 =	vmovc v13;
	v34 =	vmul.bf16 v0, v34;
	v0 =	vld [tilespmem:$0x1FD80]  }
0x23c: {  	v44 =	vmovc v12;
	v13 =	vmul.f32 v18, v57;
	[tilespmem:$0x1FE20] =	vst v6;
	v6 =	vmul.bf16 v9, v35;
	v12 =	vsub.f32 $0.0e+00, v31  }
0x23d: {  	[tilespmem:s8+$0x30] =	vst v40;
	v59 =	vadd.f32 v17, v36;
	v30 =	vmul.f32 v2, v56;
	v35 =	vmul.f32 v1, v57;
	v11 =	vpop (erf)  }
0x23e: {  	s13 =	sadd.s32 $0x3, s13;
	[tilespmem:$0x1FE30] =	vst v47;
	v47 =	vmovc v16;
	v16 =	vunpack.i.u.bf16.f32 v6;
	v62 =	vmul.f32 $1.442695020e+00, v12;
	v40 =	vmul.bf16 v11, v33  }
0x23f: {  	p2 =	slt.u32 s13, $0x3C;
	v3 =	vld [tilespmem:$0x1FBA0];
	v33 =	vadd.f32 v10, v35;
	v12 =	vunpack.i.u.bf16.f32 v34;
	v11 =	vunpack.i.l.bf16.f32 v34  }
.Ltmp0:
0x240: {  	v17 =	vunpack.i.u.bf16.f32 v40;
	v34 =	vmul.f32 v11, v60;
	v36 =	vmul.f32 v12, v53;
	v57 =	vmovc v0;
	(pc) =	sbr.rel @p2 .LBB2_3-.Ltmp0, $4  }
0x241: {  	v0 =	vmov v8;
	v8 =	vadd.f32 v30, v13;
	v13 =	vpop (erf);
	(erf) = vpow2.f32 v62  }
0x242: {  	v30 =	vadd.f32 v37, v38;
	[tilespmem:$0x1FD80] =	vst v0;
	v0 =	vunpack.i.l.bf16.f32 v6;
	v62 =	vmul.bf16 v13, v32  }
0x243: {  	s14 =	sadd.s32 $0xC0, s14;
	v37 =	vmul.f32 v16, v53;
	v13 =	vunpack.i.l.bf16.f32 v40;
	v35 =	vmul.f32 v0, v60  }
0x244: {  	[tilespmem:s10+$0xD0] =	vst v43;
	v4 =	vmovc v39;
	s8 =	smov.u32 s21;
	s21 =	smov.u32 s7;
	s7 =	smov.u32 s10;
	v56 =	vmovc v3;
	v32 =	vadd.f32 v59, v8;
	v10 =	vunpack.i.u.bf16.f32 v62;
	v9 =	vunpack.i.l.bf16.f32 v62  }
0x245: {  	_ =	sdelay $0x2  }
0x246: {  	(erf) = vpow2.f32 v28  }
0x247: {  	(erf) = vpow2.f32 v29  }
0x248: {  	(erf) = vrcp.f32 v24;
	v24 =	vpop (erf)  }
0x249: {  	(erf) = vrcp.f32 v25;
	v24 =	vadd.f32 $1.000000000e+00, v24  }
0x24a: {  	(erf) = vpow2.f32 v26  }
0x24b: {  	(erf) = vrcp.f32 v24;
	_ =	sdelay $0x3  }
0x24c: {  	v24 =	vpop (erf)  }
0x24d: {  	v25 =	vpop (erf)  }
0x24e: {  	v26 =	vpop (erf)  }
0x24f: {  	v28 =	vpop (erf)  }
0x250: {  	v29 =	vpop (erf)  }
0x251: {  	v38 =	vpop (erf)  }
0x252: {  	v31 =	vmul.f32 v38, v31;
	_ =	sdelay $0x1  }
0x253: {  	v31 =	vmul.f32 $1.442695020e+00, v31  }
0x254: {  	(erf) = vpow2.f32 v27  }
0x255: {  	(erf) = vpow2.f32 v31;
	_ =	sdelay $0x4  }
0x256: {  	v3 =	vld [tilespmem:$0x1FBC0];
	_ =	sdelay $0x2  }
0x257: {  	v27 =	vpop (erf)  }
0x258: {  	v31 =	vpop (erf)  }
0x259: {  	v58 =	vmul.f32 v29, v3;
	v3 =	vld [tilespmem:$0x1FBD0];
	v23 =	vmul.f32 v31, v23  }
0x25a: {  	s10 =	sadd.s32 $0x1B0, s10  }
0x25b: {  	[tilespmem:s10+$0xC0] =	vst v23  }
0x25c: {  	v41 =	vld [tilespmem:$0x1FFF0];
	[tilespmem:s8+$0xFFFFFFB0] =	vst v29  }
0x25d: {  	[tilespmem:s8+$0xFFFFFF30] =	vst v58  }
0x25e: {  	v59 =	vmul.f32 v29, v3;
	v3 =	vld [tilespmem:$0x1FBB0];
	_ =	sdelay $0x3  }
0x25f: {  	[tilespmem:s8+$0xFFFFFF40] =	vst v59  }
0x260: {  	v35 =	vadd.f32 v35, v37;
	v37 =	vmul.f32 v29, v3;
	v3 =	vld [tilespmem:$0x1FBE0];
	_ =	sdelay $0x3  }
0x261: {  	[tilespmem:s8+$0xFFFFFF50] =	vst v37  }
0x262: {  	v40 =	vmul.f32 v29, v3;
	v3 =	vld [tilespmem:$0x1FC30];
	_ =	sdelay $0x3  }
0x263: {  	[tilespmem:s8+$0xFFFFFF60] =	vst v40  }
0x264: {  	v42 =	vmul.f32 v29, v3;
	v3 =	vld [tilespmem:$0x1FC40];
	_ =	sdelay $0x3  }
0x265: {  	v60 =	vmul.f32 v17, v50;
	v23 =	vmul.f32 v13, v41;
	[tilespmem:s8+$0xFFFFFF70] =	vst v42  }
0x266: {  	v43 =	vmul.f32 v29, v3;
	v3 =	vld [tilespmem:$0x1FC70]  }
0x267: {  	v32 =	vadd.f32 v35, v32;
	v23 =	vadd.f32 v23, v60;
	_ =	sdelay $0x1  }
0x268: {  	v23 =	vadd.f32 v23, v32;
	_ =	sdelay $0x1  }
0x269: {  	(xrf2) =	vadd.scan.msk.f32 $0xffff, v23;
	v23 =	vmul.f32 v29, v3;
	v3 =	vld [tilespmem:$0x1FC80];
	_ =	sdelay $0x4  }
0x26a: {  	[tilespmem:s8+$0xFFFFFF80] =	vst v43;
	v29 =	vmul.f32 v29, v3  }
0x26b: {  	[tilespmem:s8+$0xFFFFFF90] =	vst v23  }
0x26c: {  	[tilespmem:s8+$0xFFFFFFA0] =	vst v29  }
0x26d: {  	v3 =	vld [tilespmem:$0x1FBF0];
	_ =	sdelay $0x3  }
0x26e: {  	[tilespmem:s8+$0x40] =	vst v27  }
0x26f: {  	v23 =	vmul.f32 v27, v3;
	v3 =	vld [tilespmem:$0x1FC00];
	_ =	sdelay $0x3  }
0x270: {  	[tilespmem:s8+$0xFFFFFFC0] =	vst v23  }
0x271: {  	v29 =	vmul.f32 v27, v3;
	v3 =	vld [tilespmem:$0x1FC10];
	_ =	sdelay $0x3  }
0x272: {  	[tilespmem:s8+$0xFFFFFFD0] =	vst v29  }
0x273: {  	v23 =	vmul.f32 v27, v3;
	v3 =	vld [tilespmem:$0x1FC20];
	_ =	sdelay $0x3  }
0x274: {  	[tilespmem:s8+$0xFFFFFFE0] =	vst v23  }
0x275: {  	v29 =	vmul.f32 v27, v3;
	v3 =	vld [tilespmem:$0x1FC50];
	_ =	sdelay $0x3  }
0x276: {  	[tilespmem:s8+$0xFFFFFFF0] =	vst v29  }
0x277: {  	v23 =	vmul.f32 v27, v3;
	v3 =	vld [tilespmem:$0x1FC60];
	_ =	sdelay $0x4  }
0x278: {  	v29 =	vmul.f32 v27, v3  }
0x279: {  	[tilespmem:s8+$0x0] =	vst v23  }
0x27a: {  	[tilespmem:s8+$0x10] =	vst v29  }
0x27b: {  	v3 =	vld [tilespmem:$0x1FC90];
	_ =	sdelay $0x1  }
0x27c: {  	v23 =	vmul.f32 v27, v57;
	_ =	sdelay $0x1  }
0x27d: {  	[tilespmem:s8+$0x20] =	vst v23  }
0x27e: {  	v27 =	vmul.f32 v27, v3;
	v3 =	vld [tilespmem:$0x1FE30];
	_ =	sdelay $0x2  }
0x27f: {  	v4 =	vmul.f32 v31, v4  }
0x280: {  	v30 =	vadd.f32 v30, v33;
	v39 =	vmul.f32 v10, v50;
	v62 =	vmul.f32 v9, v41;
	v29, _, _ =	vpop (xrf2)  }
0x281: {  	v34 =	vadd.f32 v34, v36;
	v23 =	vbroadcast v29, $0xF;
	[tilespmem:s10+$0x60] =	vst v4;
	v29 =	vmul.f32 v31, v3  }
0x282: {  	[tilespmem:s8+$0x30] =	vst v27  }
0x283: {  	v30 =	vadd.f32 v34, v30;
	v39 =	vadd.f32 v62, v39;
	[tilespmem:s10+$0x50] =	vst v29  }
0x284: {  	v3 =	vld [tilespmem:$0x1FE40]  }
0x285: {  	v30 =	vadd.f32 v39, v30;
	_ =	sdelay $0x1  }
0x286: {  	(xrf2) =	vadd.scan.msk.f32 $0xffff, v30  }
0x287: {  	v6 =	vmul.f32 v31, v63  }
0x288: {  	v3 =	vmul.f32 v31, v3  }
0x289: {  	[tilespmem:s10+$0x70] =	vst v6  }
0x28a: {  	[tilespmem:s10+$0x80] =	vst v3  }
0x28b: {  	v7 =	vld [tilespmem:$0x1FE50];
	_ =	sdelay $0x2  }
0x28c: {  	v23 =	vadd.f32 v23, v55;
	_ =	sdelay $0x1  }
0x28d: {  	v30, _, _ =	vpop (xrf2);
	v6 =	vsub.f32 $0.0e+00, v23;
	v7 =	vmul.f32 v31, v7  }
0x28e: {  	v5 =	vmul.f32 v31, v5;
	v27 =	vbroadcast v30, $0xF;
	[tilespmem:s10+$0xD0] =	vst v31  }
0x28f: {  	v6 =	vmul.f32 $1.442695020e+00, v6;
	v8 =	vld [tilespmem:$0x1FE60];
	[tilespmem:s10+$0x90] =	vst v7  }
0x290: {  	v4 =	vadd.f32 v27, v55;
	v7 =	vadd.f32 $1.000000000e+00, v24;
	v24 =	vld [tilespmem:$0x1FDA0];
	[tilespmem:s10+$0xA0] =	vst v5  }
0x291: {  	(erf) = vpow2.f32 v6;
	v6 =	vld [tilespmem:$0x1FDB0]  }
0x292: {  	v3 =	vsub.f32 $0.0e+00, v4;
	_ =	sdelay $0x1  }
0x293: {  	v3 =	vmul.f32 $1.442695020e+00, v3  }
0x294: {  	v24 =	vmul.f32 v26, v24  }
0x295: {  	(erf) = vpow2.f32 v3;
	v5 =	vadd.f32 $1.000000000e+00, v25;
	v6 =	vmul.f32 v28, v6  }
0x296: {  	(erf) = vrcp.f32 v7;
	v3 =	vmul.f32 $1.442695020e+00, v24  }
0x297: {  	(erf) = vrcp.f32 v5;
	v6 =	vmul.f32 $1.442695020e+00, v6  }
0x298: {  	(erf) = vpow2.f32 v3  }
0x299: {  	(erf) = vpow2.f32 v6;
	_ =	sdelay $0x3  }
0x29a: {  	v3 =	vpop (erf)  }
0x29b: {  	v5 =	vpop (erf)  }
0x29c: {  	v27 =	vmul.f32 v31, v8;
	v6 =	vpop (erf)  }
0x29d: {  	v7 =	vpop (erf)  }
0x29e: {  	[tilespmem:s10+$0xB0] =	vst v27;
	v24 =	vpop (erf)  }
0x29f: {  	[tilespmem:s21+$0xFFFFFFB0] =	vst v24;
	v25 =	vpop (erf)  }
0x2a0: {  	v26 =	vld [tilespmem:$0x1FCB0];
	[tilespmem:s21+$0x40] =	vst v25  }
0x2a1: {  	v27 =	vld [tilespmem:$0x1FCC0];
	_ =	sdelay $0x3  }
0x2a2: {  	v26 =	vmul.f32 v24, v26  }
0x2a3: {  	v27 =	vmul.f32 v24, v27  }
0x2a4: {  	v6 =	vmul.f32 v6, v21;
	v21 =	vld [tilespmem:$0x1FCA0];
	[tilespmem:s21+$0xFFFFFF30] =	vst v26  }
0x2a5: {  	v7 =	vmul.f32 v7, v19;
	v19 =	vld [tilespmem:$0x1FCD0];
	[tilespmem:s21+$0xFFFFFF40] =	vst v27  }
0x2a6: {  	v26 =	vld [tilespmem:$0x1FD20];
	_ =	sdelay $0x2  }
0x2a7: {  	v21 =	vmul.f32 v24, v21  }
0x2a8: {  	v19 =	vmul.f32 v24, v19  }
0x2a9: {  	[tilespmem:s21+$0xFFFFFF50] =	vst v21;
	v26 =	vmul.f32 v24, v26  }
0x2aa: {  	v3 =	vadd.f32 $1.000000000e+00, v3;
	v21 =	vld [tilespmem:$0x1FD30];
	[tilespmem:s21+$0xFFFFFF60] =	vst v19  }
0x2ab: {  	v19 =	vld [tilespmem:$0x1FD60];
	[tilespmem:s21+$0xFFFFFF70] =	vst v26  }
0x2ac: {  	(erf) = vrcp.f32 v3;
	v3 =	vld [tilespmem:$0x1FD70];
	_ =	sdelay $0x2  }
0x2ad: {  	v21 =	vmul.f32 v24, v21  }
0x2ae: {  	v5 =	vadd.f32 $1.000000000e+00, v5;
	v19 =	vmul.f32 v24, v19  }
0x2af: {  	v6 =	vmul.f32 $1.442695020e+00, v6;
	[tilespmem:s21+$0xFFFFFF80] =	vst v21;
	v3 =	vmul.f32 v24, v3  }
0x2b0: {  	(erf) = vrcp.f32 v5;
	v5 =	vld [tilespmem:$0x1FCE0];
	[tilespmem:s21+$0xFFFFFF90] =	vst v19  }
0x2b1: {  	(erf) = vpow2.f32 v6;
	v6 =	vld [tilespmem:$0x1FCF0];
	[tilespmem:s21+$0xFFFFFFA0] =	vst v3  }
0x2b2: {  	v3 =	vld [tilespmem:$0x1FD00];
	_ =	sdelay $0x2  }
0x2b3: {  	v5 =	vmul.f32 v25, v5  }
0x2b4: {  	v6 =	vmul.f32 v25, v6  }
0x2b5: {  	[tilespmem:s21+$0xFFFFFFC0] =	vst v5;
	v3 =	vmul.f32 v25, v3  }
0x2b6: {  	v5 =	vld [tilespmem:$0x1FD10];
	[tilespmem:s21+$0xFFFFFFD0] =	vst v6  }
0x2b7: {  	v6 =	vld [tilespmem:$0x1FD40];
	[tilespmem:s21+$0xFFFFFFE0] =	vst v3  }
0x2b8: {  	v3 =	vld [tilespmem:$0x1FD50];
	_ =	sdelay $0x2  }
0x2b9: {  	v5 =	vmul.f32 v25, v5  }
0x2ba: {  	v6 =	vmul.f32 v25, v6  }
0x2bb: {  	[tilespmem:s21+$0xFFFFFFF0] =	vst v5;
	v3 =	vmul.f32 v25, v3  }
0x2bc: {  	v5 =	vld [tilespmem:$0x1FD80];
	[tilespmem:s21+$0x0] =	vst v6  }
0x2bd: {  	[tilespmem:s21+$0x10] =	vst v3  }
0x2be: {  	v3 =	vld [tilespmem:$0x1FD90];
	_ =	sdelay $0x3  }
0x2bf: {  	v7 =	vmul.f32 $1.442695020e+00, v7;
	v5 =	vmul.f32 v25, v5  }
0x2c0: {  	v3 =	vmul.f32 v25, v3  }
0x2c1: {  	(erf) = vpow2.f32 v7  }
0x2c2: {  	v6 =	vpop (erf)  }
0x2c3: {  	[tilespmem:s21+$0x20] =	vst v5;
	v5 =	vpop (erf)  }
0x2c4: {  	[tilespmem:s21+$0x30] =	vst v3;
	v3 =	vpop (erf)  }
0x2c5: {  	[tilespmem:s7+$0xFFFFFFB0] =	vst v3  }
0x2c6: {  	v19 =	vld [tilespmem:$0x1FDD0];
	_ =	sdelay $0x3  }
0x2c7: {  	v7 =	vpop (erf)  }
0x2c8: {  	[tilespmem:s7+$0x40] =	vst v7;
	v19 =	vmul.f32 v3, v19  }
0x2c9: {  	v21 =	vld [tilespmem:$0x1FDE0]  }
0x2ca: {  	v24 =	vld [tilespmem:$0x1FDC0];
	[tilespmem:s7+$0xFFFFFF30] =	vst v19  }
0x2cb: {  	v19 =	vld [tilespmem:$0x1FDF0];
	_ =	sdelay $0x2  }
0x2cc: {  	v21 =	vmul.f32 v3, v21  }
0x2cd: {  	v24 =	vmul.f32 v3, v24  }
0x2ce: {  	[tilespmem:s7+$0xFFFFFF40] =	vst v21;
	v19 =	vmul.f32 v3, v19  }
0x2cf: {  	v21 =	vmul.f32 v3, v54;
	[tilespmem:s7+$0xFFFFFF50] =	vst v24  }
0x2d0: {  	v4 =	vmul.f32 v5, v4;
	v5 =	vmul.f32 v3, v47;
	[tilespmem:s7+$0xFFFFFF60] =	vst v19  }
0x2d1: {  	v8 =	vld [tilespmem:$0x1FE20];
	[tilespmem:s7+$0xFFFFFF70] =	vst v21  }
0x2d2: {  	[tilespmem:s7+$0xFFFFFF80] =	vst v5  }
0x2d3: {  	v5 =	vld [tilespmem:$0x1FE00]  }
0x2d4: {  	v6 =	vmul.f32 v6, v23;
	_ =	sdelay $0x1  }
0x2d5: {  	v6 =	vmul.f32 $1.442695020e+00, v6;
	v19 =	vmul.f32 v3, v8  }
0x2d6: {  	v4 =	vmul.f32 $1.442695020e+00, v4;
	v3 =	vmul.f32 v3, v61  }
0x2d7: {  	(erf) = vpow2.f32 v6;
	v5 =	vmul.f32 v7, v5;
	[tilespmem:s7+$0xFFFFFF90] =	vst v19  }
0x2d8: {  	(erf) = vpow2.f32 v4;
	v6 =	vld [tilespmem:$0x1FE10];
	[tilespmem:s7+$0xFFFFFFA0] =	vst v3;
	v3 =	vmul.f32 v7, v45  }
0x2d9: {  	v4 =	vmul.f32 v7, v46;
	[tilespmem:s7+$0xFFFFFFC0] =	vst v5  }
0x2da: {  	[tilespmem:s7+$0xFFFFFFE0] =	vst v3;
	v3 =	vmul.f32 v7, v44  }
0x2db: {  	v5 =	vmul.f32 v7, v49;
	[tilespmem:s7+$0xFFFFFFF0] =	vst v4  }
0x2dc: {  	v4 =	vmul.f32 v7, v56;
	[tilespmem:s7+$0x10] =	vst v3;
	v3 =	vmul.f32 v7, v51  }
0x2dd: {  	[tilespmem:s7+$0x0] =	vst v5  }
0x2de: {  	[tilespmem:s7+$0x20] =	vst v4;
	v6 =	vmul.f32 v7, v6  }
0x2df: {  	[tilespmem:s7+$0x30] =	vst v3  }
0x2e0: {  	[tilespmem:s7+$0xFFFFFFD0] =	vst v6;
	v3 =	vpop (erf)  }
0x2e1: {  	[tilespmem:s10+$0xFFFFFFB0] =	vst v3;
	v4 =	vpop (erf);
	v2 =	vmul.f32 v3, v2  }
0x2e2: {  	v5 =	vmul.f32 v3, v18;
	[tilespmem:s10+$0x40] =	vst v4  }
0x2e3: {  	v6 =	vmul.f32 v3, v20;
	[tilespmem:s10+$0xFFFFFF30] =	vst v2  }
0x2e4: {  	v0 =	vmul.f32 v3, v0;
	[tilespmem:s10+$0xFFFFFF40] =	vst v5  }
0x2e5: {  	v1 =	vmul.f32 v4, v1;
	[tilespmem:s10+$0xFFFFFF50] =	vst v6  }
0x2e6: {  	v2 =	vmul.f32 v3, v22;
	[tilespmem:s10+$0xFFFFFF70] =	vst v0  }
0x2e7: {  	v5 =	vmul.f32 v3, v16;
	[tilespmem:s10+$0xFFFFFFD0] =	vst v1  }
0x2e8: {  	v0 =	vmul.f32 v3, v17;
	[tilespmem:s10+$0xFFFFFF60] =	vst v2  }
0x2e9: {  	v1 =	vmul.f32 v4, v11;
	[tilespmem:s10+$0xFFFFFF80] =	vst v5  }
0x2ea: {  	v2 =	vmul.f32 v3, v13;
	[tilespmem:s10+$0xFFFFFFA0] =	vst v0  }
0x2eb: {  	v3 =	vmul.f32 v4, v14;
	[tilespmem:s10+$0x0] =	vst v1  }
0x2ec: {  	v0 =	vmul.f32 v4, v48;
	[tilespmem:s10+$0xFFFFFF90] =	vst v2  }
0x2ed: {  	[tilespmem:s10+$0xFFFFFFC0] =	vst v3;
	v2 =	vmul.f32 v4, v15  }
0x2ee: {  	[tilespmem:s10+$0xFFFFFFE0] =	vst v0;
	v0 =	vmul.f32 v4, v12  }
0x2ef: {  	[tilespmem:s10+$0xFFFFFFF0] =	vst v2;
	v2 =	vmul.f32 v4, v9  }
0x2f0: {  	[tilespmem:s10+$0x10] =	vst v0;
	v0 =	vmul.f32 v4, v10  }
0x2f1: {  	[tilespmem:s10+$0x20] =	vst v2  }
0x2f2: {  	[tilespmem:s10+$0x30] =	vst v0  }
0x2f3: {  	v0 =	vld [tilespmem:$0x1140]  }
0x2f4: {  	v1 =	vld [tilespmem:$0x2140];
	_ =	sdelay $0x4  }
0x2f5: {  	v0 =	vsub.bf16 v0, v1  }
0x2f6: {  	v59 =	vimm.bf16 $0.0e+00  }
0x2f7: {  	v1 =	vsub.bf16 v59, v0  }
0x2f8: {  	v42 =	vimm.bf16 $1.4450e+00  }
0x2f9: {  	v1 =	vmul.bf16 v42, v1;
	_ =	sdelay $0x1  }
0x2fa: {  	(erf) = vpow2.bf16 v1;
	_ =	sdelay $0x2  }
0x2fb: {  	v2 =	vld [tilespmem:$0x2150]  }
0x2fc: {  	v1 =	vld [tilespmem:$0x1150];
	_ =	sdelay $0x4  }
0x2fd: {  	v1 =	vsub.bf16 v1, v2  }
0x2fe: {  	v2 =	vpop (erf)  }
0x2ff: {  	v3 =	vsub.bf16 v59, v1;
	v2 =	vadd.bf16 v52, v2;
	_ =	sdelay $0x1  }
0x300: {  	(erf) = vrcp.bf16 v2;
	v2 =	vmul.bf16 v42, v3;
	_ =	sdelay $0x1  }
0x301: {  	(erf) = vpow2.bf16 v2;
	_ =	sdelay $0x2  }
0x302: {  	v3 =	vld [tilespmem:$0x2160]  }
0x303: {  	v2 =	vld [tilespmem:$0x1160];
	_ =	sdelay $0x4  }
0x304: {  	v2 =	vsub.bf16 v2, v3;
	v4 =	vpop (erf)  }
0x305: {  	v3 =	vpop (erf)  }
0x306: {  	v5 =	vsub.bf16 v59, v2;
	v3 =	vadd.bf16 v52, v3;
	_ =	sdelay $0x1  }
0x307: {  	(erf) = vrcp.bf16 v3;
	v3 =	vmul.bf16 v42, v5;
	_ =	sdelay $0x1  }
0x308: {  	(erf) = vpow2.bf16 v3;
	_ =	sdelay $0x2  }
0x309: {  	v5 =	vld [tilespmem:$0x2170]  }
0x30a: {  	v3 =	vld [tilespmem:$0x1170];
	_ =	sdelay $0x4  }
0x30b: {  	v3 =	vsub.bf16 v3, v5;
	v6 =	vpop (erf)  }
0x30c: {  	v5 =	vpop (erf)  }
0x30d: {  	v7 =	vsub.bf16 v59, v3;
	v5 =	vadd.bf16 v52, v5;
	_ =	sdelay $0x1  }
0x30e: {  	(erf) = vrcp.bf16 v5;
	v5 =	vmul.bf16 v42, v7;
	_ =	sdelay $0x1  }
0x30f: {  	(erf) = vpow2.bf16 v5;
	_ =	sdelay $0x8  }
0x310: {  	v5 =	vpop (erf)  }
0x311: {  	v7 =	vpop (erf)  }
0x312: {  	v7 =	vadd.bf16 v52, v7;
	_ =	sdelay $0x1  }
0x313: {  	v44 =	vld [tilespmem:$0x1FF90];
	(erf) = vrcp.bf16 v7  }
0x314: {  	v47 =	vld [tilespmem:$0x1FFA0]  }
0x315: {  	v63 =	vld [tilespmem:$0x1FFB0]  }
0x316: {  	v0 =	vmul.bf16 v4, v0;
	v58 =	vld [tilespmem:$0x1FFC0];
	_ =	sdelay $0x1  }
0x317: {  	v4 =	vunpack.i.l.bf16.f32 v0;
	v0 =	vunpack.i.u.bf16.f32 v0;
	v1 =	vmul.bf16 v6, v1  }
0x318: {  	v61 =	vld [tilespmem:$0x1FFD0];
	v7 =	vmul.f32 v0, v47  }
0x319: {  	v60 =	vld [tilespmem:$0x1FFE0];
	v6 =	vmul.f32 v4, v44;
	v8 =	vunpack.i.u.bf16.f32 v1;
	v1 =	vunpack.i.l.bf16.f32 v1  }
0x31a: {  	v9 =	vmul.f32 v1, v63;
	v10 =	vmul.f32 v8, v58  }
0x31b: {  	v2 =	vmul.bf16 v5, v2  }
0x31c: {  	v5 =	vadd.f32 v6, v7;
	v6 =	vadd.f32 v9, v10;
	v7 =	vpop (erf)  }
0x31d: {  	v9 =	vunpack.i.u.bf16.f32 v2;
	v2 =	vunpack.i.l.bf16.f32 v2;
	v3 =	vmul.bf16 v7, v3  }
0x31e: {  	v10 =	vmul.f32 v9, v60;
	v7 =	vmul.f32 v2, v61  }
0x31f: {  	v5 =	vadd.f32 v6, v5;
	v6 =	vunpack.i.u.bf16.f32 v3;
	v3 =	vunpack.i.l.bf16.f32 v3  }
0x320: {  	v7 =	vadd.f32 v7, v10;
	v10 =	vmul.f32 v3, v41;
	v11 =	vmul.f32 v6, v50;
	_ =	sdelay $0x1  }
0x321: {  	v5 =	vadd.f32 v7, v5;
	v7 =	vadd.f32 v10, v11;
	_ =	sdelay $0x1  }
0x322: {  	v5 =	vadd.f32 v7, v5;
	_ =	sdelay $0x1  }
0x323: {  	(xrf2) =	vadd.scan.msk.f32 $0xffff, v5;
	_ =	sdelay $0x9  }
0x324: {  	v5, _, _ =	vpop (xrf2)  }
0x325: {  	v5 =	vbroadcast v5, $0xF;
	_ =	sdelay $0x1  }
0x326: {  	v5 =	vadd.f32 v5, v55;
	_ =	sdelay $0x1  }
0x327: {  	v7 =	vsub.f32 $0.0e+00, v5;
	_ =	sdelay $0x1  }
0x328: {  	v7 =	vmul.f32 $1.442695020e+00, v7;
	_ =	sdelay $0x1  }
0x329: {  	(erf) = vpow2.f32 v7;
	_ =	sdelay $0x8  }
0x32a: {  	v7 =	vpop (erf)  }
0x32b: {  	v7 =	vadd.f32 $1.000000000e+00, v7;
	_ =	sdelay $0x1  }
0x32c: {  	(erf) = vrcp.f32 v7;
	_ =	sdelay $0x8  }
0x32d: {  	v7 =	vpop (erf)  }
0x32e: {  	v5 =	vmul.f32 v7, v5;
	_ =	sdelay $0x1  }
0x32f: {  	v5 =	vmul.f32 $1.442695020e+00, v5;
	_ =	sdelay $0x1  }
0x330: {  	(erf) = vpow2.f32 v5;
	_ =	sdelay $0x8  }
0x331: {  	v5 =	vpop (erf)  }
0x332: {  	v4 =	vmul.f32 v5, v4  }
0x333: {  	v0 =	vmul.f32 v5, v0;
	[tilespmem:$0x6570] =	vst v5  }
0x334: {  	v1 =	vmul.f32 v5, v1;
	[tilespmem:$0x64F0] =	vst v4  }
0x335: {  	[tilespmem:$0x6500] =	vst v0;
	v0 =	vmul.f32 v5, v8  }
0x336: {  	[tilespmem:$0x6510] =	vst v1;
	v1 =	vmul.f32 v5, v2  }
0x337: {  	[tilespmem:$0x6520] =	vst v0;
	v0 =	vmul.f32 v5, v9  }
0x338: {  	[tilespmem:$0x6530] =	vst v1;
	v1 =	vmul.f32 v5, v3  }
0x339: {  	[tilespmem:$0x6540] =	vst v0;
	v0 =	vmul.f32 v5, v6  }
0x33a: {  	[tilespmem:$0x6550] =	vst v1  }
0x33b: {  	s7 =	simm.s32 @!p1 $0x6;
	[tilespmem:$0x6560] =	vst v0  }
0x33c: {  	[spmem:s4] =	stream.indirect.scatter.add.f32 [tilespmem:s26], [sflag:$0x5], $0x90, s25, s24, $0xb8;
	[tilespmem:$0x1F180] =	vst v63  }
0x33d: {  	_ =	swait.ge @!p1 [sflag:s7], $0x2400  }
0x33e: {  	[sflag:s7] =	ssyncset.done @!p1 $0x0  }
0x33f: {  	[sflag:s7] =	ssyncadd.s32 @!p1 $0xFFFFDC00  }
0x340: {  	_ =	swait.ge [sflag:s28], $0x2000  }
0x341: {  	[sflag:s28] =	ssyncset.done $0x0  }
0x342: {  	[sflag:s28] =	ssyncadd.s32 $0xFFFFE000  }
0x343: {  	v0 =	vld [tilespmem:$0xC0]  }
0x344: {  	v1 =	vld [tilespmem:$0xD0]  }
0x345: {  	v2 =	vld [tilespmem:$0xE0]  }
0x346: {  	v3 =	vld [tilespmem:$0xF0];
	_ =	sdelay $0x1  }
0x347: {  	v0 =	vadd.s32 $0xFFFFD800, v0  }
0x348: {  	[tilespmem:$0x140] =	vst v0;
	v0 =	vadd.s32 $0xFFFFD800, v1  }
0x349: {  	s7 =	sadd.s32 @!p0 s17, s12;
	[tilespmem:$0x150] =	vst v0;
	v0 =	vadd.s32 $0xFFFFD800, v2  }
0x34a: {  	s7 =	sshrl.u32 @!p0 s7, $0x3;
	[tilespmem:$0x160] =	vst v0;
	v0 =	vadd.s32 $0xFFFFD800, v3  }
0x34b: {  	s8 =	simm.s32 @!p0 $0x0;
	s10 =	simm.s32 @!p0 $0x80;
	s7 =	sadd.s32 @!p0 s1, s7;
	[tilespmem:$0x170] =	vst v0  }
0x34c: {  	[tilespmem:s10], [sflag:$0x2] =	stream.linear.gather @!p0 [hbm4b:s7+s8], $0x80, $0x38;
	[tilespmem:$0x1F180] =	vst v63  }
0x34d: {  	s7 =	simm.s32 @!p0 $0x1  }
0x34e: {  	_ =	swait.ge @!p0 [sflag:s7], $0x80  }
0x34f: {  	[sflag:s7] =	ssyncset.done @!p0 $0x0  }
0x350: {  	s13 =	simm.s32 $0x3180;
	[sflag:s7] =	ssyncadd.s32 @!p0 $0xFFFFFF80;
	s7 =	simm.s32 @!p0 $0x180  }
0x351: {  	[tilespmem:s7], [sflag:$0x3] =	stream.indirect.gather @!p0 [hbm4b:s6+s10], $0x40, s8, s10, $0xb8;
	[tilespmem:$0x1F180] =	vst v63  }
0x352: {  	v0 =	vld [tilespmem:s13+$0xFFFFF0B0]  }
0x353: {  	v1 =	vld [tilespmem:s13+$0xB0]  }
0x354: {  	v2 =	vld [tilespmem:s13+$0xFFFFF0A0]  }
0x355: {  	v3 =	vld [tilespmem:s13+$0xA0]  }
0x356: {  	v4 =	vld [tilespmem:s13+$0xFFFFF080]  }
0x357: {  	v5 =	vld [tilespmem:s13+$0x80]  }
0x358: {  	v6 =	vld [tilespmem:s13+$0xFFFFF090]  }
0x359: {  	v7 =	vld [tilespmem:s13+$0x90];
	v8 =	vsub.bf16 v0, v1;
	_ =	sdelay $0x1  }
0x35a: {  	v9 =	vsub.bf16 v2, v3;
	v1 =	vld [tilespmem:s13+$0xFFFFF010];
	v0 =	vsub.bf16 v59, v8  }
0x35b: {  	v2 =	vld [tilespmem:s13+$0x10];
	v10 =	vsub.bf16 v4, v5  }
0x35c: {  	v3 =	vsub.bf16 v59, v9;
	v0 =	vmul.bf16 v42, v0  }
0x35d: {  	v4 =	vld [tilespmem:s13+$0xFFFFF040];
	v6 =	vsub.bf16 v6, v7;
	v7 =	vsub.bf16 v59, v10  }
0x35e: {  	v5 =	vld [tilespmem:s13+$0x40];
	v3 =	vmul.bf16 v42, v3;
	(erf) = vpow2.bf16 v0  }
0x35f: {  	v7 =	vmul.bf16 v42, v7  }
0x360: {  	v0 =	vsub.bf16 v59, v6;
	(erf) = vpow2.bf16 v3;
	v3 =	vsub.bf16 v1, v2;
	_ =	sdelay $0x1  }
0x361: {  	v1 =	vmul.bf16 v42, v0;
	(erf) = vpow2.bf16 v7;
	v2 =	vsub.bf16 v59, v3  }
0x362: {  	v0 =	vsub.bf16 v4, v5  }
0x363: {  	(erf) = vpow2.bf16 v1;
	v1 =	vmul.bf16 v42, v2  }
0x364: {  	v2 =	vsub.bf16 v59, v0;
	_ =	sdelay $0x1  }
0x365: {  	v2 =	vmul.bf16 v42, v2  }
0x366: {  	(erf) = vpow2.bf16 v1;
	v1 =	vpop (erf)  }
0x367: {  	v1 =	vadd.bf16 v52, v1  }
0x368: {  	(erf) = vpow2.bf16 v2  }
0x369: {  	v2 =	vpop (erf)  }
0x36a: {  	v2 =	vadd.bf16 v52, v2;
	(erf) = vrcp.bf16 v1  }
0x36b: {  	v11 =	vld [tilespmem:s13+$0xFFFFF020];
	v1 =	vpop (erf)  }
0x36c: {  	v4 =	vld [tilespmem:s13+$0x0];
	(erf) = vrcp.bf16 v2;
	v1 =	vadd.bf16 v52, v1  }
0x36d: {  	v7 =	vld [tilespmem:s13+$0x50];
	v5 =	vpop (erf)  }
0x36e: {  	v2 =	vld [tilespmem:s13+$0xFFFFF050];
	v5 =	vadd.bf16 v52, v5;
	(erf) = vrcp.bf16 v1  }
0x36f: {  	v1 =	vld [tilespmem:s13+$0xFFFFF000]  }
0x370: {  	v12 =	vld [tilespmem:s13+$0x20];
	(erf) = vrcp.bf16 v5;
	_ =	sdelay $0x1  }
0x371: {  	v13 =	vld [tilespmem:s13+$0xFFFFF060]  }
0x372: {  	v14 =	vld [tilespmem:s13+$0x60]  }
0x373: {  	v16 =	vpop (erf);
	v5 =	vsub.bf16 v2, v7;
	v7 =	vld [tilespmem:s13+$0x30];
	v15 =	vsub.bf16 v1, v4  }
0x374: {  	v1 =	vld [tilespmem:s13+$0xFFFFF030];
	v4 =	vsub.bf16 v11, v12;
	v11 =	vpop (erf)  }
0x375: {  	v17 =	vpop (erf);
	v2 =	vsub.bf16 v59, v15  }
0x376: {  	v20 =	vpop (erf)  }
0x377: {  	v18 =	vmul.bf16 v42, v2;
	v2 =	vsub.bf16 v13, v14;
	v13 =	vpop (erf)  }
0x378: {  	v19 =	vsub.bf16 v59, v4;
	v10 =	vmul.bf16 v13, v10  }
0x379: {  	v12 =	vsub.bf16 v59, v5;
	v1 =	vsub.bf16 v1, v7;
	v7 =	vpop (erf)  }
0x37a: {  	v14 =	vmul.bf16 v42, v19;
	v6 =	vmul.bf16 v7, v6;
	v19 =	vunpack.i.u.bf16.f32 v10  }
0x37b: {  	v12 =	vmul.bf16 v42, v12;
	v8 =	vmul.bf16 v17, v8;
	v13 =	vunpack.i.l.bf16.f32 v10;
	[tilespmem:$0x1FAA0] =	vst v19  }
0x37c: {  	v9 =	vmul.bf16 v20, v9;
	(erf) = vpow2.bf16 v18;
	[tilespmem:$0x1FA90] =	vst v13;
	v21 =	vunpack.i.u.bf16.f32 v6  }
0x37d: {  	v13 =	vmul.f32 v13, v44;
	v17 =	vmul.f32 v19, v47;
	v19 =	vunpack.i.l.bf16.f32 v6;
	[tilespmem:$0x1FAC0] =	vst v21  }
0x37e: {  	v22 =	vunpack.i.l.bf16.f32 v9;
	v20 =	vmul.f32 v21, v58;
	v10 =	vld [tilespmem:s13+$0xFFFFF070];
	[tilespmem:$0x1FAB0] =	vst v19;
	v19 =	vmul.f32 v19, v63  }
0x37f: {  	v21 =	vunpack.i.u.bf16.f32 v9;
	v9 =	vmul.f32 v22, v61;
	v13 =	vadd.f32 v13, v17  }
0x380: {  	v6 =	vld [tilespmem:s13+$0x70];
	[tilespmem:$0x1FAD0] =	vst v22;
	v22 =	vunpack.i.l.bf16.f32 v8;
	v17 =	vadd.f32 v19, v20;
	v19 =	vmul.f32 v21, v60  }
0x381: {  	(erf) = vpow2.bf16 v12;
	v20 =	vunpack.i.u.bf16.f32 v8;
	v8 =	vmul.f32 v22, v41  }
0x382: {  	v12 =	vadd.f32 v17, v13;
	v9 =	vadd.f32 v9, v19;
	v13 =	vmul.f32 v20, v50  }
0x383: {  	v18 =	vsub.bf16 v59, v2;
	v7 =	vsub.bf16 v59, v1  }
0x384: {  	v9 =	vadd.f32 v9, v12;
	v8 =	vadd.f32 v8, v13  }
0x385: {  	(erf) = vpow2.bf16 v14;
	v17 =	vmul.bf16 v42, v18;
	v6 =	vsub.bf16 v10, v6  }
0x386: {  	v8 =	vadd.f32 v8, v9  }
0x387: {  	v7 =	vmul.bf16 v42, v7;
	(erf) = vpow2.bf16 v17;
	v10 =	vsub.bf16 v59, v6;
	_ =	sdelay $0x1  }
0x388: {  	(erf) = vpow2.bf16 v7;
	v9 =	vmul.bf16 v42, v10  }
0x389: {  	(xrf2) =	vadd.scan.msk.f32 $0xffff, v8;
	v8 =	vpop (erf)  }
0x38a: {  	v7 =	vadd.bf16 v52, v16;
	(erf) = vpow2.bf16 v9;
	v8 =	vadd.bf16 v52, v8;
	_ =	sdelay $0x1  }
0x38b: {  	(erf) = vrcp.bf16 v7  }
0x38c: {  	v7 =	vadd.bf16 v52, v11  }
0x38d: {  	(erf) = vrcp.bf16 v8;
	v8 =	vpop (erf)  }
0x38e: {  	v8 =	vadd.bf16 v52, v8  }
0x38f: {  	(erf) = vrcp.bf16 v7  }
0x390: {  	v7 =	vpop (erf)  }
0x391: {  	v7 =	vadd.bf16 v52, v7;
	(erf) = vrcp.bf16 v8  }
0x392: {  	v8, _, _ =	vpop (xrf2)  }
0x393: {  	v9 =	vpop (erf);
	(erf) = vrcp.bf16 v7;
	v7 =	vbroadcast v8, $0xF  }
0x394: {  	v9 =	vadd.bf16 v52, v9  }
0x395: {  	v8 =	vpop (erf)  }
0x396: {  	v8 =	vadd.bf16 v52, v8;
	(erf) = vrcp.bf16 v9;
	v9 =	vadd.f32 v7, v55  }
0x397: {  	v7 =	vpop (erf)  }
0x398: {  	(erf) = vrcp.bf16 v8;
	v8 =	vsub.f32 $0.0e+00, v9;
	v7 =	vadd.bf16 v52, v7;
	_ =	sdelay $0x1  }
0x399: {  	(erf) = vrcp.bf16 v7;
	v7 =	vmul.f32 $1.442695020e+00, v8;
	_ =	sdelay $0x1  }
0x39a: {  	(erf) = vpow2.f32 v7  }
0x39b: {  	[tilespmem:$0x1FAE0] =	vst v21;
	v8 =	vpop (erf)  }
0x39c: {  	[tilespmem:$0x1FAF0] =	vst v22;
	v10 =	vpop (erf)  }
0x39d: {  	s14 =	simm.s32 $0x3240;
	[tilespmem:$0x1FA70] =	vst v20;
	v11 =	vpop (erf)  }
0x39e: {  	v18 =	vld [tilespmem:s14+$0xFFFFF0A0];
	v12 =	vpop (erf)  }
0x39f: {  	v16 =	vld [tilespmem:s14+$0xB0];
	v13 =	vpop (erf)  }
0x3a0: {  	v7 =	vld [tilespmem:s14+$0xFFFFF0B0];
	v14 =	vpop (erf)  }
0x3a1: {  	v20 =	vld [tilespmem:s14+$0xA0];
	v17 =	vpop (erf)  }
0x3a2: {  	v21 =	vld [tilespmem:s14+$0xFFFFF080];
	v19 =	vpop (erf)  }
0x3a3: {  	v23 =	vld [tilespmem:s14+$0x80];
	v22 =	vpop (erf)  }
0x3a4: {  	v24 =	vld [tilespmem:s14+$0xFFFFF090];
	v22 =	vadd.f32 $1.000000000e+00, v22  }
0x3a5: {  	v25 =	vld [tilespmem:s14+$0x90];
	v7 =	vsub.bf16 v7, v16  }
0x3a6: {  	v3 =	vmul.bf16 v8, v3;
	v8 =	vsub.bf16 v18, v20;
	(erf) = vrcp.f32 v22  }
0x3a7: {  	v16 =	vsub.bf16 v59, v7  }
0x3a8: {  	v18 =	vsub.bf16 v21, v23;
	v10 =	vmul.bf16 v10, v15;
	v15 =	vld [tilespmem:s14+$0x10];
	v20 =	vsub.bf16 v59, v8  }
0x3a9: {  	v26 =	vunpack.i.u.bf16.f32 v3;
	v16 =	vmul.bf16 v42, v16;
	v22 =	vunpack.i.l.bf16.f32 v3;
	v3 =	vld [tilespmem:s14+$0xFFFFF010]  }
0x3aa: {  	v23 =	vsub.bf16 v24, v25;
	v25 =	vsub.bf16 v59, v18;
	v20 =	vmul.bf16 v42, v20;
	[tilespmem:$0x1F760] =	vst v22  }
0x3ab: {  	v27 =	vunpack.i.l.bf16.f32 v10;
	v21 =	vmul.f32 v22, v63;
	(erf) = vpow2.bf16 v16;
	v22 =	vld [tilespmem:s14+$0xFFFFF040]  }
0x3ac: {  	v0 =	vmul.bf16 v11, v0;
	v11 =	vmul.f32 v27, v44;
	v16 =	vsub.bf16 v59, v23;
	v24 =	vld [tilespmem:s14+$0x40]  }
0x3ad: {  	[tilespmem:$0x1F770] =	vst v27;
	v27 =	vunpack.i.u.bf16.f32 v10;
	v10 =	vmul.bf16 v42, v25;
	(erf) = vpow2.bf16 v20  }
0x3ae: {  	v12 =	vmul.bf16 v12, v5;
	v3 =	vsub.bf16 v3, v15  }
0x3af: {  	v15 =	vmul.bf16 v42, v16;
	(erf) = vpow2.bf16 v10;
	v5 =	vpop (erf)  }
0x3b0: {  	v16 =	vsub.bf16 v59, v3;
	v9 =	vmul.f32 v5, v9  }
0x3b1: {  	v20 =	vunpack.i.u.bf16.f32 v0;
	(erf) = vpow2.bf16 v15;
	v5 =	vsub.bf16 v22, v24  }
0x3b2: {  	v15 =	vmul.bf16 v42, v16;
	v22 =	vunpack.i.l.bf16.f32 v0;
	v0 =	vmul.f32 $1.442695020e+00, v9  }
0x3b3: {  	v4 =	vmul.bf16 v13, v4;
	v1 =	vmul.bf16 v17, v1;
	v16 =	vsub.bf16 v59, v5  }
0x3b4: {  	[tilespmem:$0x1F790] =	vst v26;
	v13 =	vmul.f32 v20, v47;
	(erf) = vpow2.f32 v0  }
0x3b5: {  	v25 =	vunpack.i.l.bf16.f32 v12;
	[tilespmem:$0x1F780] =	vst v27;
	v0 =	vmul.bf16 v42, v16;
	(erf) = vpow2.bf16 v15  }
0x3b6: {  	[tilespmem:$0x1F7C0] =	vst v25;
	v10 =	vmul.f32 v27, v47;
	v24 =	vunpack.i.u.bf16.f32 v12;
	v12 =	vmul.f32 v22, v44;
	v15 =	vpop (erf)  }
0x3b7: {  	[tilespmem:$0x1F7A0] =	vst v22;
	v22 =	vunpack.i.u.bf16.f32 v4;
	v15 =	vadd.bf16 v52, v15;
	(erf) = vpow2.bf16 v0  }
0x3b8: {  	[tilespmem:$0x1F7B0] =	vst v20;
	v9 =	vmul.f32 v26, v58;
	v0 =	vmul.bf16 v14, v2;
	v14 =	vunpack.i.l.bf16.f32 v4;
	v4 =	vpop (erf)  }
0x3b9: {  	[tilespmem:$0x1F7D0] =	vst v24;
	v16 =	vmul.f32 v25, v63;
	v4 =	vadd.bf16 v52, v4;
	(erf) = vrcp.bf16 v15  }
0x3ba: {  	v20 =	vunpack.i.u.bf16.f32 v0;
	v17 =	vunpack.i.l.bf16.f32 v0;
	v0 =	vadd.f32 v11, v10;
	v11 =	vld [tilespmem:s14+$0x0]  }
0x3bb: {  	v2 =	vmul.f32 v24, v58;
	v10 =	vpop (erf);
	(erf) = vrcp.bf16 v4;
	v4 =	vadd.f32 v12, v13;
	v12 =	vld [tilespmem:s14+$0xFFFFF050];
	[tilespmem:$0x1F7E0] =	vst v14  }
0x3bc: {  	v6 =	vmul.bf16 v19, v6;
	v9 =	vadd.f32 v21, v9;
	v10 =	vadd.bf16 v52, v10;
	v15 =	vld [tilespmem:s14+$0x50];
	[tilespmem:$0x1F7F0] =	vst v22  }
0x3bd: {  	v2 =	vadd.f32 v16, v2;
	v16 =	vmul.f32 v17, v61;
	v14 =	vmul.f32 v14, v61;
	[tilespmem:$0x1F800] =	vst v17  }
0x3be: {  	v13 =	vpop (erf);
	(erf) = vrcp.bf16 v10;
	v10 =	vmul.f32 v22, v60;
	v17 =	vld [tilespmem:s14+$0xFFFFF000];
	[tilespmem:$0x1F810] =	vst v20  }
0x3bf: {  	v24 =	vunpack.i.l.bf16.f32 v1;
	v0 =	vadd.f32 v9, v0;
	v13 =	vadd.bf16 v52, v13;
	v19 =	vld [tilespmem:s14+$0xFFFFF020]  }
0x3c0: {  	v21 =	vunpack.i.u.bf16.f32 v1;
	v1 =	vmul.f32 v20, v60;
	v9 =	vadd.f32 v14, v10;
	v10 =	vld [tilespmem:s14+$0x20];
	[tilespmem:$0x1F820] =	vst v24  }
0x3c1: {  	v22 =	vunpack.i.u.bf16.f32 v6;
	v6 =	vunpack.i.l.bf16.f32 v6;
	(erf) = vrcp.bf16 v13;
	[tilespmem:$0x1F830] =	vst v21  }
0x3c2: {  	v2 =	vadd.f32 v2, v4;
	v4 =	vmul.f32 v21, v50;
	v13 =	vmul.f32 v24, v41;
	v14 =	vld [tilespmem:s14+$0xFFFFF060];
	[tilespmem:$0x1F9B0] =	vst v6  }
0x3c3: {  	v1 =	vadd.f32 v16, v1;
	v21 =	vmul.f32 v6, v41;
	v9 =	vadd.f32 v9, v0;
	v20 =	vld [tilespmem:s14+$0x60];
	v0 =	vpop (erf)  }
0x3c4: {  	v13 =	vadd.f32 v13, v4;
	v4 =	vsub.bf16 v17, v11;
	v11 =	vld [tilespmem:s14+$0xFFFFF030];
	[tilespmem:$0x1FA80] =	vst v0  }
0x3c5: {  	v1 =	vadd.f32 v1, v2;
	[tilespmem:$0x1F840] =	vst v22;
	v17 =	vmul.f32 v22, v50;
	v22 =	vpop (erf)  }
0x3c6: {  	v2 =	vld [tilespmem:s14+$0x30];
	v6 =	vsub.bf16 v19, v10;
	v19 =	vpop (erf)  }
0x3c7: {  	v16 =	vsub.bf16 v12, v15;
	v10 =	vadd.f32 v21, v17;
	v21 =	vpop (erf)  }
0x3c8: {  	v24 =	vadd.f32 v13, v9;
	v12 =	vsub.bf16 v59, v4;
	v13 =	vpop (erf)  }
0x3c9: {  	v15 =	vsub.bf16 v59, v16;
	v25 =	vadd.f32 v10, v1;
	v1 =	vpop (erf)  }
0x3ca: {  	v9 =	vmul.bf16 v42, v12;
	v1 =	vmul.bf16 v1, v18  }
0x3cb: {  	v26 =	vmul.bf16 v42, v15;
	v15 =	vsub.bf16 v11, v2;
	v2 =	vpop (erf)  }
0x3cc: {  	(erf) = vpow2.bf16 v9;
	v9 =	vmul.bf16 v2, v23;
	v2 =	vunpack.i.u.bf16.f32 v1  }
0x3cd: {  	v1 =	vunpack.i.l.bf16.f32 v1;
	[tilespmem:$0x1FB10] =	vst v2  }
0x3ce: {  	v12 =	vsub.bf16 v59, v6;
	v7 =	vmul.bf16 v21, v7;
	[tilespmem:$0x1FB00] =	vst v1;
	v0 =	vunpack.i.u.bf16.f32 v9  }
0x3cf: {  	v10 =	vmul.bf16 v13, v8;
	v13 =	vmul.f32 v1, v44;
	v1 =	vunpack.i.l.bf16.f32 v9;
	[tilespmem:$0x1FB30] =	vst v0  }
0x3d0: {  	v17 =	vsub.bf16 v14, v20;
	v14 =	vmul.bf16 v42, v12;
	v21 =	vmul.f32 v2, v47;
	v18 =	vld [tilespmem:s14+$0xFFFFF070];
	[tilespmem:$0x1FB20] =	vst v1  }
0x3d1: {  	v11 =	vunpack.i.l.bf16.f32 v10;
	v28 =	vmul.f32 v1, v63;
	v29 =	vmul.f32 v0, v58;
	v27 =	vld [tilespmem:s14+$0x70]  }
0x3d2: {  	v20 =	vsub.bf16 v59, v17;
	v12 =	vunpack.i.u.bf16.f32 v10;
	v30 =	vmul.f32 v11, v61  }
0x3d3: {  	v21 =	vadd.f32 v13, v21;
	v28 =	vadd.f32 v28, v29;
	v29 =	vmul.f32 v12, v60  }
0x3d4: {  	v10 =	vunpack.i.l.bf16.f32 v7;
	v23 =	vsub.bf16 v59, v15;
	(erf) = vpow2.bf16 v26  }
0x3d5: {  	v13 =	vunpack.i.u.bf16.f32 v7;
	v21 =	vadd.f32 v28, v21;
	v26 =	vadd.f32 v30, v29  }
0x3d6: {  	v7 =	vmul.f32 v10, v41;
	v28 =	vmul.f32 v13, v50;
	v18 =	vsub.bf16 v18, v27  }
0x3d7: {  	v20 =	vmul.bf16 v42, v20;
	(erf) = vpow2.bf16 v14;
	v14 =	vadd.f32 v26, v21  }
0x3d8: {  	v7 =	vadd.f32 v7, v28;
	v21 =	vmul.bf16 v42, v23;
	v23 =	vsub.bf16 v59, v18;
	_ =	sdelay $0x1  }
0x3d9: {  	(erf) = vpow2.bf16 v20;
	v7 =	vadd.f32 v7, v14;
	v14 =	vmul.bf16 v42, v23  }
0x3da: {  	(xrf2) =	vadd.scan.msk.f32 $0xffff, v24  }
0x3db: {  	(erf) = vpow2.bf16 v21  }
0x3dc: {  	(xrf2) =	vadd.scan.msk.f32 $0xffff, v25  }
0x3dd: {  	(xrf2) =	vadd.scan.msk.f32 $0xffff, v7;
	(erf) = vpow2.bf16 v14;
	v14 =	vpop (erf)  }
0x3de: {  	v7 =	vadd.bf16 v52, v22;
	v14 =	vadd.bf16 v52, v14;
	_ =	sdelay $0x1  }
0x3df: {  	(erf) = vrcp.bf16 v7  }
0x3e0: {  	v19 =	vadd.bf16 v52, v19  }
0x3e1: {  	(erf) = vrcp.bf16 v14;
	v14 =	vpop (erf)  }
0x3e2: {  	v14 =	vadd.bf16 v52, v14  }
0x3e3: {  	v7, _, _ =	vpop (xrf2)  }
0x3e4: {  	(erf) = vrcp.bf16 v19;
	v19 =	vpop (erf)  }
0x3e5: {  	v20, _, _ =	vpop (xrf2);
	v19 =	vadd.bf16 v52, v19  }
0x3e6: {  	(erf) = vrcp.bf16 v14;
	v14, _, _ =	vpop (xrf2)  }
0x3e7: {  	v21 =	vpop (erf);
	v14 =	vbroadcast v14, $0xF  }
0x3e8: {  	v21 =	vadd.bf16 v52, v21;
	(erf) = vrcp.bf16 v19  }
0x3e9: {  	v19 =	vpop (erf)  }
0x3ea: {  	v19 =	vadd.bf16 v52, v19;
	(erf) = vrcp.bf16 v21;
	v22 =	vadd.f32 v14, v55  }
0x3eb: {  	v14 =	vpop (erf)  }
0x3ec: {  	(erf) = vrcp.bf16 v19;
	v19 =	vsub.f32 $0.0e+00, v22;
	v14 =	vadd.bf16 v52, v14;
	_ =	sdelay $0x1  }
0x3ed: {  	(erf) = vrcp.bf16 v14;
	v14 =	vmul.f32 $1.442695020e+00, v19;
	_ =	sdelay $0x1  }
0x3ee: {  	(erf) = vpow2.f32 v14  }
0x3ef: {  	v19 =	vpop (erf)  }
0x3f0: {  	v7 =	vbroadcast v7, $0xF;
	v23 =	vpop (erf)  }
0x3f1: {  	v14 =	vbroadcast v20, $0xF;
	v20 =	vpop (erf)  }
0x3f2: {  	s17 =	simm.s32 $0x3300;
	v9 =	vadd.f32 v7, v55;
	v25 =	vpop (erf)  }
0x3f3: {  	v26 =	vld [tilespmem:s17+$0xB0];
	v14 =	vadd.f32 v14, v55;
	v28 =	vpop (erf)  }
0x3f4: {  	v24 =	vsub.f32 $0.0e+00, v9;
	v21 =	vld [tilespmem:s17+$0xFFFFF0B0];
	v29 =	vpop (erf)  }
0x3f5: {  	v31 =	vld [tilespmem:s17+$0xFFFFF0A0];
	v27 =	vsub.f32 $0.0e+00, v14;
	v30 =	vpop (erf)  }
0x3f6: {  	v45 =	vld [tilespmem:s17+$0xA0];
	v24 =	vmul.f32 $1.442695020e+00, v24;
	v32 =	vpop (erf)  }
0x3f7: {  	v46 =	vld [tilespmem:s17+$0xFFFFF080];
	v27 =	vmul.f32 $1.442695020e+00, v27;
	v48 =	vpop (erf)  }
0x3f8: {  	v49 =	vld [tilespmem:s17+$0x80];
	(erf) = vpow2.f32 v24;
	v24 =	vadd.f32 $1.000000000e+00, v48  }
0x3f9: {  	v51 =	vld [tilespmem:s17+$0x90];
	v21 =	vsub.bf16 v21, v26;
	(erf) = vpow2.f32 v27  }
0x3fa: {  	v27 =	vld [tilespmem:s17+$0xFFFFF090];
	(erf) = vrcp.f32 v24  }
0x3fb: {  	v26 =	vsub.bf16 v59, v21  }
0x3fc: {  	v53 =	vld [tilespmem:s17+$0x10];
	v24 =	vsub.bf16 v31, v45  }
0x3fd: {  	v56 =	vld [tilespmem:s17+$0xFFFFF040];
	v34 =	vsub.bf16 v46, v49;
	v26 =	vmul.bf16 v42, v26  }
0x3fe: {  	v31 =	vld [tilespmem:s17+$0xFFFFF010];
	v54 =	vsub.bf16 v59, v24  }
0x3ff: {  	v57 =	vld [tilespmem:s17+$0x40];
	v62 =	vsub.bf16 v59, v34;
	v35 =	vsub.bf16 v27, v51;
	(erf) = vpow2.bf16 v26  }
0x400: {  	v36 =	vmul.bf16 v42, v54  }
0x401: {  	v39 =	vmul.bf16 v42, v62;
	v27 =	vpop (erf);
	v40 =	vsub.bf16 v59, v35  }
0x402: {  	v19 =	vmul.bf16 v19, v3;
	v26 =	vpop (erf);
	(erf) = vpow2.bf16 v36  }
0x403: {  	v23 =	vmul.bf16 v23, v4;
	v3 =	vsub.bf16 v31, v53;
	v31 =	vmul.bf16 v42, v40;
	v4 =	vpop (erf)  }
0x404: {  	(erf) = vpow2.bf16 v39;
	v22 =	vmul.f32 v4, v22;
	v4 =	vsub.bf16 v56, v57  }
0x405: {  	v1 =	vunpack.i.u.bf16.f32 v19;
	v0 =	vunpack.i.l.bf16.f32 v19;
	v33 =	vsub.bf16 v59, v3  }
0x406: {  	(erf) = vpow2.bf16 v31;
	v19 =	vmul.f32 $1.442695020e+00, v22;
	v43 =	vsub.bf16 v59, v4  }
0x407: {  	v31 =	vmul.bf16 v42, v33  }
0x408: {  	v2 =	vunpack.i.u.bf16.f32 v23;
	(erf) = vpow2.f32 v19;
	v19 =	vmul.bf16 v42, v43  }
0x409: {  	[tilespmem:$0x1F850] =	vst v0;
	v22 =	vmul.f32 v0, v63;
	v0 =	vunpack.i.l.bf16.f32 v23;
	v23 =	vpop (erf);
	(erf) = vpow2.bf16 v31  }
0x40a: {  	v5 =	vmul.bf16 v20, v5;
	v16 =	vmul.bf16 v25, v16;
	v23 =	vadd.bf16 v52, v23  }
0x40b: {  	v25 =	vmul.f32 v2, v47;
	[tilespmem:$0x1F870] =	vst v2;
	(erf) = vpow2.bf16 v19  }
0x40c: {  	v6 =	vmul.bf16 v28, v6;
	v7 =	vunpack.i.l.bf16.f32 v16;
	v17 =	vmul.bf16 v29, v17;
	[tilespmem:$0x1F880] =	vst v1;
	v19 =	vpop (erf)  }
0x40d: {  	v2 =	vunpack.i.l.bf16.f32 v5;
	[tilespmem:$0x1F8B0] =	vst v7;
	v19 =	vadd.bf16 v52, v19;
	(erf) = vrcp.bf16 v23  }
0x40e: {  	[tilespmem:$0x1F860] =	vst v0;
	v20 =	vmul.f32 v0, v44;
	v0 =	vunpack.i.u.bf16.f32 v5;
	v5 =	vmul.f32 v1, v58;
	v23 =	vpop (erf)  }
0x40f: {  	[tilespmem:$0x1F890] =	vst v2;
	v1 =	vunpack.i.u.bf16.f32 v16;
	v23 =	vadd.bf16 v52, v23;
	(erf) = vrcp.bf16 v19  }
0x410: {  	v16 =	vmul.f32 v2, v44;
	[tilespmem:$0x1F8A0] =	vst v0;
	v20 =	vadd.f32 v20, v25;
	v25 =	vpop (erf);
	v19 =	vmul.f32 v0, v47  }
0x411: {  	v2 =	vunpack.i.u.bf16.f32 v6;
	[tilespmem:$0x1F8C0] =	vst v1;
	v25 =	vadd.bf16 v52, v25;
	(erf) = vrcp.bf16 v23  }
0x412: {  	v23 =	vmul.f32 v7, v63;
	v7 =	vunpack.i.l.bf16.f32 v6;
	v16 =	vadd.f32 v16, v19;
	v19 =	vld [tilespmem:s17+$0x0];
	[tilespmem:$0x1F8E0] =	vst v2  }
0x413: {  	v6 =	vmul.f32 v1, v58;
	v1 =	vunpack.i.l.bf16.f32 v17;
	[tilespmem:$0x1F8D0] =	vst v7  }
0x414: {  	v5 =	vadd.f32 v22, v5;
	v0 =	vunpack.i.u.bf16.f32 v17;
	(erf) = vrcp.bf16 v25;
	v25 =	vld [tilespmem:s17+$0xFFFFF050];
	[tilespmem:$0x1F8F0] =	vst v1  }
0x415: {  	v15 =	vmul.bf16 v30, v15;
	[tilespmem:$0x1F900] =	vst v0  }
0x416: {  	v22 =	vmul.f32 v2, v60;
	v5 =	vadd.f32 v5, v20;
	v17 =	vmul.f32 v7, v61;
	v30 =	vld [tilespmem:s17+$0x50]  }
0x417: {  	v28 =	vmul.f32 v0, v60;
	v6 =	vadd.f32 v23, v6;
	v23 =	vmul.f32 v1, v61;
	v20 =	vld [tilespmem:s17+$0xFFFFF000]  }
0x418: {  	v18 =	vmul.bf16 v32, v18;
	v7 =	vunpack.i.l.bf16.f32 v15;
	v17 =	vadd.f32 v17, v22;
	v22 =	vld [tilespmem:s17+$0xFFFFF020]  }
0x419: {  	v2 =	vunpack.i.u.bf16.f32 v15;
	v6 =	vadd.f32 v6, v16;
	v16 =	vadd.f32 v23, v28;
	v23 =	vld [tilespmem:s17+$0x20];
	[tilespmem:$0x1F910] =	vst v7  }
0x41a: {  	v0 =	vunpack.i.l.bf16.f32 v18;
	[tilespmem:$0x1F920] =	vst v2  }
0x41b: {  	v1 =	vunpack.i.u.bf16.f32 v18;
	v28 =	vmul.f32 v2, v50;
	v31 =	vld [tilespmem:s17+$0xFFFFF060];
	[tilespmem:$0x1F930] =	vst v0  }
0x41c: {  	v45 =	vmul.f32 v1, v50;
	v5 =	vadd.f32 v17, v5;
	v17 =	vmul.f32 v0, v41;
	[tilespmem:$0x1F940] =	vst v1  }
0x41d: {  	v15 =	vpop (erf);
	v18 =	vmul.f32 v7, v41;
	v46 =	vld [tilespmem:s17+$0x60];
	v6 =	vadd.f32 v16, v6  }
0x41e: {  	v36 =	vpop (erf);
	v16 =	vadd.f32 v17, v45;
	v17 =	vld [tilespmem:s17+$0x30];
	v29 =	vsub.bf16 v20, v19  }
0x41f: {  	v18 =	vadd.f32 v18, v28;
	v19 =	vld [tilespmem:s17+$0xFFFFF030];
	v28 =	vpop (erf)  }
0x420: {  	v30 =	vsub.bf16 v25, v30;
	v48 =	vpop (erf);
	v20 =	vsub.bf16 v59, v29  }
0x421: {  	v49 =	vadd.f32 v18, v5;
	v25 =	vpop (erf)  }
0x422: {  	v38 =	vadd.f32 v16, v6;
	v18 =	vsub.bf16 v59, v30;
	v5 =	vpop (erf);
	v16 =	vmul.bf16 v42, v20  }
0x423: {  	v22 =	vsub.bf16 v22, v23;
	v23 =	vsub.bf16 v31, v46;
	v31 =	vmul.bf16 v5, v34  }
0x424: {  	v5 =	vsub.bf16 v19, v17;
	v17 =	vmul.bf16 v42, v18;
	v20 =	vpop (erf);
	(erf) = vpow2.bf16 v16  }
0x425: {  	v18 =	vunpack.i.u.bf16.f32 v31;
	v19 =	vunpack.i.l.bf16.f32 v31;
	v20 =	vmul.bf16 v20, v35  }
0x426: {  	v31 =	vmul.f32 v19, v44;
	v53 =	vmul.f32 v18, v47  }
0x427: {  	v51 =	vld [tilespmem:s17+$0x70];
	(erf) = vpow2.bf16 v17;
	v17 =	vmul.bf16 v25, v24  }
0x428: {  	v6 =	vld [tilespmem:s17+$0xFFFFF070];
	v24 =	vsub.bf16 v59, v22;
	v0 =	vunpack.i.u.bf16.f32 v20;
	v20 =	vunpack.i.l.bf16.f32 v20  }
0x429: {  	v21 =	vmul.bf16 v48, v21;
	v43 =	vsub.bf16 v59, v23;
	v54 =	vmul.f32 v20, v63  }
0x42a: {  	v31 =	vadd.f32 v31, v53;
	v56 =	vmul.f32 v0, v58;
	v62 =	vmul.bf16 v42, v24  }
0x42b: {  	v25 =	vunpack.i.l.bf16.f32 v17;
	v17 =	vunpack.i.u.bf16.f32 v17;
	v24 =	vunpack.i.l.bf16.f32 v21  }
0x42c: {  	v39 =	vmul.f32 v25, v61;
	v40 =	vmul.f32 v17, v60;
	v57 =	vadd.f32 v54, v56  }
0x42d: {  	v6 =	vsub.bf16 v6, v51;
	v21 =	vunpack.i.u.bf16.f32 v21;
	v45 =	vmul.f32 v24, v41  }
0x42e: {  	v46 =	vmul.f32 v21, v50;
	v32 =	vadd.f32 v39, v40;
	v31 =	vadd.f32 v57, v31  }
0x42f: {  	(xrf2) =	vadd.scan.msk.f32 $0xffff, v49;
	v48 =	vmul.bf16 v42, v43;
	v49 =	vsub.bf16 v59, v5;
	(erf) = vpow2.bf16 v62  }
0x430: {  	v50 =	vadd.f32 v45, v46;
	v31 =	vadd.f32 v32, v31  }
0x431: {  	v51 =	vmul.bf16 v42, v49;
	v53 =	vsub.bf16 v59, v6;
	(erf) = vpow2.bf16 v48  }
0x432: {  	v31 =	vadd.f32 v50, v31  }
0x433: {  	(xrf2) =	vadd.scan.msk.f32 $0xffff, v38;
	v54 =	vmul.bf16 v42, v53;
	(erf) = vpow2.bf16 v51  }
0x434: {  	(xrf2) =	vadd.scan.msk.f32 $0xffff, v31  }
0x435: {  	(erf) = vpow2.bf16 v54;
	v31 =	vadd.bf16 v52, v36  }
0x436: {  	v56 =	vpop (erf)  }
0x437: {  	(erf) = vrcp.bf16 v31;
	v31 =	vadd.bf16 v52, v56;
	_ =	sdelay $0x1  }
0x438: {  	v28 =	vadd.bf16 v52, v28;
	v57 =	vpop (erf);
	(erf) = vrcp.bf16 v31  }
0x439: {  	v40 =	vpop (erf)  }
0x43a: {  	v8 =	vmov v41;
	v41 =	vpop (erf);
	(erf) = vrcp.bf16 v28;
	v28 =	vadd.bf16 v52, v57  }
0x43b: {  	v31, _, _ =	vpop (xrf2)  }
0x43c: {  	v62, _, _ =	vpop (xrf2);
	(erf) = vrcp.bf16 v28;
	v28 =	vadd.bf16 v52, v40  }
0x43d: {  	v43, _, _ =	vpop (xrf2)  }
0x43e: {  	(erf) = vrcp.bf16 v28;
	v28 =	vadd.bf16 v52, v41;
	v45 =	vbroadcast v43, $0xF  }
0x43f: {  	v46 =	vpop (erf)  }
0x440: {  	(erf) = vrcp.bf16 v28;
	v28 =	vadd.bf16 v52, v46;
	v37 =	vadd.f32 v45, v55  }
0x441: {  	v48 =	vpop (erf)  }
0x442: {  	(erf) = vrcp.bf16 v28;
	v28 =	vadd.bf16 v52, v48;
	v49 =	vsub.f32 $0.0e+00, v37;
	_ =	sdelay $0x1  }
0x443: {  	(erf) = vrcp.bf16 v28;
	v28 =	vmul.f32 $1.442695020e+00, v49;
	_ =	sdelay $0x1  }
0x444: {  	(erf) = vpow2.f32 v28;
	v28 =	vbroadcast v31, $0xF  }
0x445: {  	v31 =	vbroadcast v62, $0xF  }
0x446: {  	v1 =	vadd.f32 v28, v55  }
0x447: {  	[tilespmem:$0x1FB40] =	vst v0;
	v0 =	vadd.f32 v31, v55  }
0x448: {  	v45 =	vpop (erf);
	[tilespmem:$0x1F950] =	vst v1  }
0x449: {  	s21 =	simm.s32 $0x33C0;
	v46 =	vpop (erf);
	[tilespmem:$0x1F960] =	vst v0  }
0x44a: {  	v48 =	vpop (erf);
	v50 =	vld [tilespmem:s21+$0xFFFFF0B0]  }
0x44b: {  	v49 =	vpop (erf);
	v28 =	vsub.f32 $0.0e+00, v1;
	v51 =	vld [tilespmem:s21+$0xB0]  }
0x44c: {  	v52 =	vpop (erf);
	v31 =	vsub.f32 $0.0e+00, v0  }
0x44d: {  	v53 =	vpop (erf);
	v28 =	vmul.f32 $1.442695020e+00, v28  }
0x44e: {  	v56 =	vpop (erf);
	v62 =	vld [tilespmem:s21+$0xFFFFF0A0];
	v31 =	vmul.f32 $1.442695020e+00, v31  }
0x44f: {  	v27 =	vadd.f32 $1.000000000e+00, v27;
	v16 =	vpop (erf);
	(erf) = vpow2.f32 v28;
	v28 =	vld [tilespmem:s21+$0xA0]  }
0x450: {  	v26 =	vadd.f32 $1.000000000e+00, v26;
	v40 =	vld [tilespmem:s21+$0x80];
	(erf) = vpow2.f32 v31;
	v39 =	vpop (erf);
	v33 =	vsub.bf16 v50, v51  }
0x451: {  	v31 =	vld [tilespmem:s21+$0xFFFFF080];
	(erf) = vrcp.f32 v27;
	v27 =	vadd.f32 $1.000000000e+00, v39  }
0x452: {  	(erf) = vrcp.f32 v26;
	v26 =	vsub.bf16 v59, v33  }
0x453: {  	(erf) = vrcp.f32 v27;
	v27 =	vld [tilespmem:s21+$0xFFFFF090]  }
0x454: {  	v35 =	vsub.bf16 v62, v28;
	v28 =	vld [tilespmem:s21+$0x90];
	v26 =	vmul.bf16 v42, v26;
	_ =	sdelay $0x1  }
0x455: {  	v50 =	vld [tilespmem:s21+$0x10];
	v43 =	vsub.bf16 v31, v40;
	v41 =	vsub.bf16 v59, v35  }
0x456: {  	v31 =	vld [tilespmem:s21+$0xFFFFF010]  }
0x457: {  	v51 =	vld [tilespmem:s21+$0xFFFFF040];
	(erf) = vpow2.bf16 v26;
	v54 =	vsub.bf16 v59, v43;
	v32 =	vmul.bf16 v42, v41;
	v26 =	vpop (erf)  }
0x458: {  	v62 =	vsub.bf16 v27, v28;
	v28 =	vld [tilespmem:s21+$0x40];
	v27 =	vpop (erf)  }
0x459: {  	v55 =	vmul.bf16 v42, v54;
	(erf) = vpow2.bf16 v32;
	v36 =	vpop (erf)  }
0x45a: {  	v57 =	vsub.bf16 v59, v62;
	v34 =	vpop (erf)  }
0x45b: {  	v32 =	vsub.bf16 v31, v50;
	(erf) = vpow2.bf16 v55;
	v31 =	vpop (erf)  }
0x45c: {  	v50 =	vmul.bf16 v42, v57;
	v37 =	vmul.f32 v31, v37  }
0x45d: {  	v31 =	vsub.bf16 v51, v28;
	v28 =	vsub.bf16 v59, v32  }
0x45e: {  	(erf) = vpow2.bf16 v50;
	v37 =	vmul.f32 $1.442695020e+00, v37  }
0x45f: {  	v28 =	vmul.bf16 v42, v28;
	v51 =	vsub.bf16 v59, v31  }
0x460: {  	v38 =	vld [tilespmem:s21+$0xFFFFF050];
	(erf) = vpow2.f32 v37  }
0x461: {  	v39 =	vld [tilespmem:s21+$0xFFFFF000];
	(erf) = vpow2.bf16 v28;
	v28 =	vmul.bf16 v42, v51  }
0x462: {  	v0 =	vimm.bf16 $1.0000e+00;
	v54 =	vpop (erf);
	v37 =	vld [tilespmem:s21+$0x0]  }
0x463: {  	v41 =	vld [tilespmem:s21+$0x50];
	(erf) = vpow2.bf16 v28;
	v28 =	vadd.bf16 v0, v54  }
0x464: {  	v50 =	vld [tilespmem:s21+$0xFFFFF020];
	v55 =	vpop (erf)  }
0x465: {  	v51 =	vld [tilespmem:s21+$0x20];
	(erf) = vrcp.bf16 v28;
	v28 =	vadd.bf16 v0, v55  }
0x466: {  	v57 =	vpop (erf)  }
0x467: {  	v40 =	vsub.bf16 v39, v37;
	(erf) = vrcp.bf16 v28;
	v28 =	vadd.bf16 v0, v57  }
0x468: {  	v41 =	vsub.bf16 v38, v41;
	v54 =	vld [tilespmem:s21+$0xFFFFF060];
	v57 =	vpop (erf)  }
0x469: {  	v39 =	vld [tilespmem:s21+$0x60];
	v38 =	vsub.bf16 v59, v40;
	(erf) = vrcp.bf16 v28;
	v28 =	vadd.bf16 v0, v57  }
0x46a: {  	v55 =	vld [tilespmem:s21+$0xFFFFF030];
	v37 =	vsub.bf16 v50, v51  }
0x46b: {  	v50 =	vsub.bf16 v59, v41;
	v51 =	vld [tilespmem:s21+$0xFFFFF070];
	(erf) = vrcp.bf16 v28;
	v28 =	vmul.bf16 v42, v38  }
0x46c: {  	v57 =	vld [tilespmem:s21+$0x30]  }
0x46d: {  	(erf) = vpow2.bf16 v28;
	v28 =	vmul.bf16 v42, v50;
	v50 =	vld [tilespmem:s21+$0x70]  }
0x46e: {  	v38 =	vsub.bf16 v54, v39;
	v54 =	vsub.bf16 v59, v37  }
0x46f: {  	v3 =	vmul.bf16 v45, v3;
	v46 =	vmul.bf16 v46, v29  }
0x470: {  	(erf) = vpow2.bf16 v28;
	v28 =	vmul.bf16 v42, v54  }
0x471: {  	v4 =	vmul.bf16 v48, v4;
	v7 =	vunpack.i.u.bf16.f32 v46;
	v39 =	vsub.bf16 v55, v57  }
0x472: {  	v57 =	vsub.bf16 v59, v38;
	(erf) = vpow2.bf16 v28;
	v28 =	vsub.bf16 v51, v50  }
0x473: {  	v2 =	vunpack.i.l.bf16.f32 v3;
	v30 =	vmul.bf16 v49, v30;
	v45 =	vmul.f32 v7, v47  }
0x474: {  	v54 =	vmul.bf16 v42, v57;
	v55 =	vsub.bf16 v59, v39;
	v29 =	vsub.bf16 v59, v28  }
0x475: {  	v22 =	vmul.bf16 v52, v22;
	v52 =	vimm.bf16 $1.0000e+00;
	v23 =	vmul.bf16 v53, v23  }
0x476: {  	v1 =	vunpack.i.u.bf16.f32 v3;
	v57 =	vmul.bf16 v42, v55;
	(erf) = vpow2.bf16 v54  }
0x477: {  	v49 =	vunpack.i.l.bf16.f32 v30;
	v48 =	vmul.f32 v1, v58;
	v6 =	vmul.bf16 v16, v6  }
0x478: {  	[tilespmem:$0x1F970] =	vst v2;
	v59 =	vunpack.i.l.bf16.f32 v46;
	(erf) = vpow2.bf16 v57;
	v3 =	vmul.bf16 v42, v29;
	v29 =	vpop (erf)  }
0x479: {  	v0 =	vmov v63;
	v63 =	vmul.f32 v2, v63;
	[tilespmem:$0x1F990] =	vst v7;
	v42 =	vmul.f32 v59, v44;
	v46 =	vpop (erf)  }
0x47a: {  	[tilespmem:$0x1F9A0] =	vst v1;
	v1 =	vunpack.i.u.bf16.f32 v4;
	(erf) = vpow2.bf16 v3;
	v3 =	vadd.bf16 v52, v46  }
0x47b: {  	v2 =	vunpack.i.l.bf16.f32 v4;
	v55 =	vadd.f32 v63, v48;
	v48 =	vunpack.i.u.bf16.f32 v30;
	[tilespmem:$0x1F980] =	vst v59;
	v59 =	vpop (erf)  }
0x47c: {  	[tilespmem:$0x1F9D0] =	vst v1;
	v30 =	vmul.f32 v1, v47;
	v1 =	vmul.f32 v49, v0;
	v54 =	vunpack.i.u.bf16.f32 v22;
	v7 =	vpop (erf)  }
0x47d: {  	v50 =	vld [tilespmem:$0x1FF80];
	v53 =	vadd.f32 v42, v45;
	v45 =	vunpack.i.l.bf16.f32 v22;
	v22 =	vmul.f32 v2, v44;
	v42 =	vpop (erf)  }
0x47e: {  	v46 =	vmov v0;
	v0 =	vmul.f32 v48, v58;
	(erf) = vrcp.bf16 v3;
	v3 =	vpop (erf)  }
0x47f: {  	v56 =	vmul.bf16 v56, v5;
	v16 =	vunpack.i.u.bf16.f32 v6;
	v4 =	vpop (erf)  }
0x480: {  	[tilespmem:$0x1F9C0] =	vst v2;
	v2 =	vmul.f32 v54, v60;
	v22 =	vadd.f32 v22, v30;
	v0 =	vadd.f32 v1, v0;
	v51 =	vpop (erf)  }
0x481: {  	v30 =	vmul.f32 v45, v61;
	v1 =	vadd.bf16 v52, v59;
	v63 =	vadd.bf16 v52, v51  }
0x482: {  	[tilespmem:$0x1F9E0] =	vst v45;
	v45 =	vadd.f32 v55, v53;
	v53 =	vmul.f32 v16, v50;
	v33 =	vmul.bf16 v7, v33  }
0x483: {  	v51 =	vunpack.i.u.bf16.f32 v23;
	v23 =	vunpack.i.l.bf16.f32 v23;
	(erf) = vrcp.bf16 v63  }
0x484: {  	v2 =	vadd.f32 v30, v2;
	[tilespmem:$0x1F9F0] =	vst v23;
	v23 =	vmul.f32 v23, v61;
	v30 =	vmul.f32 v51, v60  }
0x485: {  	v35 =	vmul.bf16 v42, v35;
	v0 =	vadd.f32 v0, v22;
	(erf) = vrcp.bf16 v1;
	v1 =	vpop (erf)  }
0x486: {  	v22 =	vadd.f32 v23, v30;
	v23 =	vunpack.i.u.bf16.f32 v56;
	v1 =	vadd.bf16 v52, v1  }
0x487: {  	v5 =	vadd.f32 v2, v45;
	v3 =	vmul.bf16 v3, v43;
	v4 =	vmul.bf16 v4, v62  }
0x488: {  	(erf) = vrcp.bf16 v1;
	v1 =	vunpack.i.l.bf16.f32 v56;
	v56 =	vunpack.i.l.bf16.f32 v6  }
0x489: {  	v62 =	vunpack.i.u.bf16.f32 v4;
	[tilespmem:$0x1FA10] =	vst v23;
	v6 =	vmul.f32 v23, v50;
	v23 =	vpop (erf);
	v30 =	vmul.f32 v56, v8  }
0x48a: {  	v63 =	vunpack.i.u.bf16.f32 v3;
	v3 =	vunpack.i.l.bf16.f32 v3;
	v23 =	vadd.bf16 v52, v23  }
0x48b: {  	v2 =	vadd.f32 v22, v0;
	v0 =	vunpack.i.l.bf16.f32 v4;
	v4 =	vmul.f32 v3, v44  }
0x48c: {  	[tilespmem:$0x1FA30] =	vst v3;
	v3 =	vunpack.i.u.bf16.f32 v35;
	(erf) = vrcp.bf16 v23;
	v23 =	vmul.f32 v63, v47  }
0x48d: {  	[tilespmem:$0x1FA40] =	vst v0;
	v59 =	vmul.f32 v0, v46;
	v0 =	vmul.f32 v62, v58;
	v22 =	vadd.f32 v30, v53;
	v30 =	vpop (erf)  }
0x48e: {  	v7 =	vadd.f32 v4, v23;
	v4 =	vunpack.i.l.bf16.f32 v35;
	v30 =	vadd.bf16 v52, v30  }
0x48f: {  	[tilespmem:$0x1FA00] =	vst v1;
	v1 =	vmul.f32 v1, v8;
	v2 =	vadd.f32 v22, v2;
	v22 =	vmul.f32 v4, v61  }
0x490: {  	v0 =	vadd.f32 v59, v0;
	v23 =	vpop (erf);
	(erf) = vrcp.bf16 v30;
	v30 =	vmul.f32 v3, v60  }
0x491: {  	v1 =	vadd.f32 v1, v6;
	[tilespmem:$0x1FA50] =	vst v4;
	v4 =	vld [tilespmem:$0x1FA80];
	v23 =	vadd.bf16 v52, v23  }
0x492: {  	[tilespmem:$0x1FA60] =	vst v3;
	v0 =	vadd.f32 v0, v7;
	v3 =	vld [tilespmem:$0x1FAA0];
	v22 =	vadd.f32 v22, v30  }
0x493: {  	v7 =	vunpack.i.l.bf16.f32 v33;
	v43 =	vpop (erf);
	(erf) = vrcp.bf16 v23;
	v23 =	vunpack.i.u.bf16.f32 v33  }
0x494: {  	v1 =	vadd.f32 v1, v5;
	v45 =	vmul.f32 v7, v8;
	v53 =	vmul.f32 v23, v50;
	v30 =	vpop (erf)  }
0x495: {  	v59 =	vpop (erf)  }
0x496: {  	(xrf2) =	vadd.scan.msk.f32 $0xffff, v1;
	v0 =	vadd.f32 v22, v0;
	v1 =	vadd.f32 v45, v53;
	v22 =	vpop (erf)  }
0x497: {  	v31 =	vmul.bf16 v22, v31;
	v22 =	vmul.f32 v4, v3;
	v3 =	vld [tilespmem:$0x1FAB0]  }
0x498: {  	v0 =	vadd.f32 v1, v0;
	v1 =	vld [tilespmem:$0x1FA70];
	_ =	sdelay $0x2  }
0x499: {  	(xrf2) =	vadd.scan.msk.f32 $0xffff, v2;
	v2 =	vld [tilespmem:$0x1FA90]  }
0x49a: {  	v45 =	vmul.f32 v4, v3;
	v3 =	vld [tilespmem:$0x1FAD0]  }
0x49b: {  	v57 =	vld [tilespmem:$0x1F9B0];
	v1 =	vmul.f32 v4, v1  }
0x49c: {  	s7 =	simm.s32 $0x6650;
	[tilespmem:$0x1FA20] =	vst v16;
	v55 =	vld [tilespmem:$0x1FF70]  }
0x49d: {  	(xrf2) =	vadd.scan.msk.f32 $0xffff, v0;
	v0 =	vld [tilespmem:$0x1FAC0];
	[tilespmem:s7+$0xC0] =	vst v1  }
0x49e: {  	v2 =	vmul.f32 v4, v2;
	v1 =	vld [tilespmem:$0x1FAE0]  }
0x49f: {  	v35 =	vmul.f32 v4, v3;
	v3 =	vld [tilespmem:$0x1FAF0];
	[tilespmem:s7+$0xD0] =	vst v4  }
0x4a0: {  	[tilespmem:s7+$0x50] =	vst v2  }
0x4a1: {  	[tilespmem:s7+$0x60] =	vst v22  }
0x4a2: {  	v2 =	vld [tilespmem:$0x1FB00]  }
0x4a3: {  	v34 =	vmul.f32 v34, v14;
	v33 =	vadd.bf16 v52, v43;
	v43 =	vpop (erf)  }
0x4a4: {  	v16 =	vmul.f32 v36, v9;
	v14 =	vmul.bf16 v30, v32;
	v53 =	vpop (erf)  }
0x4a5: {  	v30 =	vmul.bf16 v59, v40;
	v32 =	vmul.bf16 v43, v41;
	v59 =	vpop (erf)  }
0x4a6: {  	v36 =	vmul.bf16 v53, v37;
	v37 =	vmul.bf16 v59, v38;
	v43 =	vpop (erf)  }
0x4a7: {  	v38 =	vmul.bf16 v43, v39;
	v39 =	vmul.f32 v15, v2;
	v2 =	vld [tilespmem:$0x1FB10];
	_ =	sdelay $0x3  }
0x4a8: {  	[tilespmem:s7+$0x70] =	vst v45  }
0x4a9: {  	v41 =	vmul.f32 v15, v2;
	v2 =	vld [tilespmem:$0x1FB20];
	_ =	sdelay $0x2  }
0x4aa: {  	v0 =	vmul.f32 v4, v0;
	_ =	sdelay $0x1  }
0x4ab: {  	v1 =	vmul.f32 v4, v1;
	v9 =	vmul.f32 v15, v2;
	v2 =	vld [tilespmem:$0x1FB30];
	[tilespmem:s7+$0x80] =	vst v0  }
0x4ac: {  	v40 =	vmul.f32 v4, v3;
	[tilespmem:s7+$0x90] =	vst v35  }
0x4ad: {  	v13 =	vmul.f32 v15, v13;
	[tilespmem:s7+$0xA0] =	vst v1  }
0x4ae: {  	v10 =	vmul.f32 v15, v10;
	s17 =	simm.s32 $0x6800;
	[tilespmem:s7+$0xB0] =	vst v40  }
0x4af: {  	v8 =	vmul.f32 v29, v25;
	v25 =	vadd.f32 $1.000000000e+00, v27;
	v27 =	vmul.f32 $1.442695020e+00, v34;
	[tilespmem:s17+$0xC0] =	vst v13  }
0x4b0: {  	(erf) = vrcp.bf16 v33;
	v53 =	vmul.f32 v29, v21;
	v22 =	vunpack.i.u.bf16.f32 v14;
	[tilespmem:s17+$0xD0] =	vst v15  }
0x4b1: {  	v59 =	vmul.f32 v29, v19;
	v43 =	vmul.f32 v22, v58;
	[tilespmem:s17+$0x50] =	vst v39  }
0x4b2: {  	v21 =	vunpack.i.l.bf16.f32 v14;
	v0 =	vmul.f32 v15, v11;
	[tilespmem:s17+$0x60] =	vst v41;
	v45 =	vmul.f32 v15, v2;
	v2, _, _ =	vpop (xrf2)  }
0x4b3: {  	v14 =	vunpack.i.l.bf16.f32 v31;
	v11 =	vmul.f32 v15, v12;
	[tilespmem:s17+$0x70] =	vst v9;
	v12 =	vbroadcast v2, $0xF;
	v2, _, _ =	vpop (xrf2)  }
0x4b4: {  	v19 =	vunpack.i.u.bf16.f32 v30;
	v9 =	vmul.f32 v14, v44;
	[tilespmem:s17+$0x90] =	vst v0;
	v35 =	vbroadcast v2, $0xF  }
0x4b5: {  	v2 =	vunpack.i.l.bf16.f32 v30;
	v1, _, _ =	vpop (xrf2);
	v30 =	vmul.f32 v19, v47;
	[tilespmem:s17+$0x80] =	vst v45;
	v45 =	vmul.f32 v29, v18  }
0x4b6: {  	s8 =	simm.s32 $0x69B0;
	v13 =	vmul.f32 v2, v44;
	v15 =	vbroadcast v1, $0xF;
	v0 =	vld [tilespmem:$0x1FB40]  }
0x4b7: {  	v1 =	vunpack.i.u.bf16.f32 v31;
	[tilespmem:s8+$0xC0] =	vst v53;
	v53 =	vmul.f32 v29, v17;
	v17 =	vunpack.i.l.bf16.f32 v36  }
0x4b8: {  	v13 =	vadd.f32 v13, v30;
	v30 =	vmul.f32 v21, v46;
	v31 =	vadd.f32 v15, v55  }
0x4b9: {  	v34 =	vmul.f32 v17, v61;
	v15 =	vmul.f32 v1, v47  }
0x4ba: {  	v47 =	vmul.f32 v29, v20;
	v39 =	vadd.f32 v30, v43;
	v18 =	vsub.f32 $0.0e+00, v31  }
0x4bb: {  	[tilespmem:s17+$0xA0] =	vst v11;
	v30 =	vadd.f32 v9, v15;
	v9 =	vunpack.i.l.bf16.f32 v32;
	v0 =	vmul.f32 v29, v0  }
0x4bc: {  	[tilespmem:s17+$0xB0] =	vst v10;
	v15 =	vunpack.i.u.bf16.f32 v32;
	v10 =	vmul.f32 v9, v46;
	v11 =	vmul.f32 $1.442695020e+00, v18  }
0x4bd: {  	[tilespmem:s8+$0xD0] =	vst v29;
	v20 =	vadd.f32 v12, v55;
	v12 =	vmul.f32 v15, v58;
	v58 =	vmul.f32 v29, v24  }
0x4be: {  	[tilespmem:s8+$0x50] =	vst v59;
	v24 =	vadd.f32 $1.000000000e+00, v26;
	v26 =	vmul.f32 $1.442695020e+00, v16;
	v16 =	vunpack.i.u.bf16.f32 v36  }
0x4bf: {  	[tilespmem:s8+$0x90] =	vst v8;
	v18 =	vadd.f32 v35, v55;
	v32 =	vadd.f32 v39, v13;
	v13 =	vunpack.i.l.bf16.f32 v38  }
0x4c0: {  	[tilespmem:s8+$0x60] =	vst v45;
	v33 =	vadd.f32 v10, v12;
	v10 =	vsub.f32 $0.0e+00, v20;
	(erf) = vpow2.f32 v11;
	v11 =	vpop (erf)  }
0x4c1: {  	[tilespmem:s8+$0xA0] =	vst v53;
	v36 =	vmul.f32 v16, v60;
	v59 =	vmul.bf16 v11, v28;
	v11 =	vsub.f32 $0.0e+00, v18  }
0x4c2: {  	[tilespmem:s8+$0x80] =	vst v0;
	v12 =	vunpack.i.u.bf16.f32 v37;
	v0 =	vunpack.i.u.bf16.f32 v38;
	v28 =	vmul.f32 $1.442695020e+00, v10  }
0x4c3: {  	[tilespmem:s8+$0x70] =	vst v47;
	v29 =	vmul.f32 $1.442695020e+00, v11;
	v11 =	vunpack.i.l.bf16.f32 v37;
	v10 =	vunpack.i.u.bf16.f32 v59  }
0x4c4: {  	s10 =	simm.s32 $0x9;
	s13 =	simm.s32 $0x3480;
	s21 =	simm.s32 $0x69B0;
	[tilespmem:s8+$0xB0] =	vst v58;
	v8 =	vunpack.i.l.bf16.f32 v59;
	v37 =	vmul.f32 v12, v60;
	v35 =	vmul.f32 v11, v61  }
.LBB2_5:
0x4c5: {  	v38 =	vld [tilespmem:s13+$0xFFFFF0B0]  }
0x4c6: {  	v61 =	vld [tilespmem:$0x1FFF0]  }
0x4c7: {  	v44 =	vld [tilespmem:s13+$0xB0]  }
0x4c8: {  	v40 =	vld [tilespmem:s13+$0xFFFFF0A0]  }
0x4c9: {  	v39 =	vmul.f32 v0, v50;
	v46 =	vmul.f32 v10, v50;
	v50 =	vld [tilespmem:s13+$0xFFFFF010]  }
0x4ca: {  	v59 =	vld [tilespmem:$0x1F950]  }
0x4cb: {  	v34 =	vadd.f32 v34, v36;
	(erf) = vpow2.f32 v28;
	v28 =	vld [tilespmem:s13+$0xA0];
	v60 =	vmul.f32 v13, v61  }
0x4cc: {  	v3 =	vadd.f32 v35, v37;
	v37 =	vld [tilespmem:s13+$0x50];
	(erf) = vpow2.f32 v29  }
0x4cd: {  	v29 =	vld [tilespmem:s13+$0xFFFFF080];
	v32 =	vadd.f32 v34, v32;
	v36 =	vadd.f32 v60, v39;
	v47 =	vpop (erf);
	(erf) = vrcp.f32 v24  }
0x4ce: {  	v30 =	vadd.f32 v33, v30;
	v24 =	vld [tilespmem:s13+$0x80];
	v35 =	vadd.f32 $1.000000000e+00, v47;
	(erf) = vrcp.f32 v25  }
0x4cf: {  	v45 =	vmul.f32 v8, v61;
	v32 =	vadd.f32 v36, v32;
	v25 =	vld [tilespmem:s13+$0xFFFFF090];
	(erf) = vpow2.f32 v26  }
0x4d0: {  	[tilespmem:$0x1F740] =	vst v54;
	v54 =	vimm.bf16 $0.0e+00;
	v38 =	vsub.bf16 v38, v44;
	v26 =	vld [tilespmem:s13+$0x90];
	(erf) = vrcp.f32 v35  }
0x4d1: {  	v30 =	vadd.f32 v3, v30;
	v34 =	vadd.f32 v45, v46;
	(xrf2) =	vadd.scan.msk.f32 $0xffff, v32;
	(erf) = vpow2.f32 v27;
	v27 =	vld [tilespmem:s13+$0x10]  }
0x4d2: {  	v44 =	vld [tilespmem:s13+$0xFFFFF000];
	v39 =	vsub.bf16 v40, v28;
	v28 =	vsub.bf16 v54, v38  }
0x4d3: {  	v53 =	vimm.bf16 $1.4450e+00;
	v30 =	vadd.f32 v34, v30;
	v34 =	vld [tilespmem:s13+$0x40];
	v41 =	vsub.bf16 v29, v24  }
0x4d4: {  	v3 =	vmul.bf16 v53, v28;
	v32 =	vld [tilespmem:s13+$0x0];
	v29 =	vsub.bf16 v54, v39;
	v24 =	vpop (erf)  }
0x4d5: {  	v35 =	vld [tilespmem:s13+$0xFFFFF050];
	(xrf2) =	vadd.scan.msk.f32 $0xffff, v30;
	v42 =	vsub.bf16 v25, v26;
	v25 =	vpop (erf);
	v26 =	vsub.bf16 v54, v41  }
0x4d6: {  	v29 =	vmul.bf16 v53, v29;
	(erf) = vpow2.bf16 v3;
	v28 =	vpop (erf);
	v36 =	vsub.bf16 v50, v27;
	v50 =	vld [tilespmem:$0x1F960]  }
0x4d7: {  	v30 =	vld [tilespmem:s13+$0xFFFFF040];
	v58 =	vsub.bf16 v54, v42;
	v43 =	vpop (erf)  }
0x4d8: {  	v3 =	vmul.bf16 v53, v26;
	(erf) = vpow2.bf16 v29;
	v45 =	vpop (erf)  }
0x4d9: {  	v27 =	vld [tilespmem:s13+$0xFFFFF020];
	v28 =	vmul.f32 v28, v59;
	v29 =	vmul.bf16 v53, v58;
	v60 =	vpop (erf);
	[tilespmem:s7+$0xFFFFFFB0] =	vst v45  }
0x4da: {  	v4 =	vmov v20;
	(erf) = vpow2.bf16 v3;
	v20 =	vld [tilespmem:s13+$0x20];
	v3 =	vmul.f32 v60, v31  }
0x4db: {  	v26, _, _ =	vpop (xrf2);
	v31 =	vsub.bf16 v35, v37;
	v37 =	vsub.bf16 v44, v32;
	v32 =	vld [tilespmem:s13+$0xFFFFF030];
	v46 =	vmul.f32 v43, v50  }
0x4dc: {  	v30 =	vsub.bf16 v30, v34;
	v40 =	vpop (erf);
	v43 =	vld [tilespmem:s13+$0xFFFFF060];
	(erf) = vpow2.bf16 v29;
	v29 =	vmul.f32 $1.442695020e+00, v3  }
0x4dd: {  	[tilespmem:$0x1F950] =	vst v4;
	v4 =	vsub.bf16 v54, v36;
	v47 =	vbroadcast v26, $0xF;
	v26 =	vmul.f32 $1.442695020e+00, v28;
	v28 =	vld [tilespmem:s13+$0x60]  }
0x4de: {  	v44 =	vld [tilespmem:s13+$0x30];
	[tilespmem:s7+$0x40] =	vst v40;
	(erf) = vpow2.f32 v29  }
0x4df: {  	v33 =	vsub.bf16 v54, v30;
	v58 =	vmov v18;
	v5 =	vmul.bf16 v53, v4;
	v59, _, _ =	vpop (xrf2);
	v50 =	vld [tilespmem:s13+$0xFFFFF070]  }
0x4e0: {  	[tilespmem:$0x1F960] =	vst v58;
	v58 =	vbroadcast v59, $0xF;
	v59 =	vld [tilespmem:s13+$0x70];
	v29 =	vsub.bf16 v54, v37;
	v35 =	vsub.bf16 v27, v20  }
0x4e1: {  	v6 =	vmul.bf16 v53, v33;
	(erf) = vpow2.bf16 v5;
	v20 =	vadd.f32 v47, v55  }
0x4e2: {  	v18 =	vpop (erf);
	v47 =	vmul.bf16 v53, v29;
	v34 =	vsub.bf16 v43, v28;
	v29 =	vsub.bf16 v54, v35  }
0x4e3: {  	v3 =	vmovc v49;
	v33 =	vsub.bf16 v32, v44;
	v5 =	vmovc v8;
	v8 =	vmov v63;
	v63 =	vimm.bf16 $1.0000e+00  }
0x4e4: {  	v28 =	vadd.bf16 v52, v18;
	v27 =	vpop (erf);
	v49 =	vmul.bf16 v53, v29;
	v29 =	vsub.bf16 v54, v34  }
0x4e5: {  	v18 =	vadd.f32 v58, v55;
	(erf) = vpow2.bf16 v6;
	v32 =	vsub.bf16 v50, v59;
	v58 =	vpop (erf)  }
0x4e6: {  	v27 =	vadd.bf16 v52, v27;
	v52 =	vmul.bf16 v53, v29;
	v29 =	vadd.bf16 v63, v58;
	v59 =	vpop (erf);
	v58 =	vld [tilespmem:$0x1F760]  }
0x4e7: {  	[tilespmem:$0x1F750] =	vst v10;
	v60 =	vsub.bf16 v54, v31;
	v44 =	vsub.bf16 v54, v33;
	v43 =	vpop (erf)  }
0x4e8: {  	v10 =	vmovc v9;
	v9 =	vmovc v7;
	(erf) = vrcp.bf16 v28;
	v50 =	vadd.bf16 v63, v59;
	v59 =	vld [tilespmem:$0x1F850];
	v23 =	vmul.f32 v43, v23  }
0x4e9: {  	v7 =	vmovc v62;
	v62 =	vmovc v48;
	s8 =	sadd.s32 $0x1B0, s8;
	v4 =	vmov v51;
	v48 =	vmul.bf16 v53, v60;
	v55 =	vld [tilespmem:$0x1F780];
	v51 =	vsub.bf16 v54, v32  }
0x4ea: {  	v44 =	vmul.bf16 v53, v44;
	(erf) = vrcp.bf16 v27;
	[tilespmem:s8+$0xC0] =	vst v23;
	v23 =	vld [tilespmem:$0x1F770]  }
0x4eb: {  	v27 =	vsub.f32 $0.0e+00, v18;
	v51 =	vmul.bf16 v53, v51;
	v53 =	vmul.f32 v45, v58;
	v58 =	vld [tilespmem:$0x1F7E0]  }
0x4ec: {  	(erf) = vrcp.bf16 v29;
	v60 =	vpop (erf)  }
0x4ed: {  	v29 =	vmul.f32 $1.442695020e+00, v27;
	v27 =	vmul.f32 $1.442695020e+00, v46;
	v46 =	vadd.bf16 v63, v60;
	v60 =	vmovc v59;
	v59 =	vld [tilespmem:$0x1F7F0];
	_ =	sdelay $0x1  }
0x4ee: {  	v6 =	vmov v56;
	v56 =	vld [tilespmem:$0x1F880];
	(erf) = vrcp.bf16 v50;
	v23 =	vmul.f32 v45, v23  }
0x4ef: {  	v50 =	vmul.f32 v45, v55;
	v54 =	vmul.f32 v45, v58;
	v58 =	vld [tilespmem:$0x1F820]  }
0x4f0: {  	[tilespmem:s7+$0xFFFFFF30] =	vst v23;
	v23 =	vld [tilespmem:$0x1F790]  }
0x4f1: {  	[tilespmem:s7+$0xFFFFFF40] =	vst v50;
	v50 =	vmul.f32 v45, v59;
	v59 =	vld [tilespmem:$0x1F830]  }
0x4f2: {  	[tilespmem:$0x1F760] =	vst v60  }
0x4f3: {  	[tilespmem:s7+$0xFFFFFF50] =	vst v53;
	v60 =	vmov v56  }
0x4f4: {  	[tilespmem:$0x1F790] =	vst v60;
	v60 =	vld [tilespmem:$0x1F9A0];
	v53 =	vmul.f32 v45, v58;
	v58 =	vmov v22  }
0x4f5: {  	[tilespmem:$0x1F9A0] =	vst v58;
	v58 =	vld [tilespmem:$0x1F7C0];
	v23 =	vmul.f32 v45, v23  }
0x4f6: {  	v45 =	vmul.f32 v45, v59;
	v59 =	vld [tilespmem:$0x1F970]  }
0x4f7: {  	[tilespmem:s7+$0xFFFFFF60] =	vst v23;
	v23 =	vld [tilespmem:$0x1F7A0];
	_ =	sdelay $0x1  }
0x4f8: {  	v56 =	vmov v60  }
0x4f9: {  	(erf) = vpow2.bf16 v47;
	[tilespmem:$0x1F880] =	vst v56;
	v56 =	vld [tilespmem:$0x1F7B0]  }
0x4fa: {  	[tilespmem:s7+$0xFFFFFF70] =	vst v54;
	v54 =	vmul.f32 v40, v58;
	v58 =	vld [tilespmem:$0x1F7D0]  }
0x4fb: {  	v47 =	vpop (erf);
	(erf) = vpow2.bf16 v48;
	[tilespmem:s7+$0xFFFFFFA0] =	vst v45;
	v45 =	vld [tilespmem:$0x1F980];
	v60 =	vmov v59;
	v23 =	vmul.f32 v40, v23  }
0x4fc: {  	v59 =	vmov v21;
	[tilespmem:$0x1F850] =	vst v60;
	v60 =	vld [tilespmem:$0x1F870]  }
0x4fd: {  	v48 =	vpop (erf);
	(erf) = vpow2.bf16 v49;
	[tilespmem:$0x1F970] =	vst v59;
	v59 =	vld [tilespmem:$0x1F990]  }
0x4fe: {  	[tilespmem:s7+$0xFFFFFF80] =	vst v50;
	v49 =	vmul.f32 v40, v56;
	v56 =	vld [tilespmem:$0x1F800]  }
0x4ff: {  	v22 =	vpop (erf);
	(erf) = vpow2.bf16 v52;
	v50 =	vmul.f32 v40, v58;
	v58 =	vld [tilespmem:$0x1F810];
	[tilespmem:s7+$0xFFFFFFC0] =	vst v23;
	v23 =	vmov v2  }
0x500: {  	[tilespmem:$0x1F980] =	vst v23;
	v23 =	vld [tilespmem:$0x1F8A0]  }
0x501: {  	[tilespmem:s7+$0xFFFFFF90] =	vst v53;
	v21 =	vpop (erf);
	(erf) = vpow2.bf16 v44;
	v44 =	vmul.f32 v40, v57;
	v57 =	vld [tilespmem:$0x1FFA0]  }
0x502: {  	v55 =	vmov v60;
	v60 =	vmov v59;
	[tilespmem:s7+$0xFFFFFFF0] =	vst v50;
	v50 =	vld [tilespmem:$0x1F9C0]  }
0x503: {  	[tilespmem:$0x1F870] =	vst v60;
	v60 =	vld [tilespmem:$0x1F860]  }
0x504: {  	[tilespmem:s7+$0xFFFFFFD0] =	vst v49;
	v52 =	vmul.f32 v40, v56;
	v56 =	vld [tilespmem:$0x1FF90]  }
0x505: {  	[tilespmem:$0x1F780] =	vst v55;
	v53 =	vmul.f32 v40, v58;
	v58 =	vld [tilespmem:$0x1FFB0];
	v2 =	vmov v23  }
0x506: {  	v23 =	vmov v1;
	[tilespmem:$0x1F7B0] =	vst v2;
	v2 =	vmul.bf16 v22, v39;
	v22 =	vmul.bf16 v48, v38;
	v48 =	vld [tilespmem:$0x1F9D0]  }
0x507: {  	v59 =	vmov v19;
	v19 =	vpop (erf);
	[tilespmem:$0x1F9D0] =	vst v23;
	v23 =	vld [tilespmem:$0x1F890]  }
0x508: {  	[tilespmem:$0x1F990] =	vst v59;
	v19 =	vmul.bf16 v19, v42;
	v59 =	vld [tilespmem:$0x1FFC0];
	v55 =	vmov v60;
	v60 =	vmov v50  }
0x509: {  	v21 =	vmul.bf16 v21, v41;
	[tilespmem:$0x1F890] =	vst v60;
	v60 =	vld [tilespmem:$0x1FFD0]  }
0x50a: {  	v41 =	vunpack.i.u.bf16.f32 v19;
	[tilespmem:s7+$0x10] =	vst v53;
	v53 =	vld [tilespmem:$0x1FFE0]  }
0x50b: {  	v19 =	vunpack.i.l.bf16.f32 v19;
	[tilespmem:$0x1F770] =	vst v55;
	v39 =	vunpack.i.u.bf16.f32 v21;
	v21 =	vunpack.i.l.bf16.f32 v21;
	v49 =	vmovc v48  }
0x50c: {  	v55 =	vmovc v45;
	v45 =	vmul.f32 v19, v58;
	v1 =	vmov v23;
	v23 =	vmul.f32 v39, v57;
	[tilespmem:$0x1F8A0] =	vst v49  }
0x50d: {  	v48 =	vmul.f32 v41, v59;
	[tilespmem:$0x1F7A0] =	vst v1;
	v1 =	vmul.f32 v21, v56;
	v49 =	vunpack.i.l.bf16.f32 v2  }
0x50e: {  	v2 =	vunpack.i.u.bf16.f32 v2;
	v50 =	vmul.f32 v49, v60  }
0x50f: {  	v45 =	vadd.f32 v45, v48;
	v48 =	vmul.f32 v2, v53;
	v1 =	vadd.f32 v1, v23;
	_ =	sdelay $0x1  }
0x510: {  	v1 =	vadd.f32 v45, v1;
	v45 =	vadd.f32 v50, v48;
	v50 =	vld [tilespmem:$0x1FF80];
	_ =	sdelay $0x3  }
0x511: {  	[tilespmem:s7+$0x0] =	vst v52;
	v52 =	vunpack.i.l.bf16.f32 v22;
	v23 =	vunpack.i.u.bf16.f32 v22  }
0x512: {  	v22 =	vmul.f32 v52, v61;
	v61 =	vmul.f32 v23, v50  }
0x513: {  	v48 =	vld [tilespmem:$0x1F840]  }
0x514: {  	v22 =	vadd.f32 v22, v61;
	v61 =	vld [tilespmem:$0x1F8C0];
	_ =	sdelay $0x4  }
0x515: {  	v40 =	vmul.f32 v40, v48;
	v48 =	vmov v61;
	_ =	sdelay $0x2  }
0x516: {  	v1 =	vadd.f32 v45, v1;
	[tilespmem:$0x1F7D0] =	vst v48;
	v48 =	vmov v15;
	v15 =	vld [tilespmem:$0x1FA30];
	_ =	sdelay $0x1  }
0x517: {  	v1 =	vadd.f32 v22, v1  }
0x518: {  	v38 =	vpop (erf)  }
0x519: {  	v42 =	vpop (erf);
	(xrf2) =	vadd.scan.msk.f32 $0xffff, v1;
	v1 =	vld [tilespmem:$0x1FA40]  }
0x51a: {  	[tilespmem:s7+$0xFFFFFFE0] =	vst v54;
	v54 =	vpop (erf);
	v15 =	vmul.f32 v43, v15  }
0x51b: {  	[tilespmem:s7+$0x20] =	vst v44;
	v44 =	vpop (erf);
	(erf) = vpow2.bf16 v51  }
0x51c: {  	v51 =	vmov v14;
	[tilespmem:s8+$0x50] =	vst v15;
	v15 =	vmul.f32 v43, v7  }
0x51d: {  	[tilespmem:$0x1F9C0] =	vst v51;
	v51 =	vadd.bf16 v63, v38;
	(erf) = vrcp.bf16 v46  }
0x51e: {  	v1 =	vmul.f32 v43, v1;
	[tilespmem:s8+$0x80] =	vst v15;
	v15 =	vld [tilespmem:$0x1F8E0]  }
0x51f: {  	v38 =	vadd.bf16 v63, v42;
	v42 =	vpop (erf);
	(erf) = vrcp.bf16 v51  }
0x520: {  	v51 =	vmul.f32 v43, v8;
	v8 =	vmovc v21;
	v22 =	vmovc v19;
	v19 =	vmov v3;
	v3 =	vmov v2;
	[tilespmem:s8+$0x70] =	vst v1;
	v1 =	vld [tilespmem:$0x1FA60]  }
0x521: {  	[tilespmem:$0x1FA60] =	vst v3;
	v3 =	vld [tilespmem:$0x1F740];
	_ =	sdelay $0x1  }
0x522: {  	[tilespmem:$0x1FA30] =	vst v8;
	v8 =	vmov v49;
	v49 =	vmov v10;
	v10 =	vmov v15;
	v15 =	vld [tilespmem:$0x1F8D0];
	_ =	sdelay $0x2  }
0x523: {  	[tilespmem:$0x1FA40] =	vst v22;
	v22 =	vmul.f32 v43, v1;
	v1 =	vmov v3;
	v3 =	vld [tilespmem:$0x1F9E0]  }
0x524: {  	v45 =	vadd.bf16 v63, v54;
	v54 =	vld [tilespmem:$0x1F8B0]  }
0x525: {  	v7 =	vld [tilespmem:$0x1FA50];
	[tilespmem:$0x1FA50] =	vst v8;
	v8 =	vmov v15  }
0x526: {  	v47 =	vadd.bf16 v63, v47;
	v15 =	vld [tilespmem:$0x1F900]  }
0x527: {  	[tilespmem:s8+$0x60] =	vst v51  }
0x528: {  	(erf) = vrcp.bf16 v47;
	[tilespmem:$0x1F7E0] =	vst v8;
	v8 =	vmov v3;
	v3 =	vmov v17  }
0x529: {  	v14 =	vmov v62;
	[tilespmem:$0x1F9E0] =	vst v3;
	v3 =	vld [tilespmem:$0x1F9F0]  }
0x52a: {  	(erf) = vrcp.bf16 v38;
	[tilespmem:$0x1F8C0] =	vst v14  }
0x52b: {  	v21 =	vmov v54;
	[tilespmem:$0x1F8E0] =	vst v1;
	v1 =	vmov v15  }
0x52c: {  	v44 =	vadd.bf16 v63, v44;
	(erf) = vrcp.bf16 v45;
	[tilespmem:$0x1F7C0] =	vst v21  }
0x52d: {  	v51 =	vmov v12;
	v14 =	vadd.bf16 v63, v42;
	v2 =	vpop (erf);
	[tilespmem:$0x1F8B0] =	vst v19;
	v19 =	vmul.f32 v43, v9  }
0x52e: {  	v12 =	vld [tilespmem:$0x1F8F0];
	v9 =	vpop (erf);
	(erf) = vrcp.bf16 v44;
	[tilespmem:$0x1F810] =	vst v1;
	v1 =	vmov v3;
	v3 =	vmov v11  }
0x52f: {  	v21 =	vmul.f32 v43, v7;
	v7 =	vmov v52;
	v52 =	vimm.bf16 $1.0000e+00;
	[tilespmem:$0x1F9F0] =	vst v3;
	v3 =	vld [tilespmem:$0x1FA10]  }
0x530: {  	v2 =	vadd.bf16 v52, v2;
	[tilespmem:$0x1F7F0] =	vst v10;
	v10 =	vmul.bf16 v9, v36;
	v9 =	vpop (erf);
	(erf) = vrcp.bf16 v14  }
0x531: {  	[tilespmem:$0x1F860] =	vst v55  }
0x532: {  	[tilespmem:$0x1F8F0] =	vst v1;
	v1 =	vpop (erf);
	(erf) = vrcp.bf16 v2;
	v2 =	vld [tilespmem:$0x1F910]  }
0x533: {  	[tilespmem:s8+$0xB0] =	vst v19;
	v15 =	vmov v12;
	v12 =	vld [tilespmem:$0x1F920]  }
0x534: {  	[tilespmem:$0x1F8D0] =	vst v8;
	v8 =	vmov v4;
	v4 =	vmov v3;
	v3 =	vmov v0  }
0x535: {  	v28 =	vsub.f32 $0.0e+00, v20;
	[tilespmem:$0x1FA10] =	vst v3;
	v3 =	vld [tilespmem:$0x1FA00]  }
0x536: {  	v24 =	vadd.f32 $1.000000000e+00, v24;
	[tilespmem:s8+$0xA0] =	vst v22  }
0x537: {  	v25 =	vadd.f32 $1.000000000e+00, v25;
	v28 =	vmul.f32 $1.442695020e+00, v28;
	[tilespmem:s8+$0x90] =	vst v21;
	v9 =	vmul.bf16 v9, v37;
	v11 =	vmovc v2  }
0x538: {  	v55 =	vld [tilespmem:$0x1FF70];
	v22 =	vunpack.i.u.bf16.f32 v10;
	v21 =	vunpack.i.l.bf16.f32 v10;
	[tilespmem:$0x1F900] =	vst v8;
	v8 =	vmov v12;
	v12 =	vpop (erf)  }
0x539: {  	v19 =	vunpack.i.u.bf16.f32 v9;
	[tilespmem:$0x1F920] =	vst v4;
	v2 =	vunpack.i.l.bf16.f32 v9;
	v9 =	vmul.bf16 v1, v30;
	v1, _, _ =	vpop (xrf2)  }
0x53a: {  	[tilespmem:$0x1F820] =	vst v11;
	v4 =	vbroadcast v1, $0xF;
	v11 =	vpop (erf);
	v1 =	vmov v3;
	v3 =	vmov v13;
	v13 =	vld [tilespmem:$0x1F940]  }
0x53b: {  	v36 =	vmul.f32 v22, v59;
	v0 =	vmul.f32 v21, v58;
	v14 =	vunpack.i.l.bf16.f32 v9;
	v17 =	vpop (erf);
	[tilespmem:$0x1FA00] =	vst v3;
	v3 =	vld [tilespmem:$0x1FA20]  }
0x53c: {  	[tilespmem:$0x1F910] =	vst v1;
	v1 =	vunpack.i.u.bf16.f32 v9;
	v9 =	vmul.bf16 v12, v31;
	v34 =	vmul.bf16 v17, v34;
	v17 =	vld [tilespmem:$0x1F930]  }
0x53d: {  	[tilespmem:$0x1F800] =	vst v15;
	v30 =	vmul.f32 v2, v56;
	v10 =	vmul.f32 v14, v56;
	v31 =	vadd.f32 v4, v55  }
0x53e: {  	v54 =	vmovc v16;
	[tilespmem:$0x1F830] =	vst v8;
	v61 =	vmul.f32 v1, v57;
	v15 =	vunpack.i.u.bf16.f32 v9;
	v9 =	vunpack.i.l.bf16.f32 v9  }
0x53f: {  	v44 =	vmul.f32 v9, v58;
	v45 =	vmul.f32 v15, v59;
	v59 =	vadd.f32 v0, v36;
	v8 =	vmovc v13  }
0x540: {  	v13 =	vmul.f32 v19, v57;
	[tilespmem:$0x1F840] =	vst v8;
	v8 =	vmul.bf16 v11, v35;
	v12 =	vmov v3;
	v11 =	vpop (erf)  }
0x541: {  	s10 =	sadd.s32 $0x3, s10;
	v4 =	vld [tilespmem:$0x1F750];
	v57 =	vmovc v17;
	v17 =	vmovc v6;
	[tilespmem:$0x1F940] =	vst v12;
	v12 =	vsub.f32 $0.0e+00, v31;
	v47 =	vmul.bf16 v11, v33;
	v11 =	vunpack.i.l.bf16.f32 v34  }
0x542: {  	p0 =	slt.u32 s10, $0x3C;
	[tilespmem:$0x1F930] =	vst v17;
	v0 =	vpop (erf);
	v33 =	vadd.f32 v44, v45;
	v16 =	vunpack.i.u.bf16.f32 v8;
	v17 =	vunpack.i.l.bf16.f32 v8  }
.Ltmp1:
0x543: {  	v8 =	vadd.f32 v30, v13;
	v30 =	vadd.f32 v10, v61;
	v61 =	vmul.bf16 v0, v32;
	(pc) =	sbr.rel @p0 .LBB2_5-.Ltmp1, $4  }
0x544: {  	v35 =	vmul.f32 v11, v60;
	v46 =	vmul.f32 $1.442695020e+00, v12;
	v12 =	vunpack.i.u.bf16.f32 v34  }
0x545: {  	[tilespmem:s8+$0xD0] =	vst v43;
	v62 =	vmovc v41;
	v34 =	vmul.f32 v17, v60;
	v36 =	vmul.f32 v16, v53;
	v0 =	vunpack.i.u.bf16.f32 v47  }
0x546: {  	s13 =	sadd.s32 $0xC0, s13;
	[tilespmem:s7+$0x30] =	vst v40;
	v3 =	vmovc v4;
	v13 =	vunpack.i.l.bf16.f32 v47;
	v37 =	vmul.f32 v12, v53;
	v32 =	vadd.f32 v59, v8  }
0x547: {  	s7 =	smov.u32 s17;
	s17 =	smov.u32 s21;
	s21 =	smov.u32 s8;
	v63 =	vmovc v39;
	v56 =	vmovc v5;
	[tilespmem:$0x1FA20] =	vst v3;
	v10 =	vunpack.i.u.bf16.f32 v61;
	v8 =	vunpack.i.l.bf16.f32 v61;
	(erf) = vpow2.f32 v46  }
0x548: {  	_ =	sdelay $0x5  }
0x549: {  	(erf) = vpow2.f32 v28  }
0x54a: {  	(erf) = vpow2.f32 v29  }
0x54b: {  	(erf) = vrcp.f32 v24;
	v24 =	vpop (erf)  }
0x54c: {  	(erf) = vrcp.f32 v25;
	v24 =	vadd.f32 $1.000000000e+00, v24  }
0x54d: {  	(erf) = vpow2.f32 v26  }
0x54e: {  	(erf) = vrcp.f32 v24;
	_ =	sdelay $0x3  }
0x54f: {  	v24 =	vpop (erf)  }
0x550: {  	v25 =	vpop (erf)  }
0x551: {  	v26 =	vpop (erf)  }
0x552: {  	v28 =	vpop (erf)  }
0x553: {  	v44 =	vpop (erf)  }
0x554: {  	v38 =	vpop (erf)  }
0x555: {  	v31 =	vmul.f32 v38, v31;
	v38 =	vld [tilespmem:$0x1FFF0];
	_ =	sdelay $0x2  }
0x556: {  	(erf) = vpow2.f32 v27;
	v27 =	vmul.f32 $1.442695020e+00, v31  }
0x557: {  	v30 =	vadd.f32 v33, v30;
	v53 =	vmul.f32 v10, v50  }
0x558: {  	v35 =	vadd.f32 v35, v37;
	(erf) = vpow2.f32 v27;
	v47 =	vmul.f32 v8, v38  }
0x559: {  	v34 =	vadd.f32 v34, v36;
	v46 =	vmul.f32 v0, v50;
	v45 =	vmul.f32 v13, v38  }
0x55a: {  	v27 =	vadd.f32 v35, v30;
	v58 =	vadd.f32 v47, v53  }
0x55b: {  	v32 =	vadd.f32 v34, v32;
	v31 =	vadd.f32 v45, v46  }
0x55c: {  	v27 =	vadd.f32 v58, v27  }
0x55d: {  	v31 =	vadd.f32 v31, v32;
	_ =	sdelay $0x1  }
0x55e: {  	(xrf2) =	vadd.scan.msk.f32 $0xffff, v31  }
0x55f: {  	(xrf2) =	vadd.scan.msk.f32 $0xffff, v27;
	v27 =	vpop (erf)  }
0x560: {  	v59 =	vpop (erf)  }
0x561: {  	v23 =	vmul.f32 v59, v23  }
0x562: {  	s8 =	sadd.s32 $0x1B0, s8  }
0x563: {  	[tilespmem:s8+$0xC0] =	vst v23  }
0x564: {  	v23 =	vld [tilespmem:$0x1F770];
	_ =	sdelay $0x4  }
0x565: {  	v23 =	vmul.f32 v44, v23  }
0x566: {  	[tilespmem:s7+$0xFFFFFFB0] =	vst v44  }
0x567: {  	v60 =	vld [tilespmem:$0x1F780];
	[tilespmem:s7+$0xFFFFFF30] =	vst v23  }
0x568: {  	v23 =	vld [tilespmem:$0x1F760];
	_ =	sdelay $0x3  }
0x569: {  	v31 =	vmul.f32 v44, v60  }
0x56a: {  	v23 =	vmul.f32 v44, v23  }
0x56b: {  	[tilespmem:s7+$0xFFFFFF40] =	vst v31  }
0x56c: {  	v4 =	vld [tilespmem:$0x1F790];
	[tilespmem:s7+$0xFFFFFF50] =	vst v23  }
0x56d: {  	v36 =	vld [tilespmem:$0x1F7E0];
	_ =	sdelay $0x3  }
0x56e: {  	v32 =	vmul.f32 v44, v4  }
0x56f: {  	v33 =	vmul.f32 v44, v36  }
0x570: {  	[tilespmem:s7+$0xFFFFFF60] =	vst v32  }
0x571: {  	v32 =	vld [tilespmem:$0x1F7F0];
	[tilespmem:s7+$0xFFFFFF70] =	vst v33  }
0x572: {  	v33 =	vld [tilespmem:$0x1F820]  }
0x573: {  	v37 =	vld [tilespmem:$0x1F830];
	_ =	sdelay $0x2  }
0x574: {  	v32 =	vmul.f32 v44, v32  }
0x575: {  	v33 =	vmul.f32 v44, v33  }
0x576: {  	[tilespmem:s7+$0xFFFFFF80] =	vst v32;
	v29 =	vmul.f32 v44, v37  }
0x577: {  	v40 =	vld [tilespmem:$0x1F950];
	[tilespmem:s7+$0xFFFFFF90] =	vst v33  }
0x578: {  	[tilespmem:s7+$0xFFFFFFA0] =	vst v29  }
0x579: {  	v43 =	vld [tilespmem:$0x1F7A0];
	[tilespmem:s7+$0x40] =	vst v27  }
0x57a: {  	v44 =	vld [tilespmem:$0x1F7B0];
	_ =	sdelay $0x3  }
0x57b: {  	v61, _, _ =	vpop (xrf2);
	v32 =	vmul.f32 v27, v43  }
0x57c: {  	v3 =	vbroadcast v61, $0xF;
	v5, _, _ =	vpop (xrf2);
	v34 =	vmul.f32 v27, v44  }
0x57d: {  	v6 =	vbroadcast v5, $0xF;
	[tilespmem:s7+$0xFFFFFFC0] =	vst v32  }
0x57e: {  	v31 =	vadd.f32 v3, v55;
	v45 =	vld [tilespmem:$0x1F7C0];
	[tilespmem:s7+$0xFFFFFFD0] =	vst v34  }
0x57f: {  	v23 =	vadd.f32 v6, v55;
	v32 =	vld [tilespmem:$0x1F7D0]  }
0x580: {  	v39 =	vsub.f32 $0.0e+00, v31  }
0x581: {  	v41 =	vsub.f32 $0.0e+00, v23  }
0x582: {  	v42 =	vmul.f32 $1.442695020e+00, v39  }
0x583: {  	v33 =	vmul.f32 $1.442695020e+00, v41;
	v29 =	vmul.f32 v27, v45  }
0x584: {  	v24 =	vadd.f32 $1.000000000e+00, v24;
	(erf) = vpow2.f32 v42;
	v32 =	vmul.f32 v27, v32  }
0x585: {  	(erf) = vpow2.f32 v33;
	[tilespmem:s7+$0xFFFFFFE0] =	vst v29  }
0x586: {  	(erf) = vrcp.f32 v24;
	v24 =	vadd.f32 $1.000000000e+00, v25;
	v25 =	vld [tilespmem:$0x1F800];
	[tilespmem:s7+$0xFFFFFFF0] =	vst v32  }
0x587: {  	v29 =	vld [tilespmem:$0x1F810];
	_ =	sdelay $0x3  }
0x588: {  	v25 =	vmul.f32 v27, v25  }
0x589: {  	v29 =	vmul.f32 v27, v29  }
0x58a: {  	(erf) = vrcp.f32 v24;
	v24 =	vmul.f32 v27, v57;
	[tilespmem:s7+$0x0] =	vst v25  }
0x58b: {  	[tilespmem:s7+$0x10] =	vst v29  }
0x58c: {  	v25 =	vld [tilespmem:$0x1F840];
	[tilespmem:s7+$0x20] =	vst v24  }
0x58d: {  	v3 =	vld [tilespmem:$0x1FA30];
	_ =	sdelay $0x3  }
0x58e: {  	v25 =	vmul.f32 v27, v25  }
0x58f: {  	[tilespmem:s8+$0xD0] =	vst v59;
	v6 =	vmul.f32 v59, v3  }
0x590: {  	[tilespmem:s7+$0x30] =	vst v25  }
0x591: {  	[tilespmem:s8+$0x50] =	vst v6  }
0x592: {  	v47 =	vld [tilespmem:$0x1FA40];
	_ =	sdelay $0x2  }
0x593: {  	v46 =	vmul.f32 v59, v63;
	_ =	sdelay $0x1  }
0x594: {  	v24 =	vld [tilespmem:$0x1F960];
	[tilespmem:s8+$0x60] =	vst v46;
	v3 =	vmul.f32 v59, v47  }
0x595: {  	v4 =	vld [tilespmem:$0x1FA50]  }
0x596: {  	v26 =	vmul.f32 v26, v40;
	[tilespmem:s8+$0x70] =	vst v3  }
0x597: {  	v58 =	vld [tilespmem:$0x1FA60]  }
0x598: {  	v26 =	vmul.f32 $1.442695020e+00, v26  }
0x599: {  	v25 =	vmul.f32 v59, v62  }
0x59a: {  	(erf) = vpow2.f32 v26;
	v5 =	vmul.f32 v59, v4  }
0x59b: {  	v7 =	vmul.f32 v59, v7;
	[tilespmem:s8+$0x80] =	vst v25  }
0x59c: {  	[tilespmem:s8+$0x90] =	vst v5;
	v4 =	vmul.f32 v59, v58  }
0x59d: {  	[tilespmem:s8+$0xB0] =	vst v7  }
0x59e: {  	[tilespmem:s8+$0xA0] =	vst v4  }
0x59f: {  	v53 =	vpop (erf);
	v7 =	vld [tilespmem:$0x1F860]  }
0x5a0: {  	v57 =	vpop (erf)  }
0x5a1: {  	v25 =	vpop (erf)  }
0x5a2: {  	v24 =	vmul.f32 v28, v24;
	v59 =	vpop (erf)  }
0x5a3: {  	v60 =	vpop (erf)  }
0x5a4: {  	v24 =	vmul.f32 $1.442695020e+00, v24;
	v7 =	vmul.f32 v60, v7  }
0x5a5: {  	[tilespmem:s17+$0xFFFFFFB0] =	vst v60  }
0x5a6: {  	(erf) = vpow2.f32 v24;
	v24 =	vld [tilespmem:$0x1F870];
	[tilespmem:s17+$0xFFFFFF30] =	vst v7  }
0x5a7: {  	v7 =	vld [tilespmem:$0x1F850];
	_ =	sdelay $0x3  }
0x5a8: {  	v24 =	vmul.f32 v60, v24  }
0x5a9: {  	v7 =	vmul.f32 v60, v7  }
0x5aa: {  	[tilespmem:s17+$0xFFFFFF40] =	vst v24  }
0x5ab: {  	v24 =	vld [tilespmem:$0x1F880];
	[tilespmem:s17+$0xFFFFFF50] =	vst v7  }
0x5ac: {  	v7 =	vld [tilespmem:$0x1F8D0];
	_ =	sdelay $0x3  }
0x5ad: {  	v24 =	vmul.f32 v60, v24  }
0x5ae: {  	v7 =	vmul.f32 v60, v7  }
0x5af: {  	[tilespmem:s17+$0xFFFFFF60] =	vst v24  }
0x5b0: {  	v61 =	vld [tilespmem:$0x1F8E0];
	[tilespmem:s17+$0xFFFFFF70] =	vst v7  }
0x5b1: {  	v63 =	vld [tilespmem:$0x1F910];
	_ =	sdelay $0x1  }
0x5b2: {  	v6 =	vadd.f32 $1.000000000e+00, v53;
	v20 =	vmul.f32 v25, v20;
	v24 =	vld [tilespmem:$0x1F920];
	_ =	sdelay $0x1  }
0x5b3: {  	(erf) = vrcp.f32 v6;
	v62 =	vmul.f32 $1.442695020e+00, v20  }
0x5b4: {  	v6 =	vmul.f32 v60, v61;
	v20 =	vmul.f32 v60, v63;
	_ =	sdelay $0x1  }
0x5b5: {  	[tilespmem:s17+$0xFFFFFF80] =	vst v6;
	v4 =	vmul.f32 v60, v24  }
0x5b6: {  	[tilespmem:s17+$0xFFFFFF90] =	vst v20  }
0x5b7: {  	[tilespmem:s17+$0xFFFFFFA0] =	vst v4;
	v20 =	vpop (erf)  }
0x5b8: {  	v4 =	vld [tilespmem:$0x1F890];
	[tilespmem:s17+$0x40] =	vst v20  }
0x5b9: {  	v6 =	vld [tilespmem:$0x1F8A0];
	_ =	sdelay $0x3  }
0x5ba: {  	v4 =	vmul.f32 v20, v4  }
0x5bb: {  	v6 =	vmul.f32 v20, v6  }
0x5bc: {  	[tilespmem:s17+$0xFFFFFFC0] =	vst v4  }
0x5bd: {  	v4 =	vld [tilespmem:$0x1F8B0];
	[tilespmem:s17+$0xFFFFFFD0] =	vst v6  }
0x5be: {  	v6 =	vld [tilespmem:$0x1F8C0];
	_ =	sdelay $0x3  }
0x5bf: {  	v4 =	vmul.f32 v20, v4  }
0x5c0: {  	v6 =	vmul.f32 v20, v6  }
0x5c1: {  	[tilespmem:s17+$0xFFFFFFE0] =	vst v4  }
0x5c2: {  	v4 =	vld [tilespmem:$0x1F8F0];
	[tilespmem:s17+$0xFFFFFFF0] =	vst v6  }
0x5c3: {  	v6 =	vld [tilespmem:$0x1F900];
	_ =	sdelay $0x3  }
0x5c4: {  	v4 =	vmul.f32 v20, v4  }
0x5c5: {  	v6 =	vmul.f32 v20, v6  }
0x5c6: {  	v28 =	vld [tilespmem:$0x1F930];
	[tilespmem:s17+$0x0] =	vst v4  }
0x5c7: {  	[tilespmem:s17+$0x10] =	vst v6  }
0x5c8: {  	v3 =	vadd.f32 $1.000000000e+00, v57;
	v6 =	vld [tilespmem:$0x1F940];
	_ =	sdelay $0x1  }
0x5c9: {  	(erf) = vrcp.f32 v3  }
0x5ca: {  	(erf) = vpow2.f32 v62  }
0x5cb: {  	v7 =	vmul.f32 v20, v28  }
0x5cc: {  	v3 =	vmul.f32 v20, v6  }
0x5cd: {  	[tilespmem:s17+$0x20] =	vst v7  }
0x5ce: {  	[tilespmem:s17+$0x30] =	vst v3  }
0x5cf: {  	v3 =	vld [tilespmem:$0x1F980];
	_ =	sdelay $0x1  }
0x5d0: {  	v29 =	vpop (erf)  }
0x5d1: {  	v30 =	vpop (erf)  }
0x5d2: {  	v32 =	vpop (erf)  }
0x5d3: {  	v3 =	vmul.f32 v32, v3  }
0x5d4: {  	[tilespmem:s21+$0xFFFFFFB0] =	vst v32  }
0x5d5: {  	v7 =	vld [tilespmem:$0x1F990];
	[tilespmem:s21+$0xFFFFFF30] =	vst v3  }
0x5d6: {  	v3 =	vld [tilespmem:$0x1F970];
	_ =	sdelay $0x3  }
0x5d7: {  	v7 =	vmul.f32 v32, v7  }
0x5d8: {  	v3 =	vmul.f32 v32, v3  }
0x5d9: {  	[tilespmem:s21+$0xFFFFFF40] =	vst v7  }
0x5da: {  	v7 =	vld [tilespmem:$0x1F9A0];
	[tilespmem:s21+$0xFFFFFF50] =	vst v3  }
0x5db: {  	v3 =	vld [tilespmem:$0x1F9E0];
	_ =	sdelay $0x2  }
0x5dc: {  	v5 =	vmul.f32 v59, v18  }
0x5dd: {  	v7 =	vmul.f32 v32, v7  }
0x5de: {  	v5 =	vmul.f32 $1.442695020e+00, v5;
	v3 =	vmul.f32 v32, v3  }
0x5df: {  	[tilespmem:s21+$0xFFFFFF60] =	vst v7  }
0x5e0: {  	(erf) = vpow2.f32 v5;
	[tilespmem:s21+$0xFFFFFF70] =	vst v3  }
0x5e1: {  	v3 =	vld [tilespmem:$0x1FA00]  }
0x5e2: {  	v34 =	vld [tilespmem:$0x1FA10];
	_ =	sdelay $0x2  }
0x5e3: {  	v33 =	vmul.f32 v32, v54  }
0x5e4: {  	v3 =	vmul.f32 v32, v3  }
0x5e5: {  	[tilespmem:s21+$0xFFFFFF80] =	vst v33;
	v5 =	vmul.f32 v32, v34  }
0x5e6: {  	[tilespmem:s21+$0xFFFFFF90] =	vst v3  }
0x5e7: {  	v35 =	vpop (erf);
	[tilespmem:s21+$0xFFFFFFA0] =	vst v5  }
0x5e8: {  	v36 =	vld [tilespmem:$0x1F9C0];
	[tilespmem:s21+$0x40] =	vst v35  }
0x5e9: {  	v4 =	vmul.f32 v29, v31;
	v5 =	vld [tilespmem:$0x1F9D0];
	_ =	sdelay $0x1  }
0x5ea: {  	v4 =	vmul.f32 $1.442695020e+00, v4  }
0x5eb: {  	v37 =	vmul.f32 v35, v49  }
0x5ec: {  	(erf) = vpow2.f32 v4;
	v4 =	vmul.f32 v35, v36  }
0x5ed: {  	[tilespmem:s21+$0xFFFFFFE0] =	vst v37;
	v5 =	vmul.f32 v35, v5  }
0x5ee: {  	[tilespmem:s21+$0xFFFFFFC0] =	vst v4  }
0x5ef: {  	[tilespmem:s21+$0xFFFFFFD0] =	vst v5  }
0x5f0: {  	v41 =	vld [tilespmem:$0x1F9F0]  }
0x5f1: {  	v6 =	vmul.f32 v30, v23;
	_ =	sdelay $0x1  }
0x5f2: {  	v39 =	vmul.f32 v35, v48;
	v40 =	vmul.f32 $1.442695020e+00, v6  }
0x5f3: {  	v42 =	vmul.f32 v35, v51  }
0x5f4: {  	(erf) = vpow2.f32 v40;
	[tilespmem:s21+$0xFFFFFFF0] =	vst v39;
	v6 =	vmul.f32 v35, v41  }
0x5f5: {  	v43 =	vmul.f32 v35, v56;
	v44 =	vpop (erf);
	[tilespmem:s21+$0x10] =	vst v42  }
0x5f6: {  	v2 =	vmul.f32 v44, v2;
	[tilespmem:s21+$0x0] =	vst v6  }
0x5f7: {  	v45 =	vmul.f32 v44, v19;
	v5 =	vld [tilespmem:$0x1FA20];
	[tilespmem:s21+$0x20] =	vst v43  }
0x5f8: {  	v46 =	vmul.f32 v44, v21;
	[tilespmem:s8+$0xFFFFFF30] =	vst v2  }
0x5f9: {  	v47 =	vmul.f32 v44, v22;
	[tilespmem:s8+$0xFFFFFF40] =	vst v45  }
0x5fa: {  	[tilespmem:s8+$0xFFFFFF50] =	vst v46  }
0x5fb: {  	v48 =	vmul.f32 v44, v17;
	[tilespmem:s8+$0xFFFFFF60] =	vst v47  }
0x5fc: {  	[tilespmem:s8+$0xFFFFFFB0] =	vst v44  }
0x5fd: {  	v51 =	vmul.f32 v44, v16;
	v49 =	vpop (erf);
	[tilespmem:s8+$0xFFFFFF70] =	vst v48  }
0x5fe: {  	v53 =	vmul.f32 v44, v13;
	[tilespmem:s8+$0x40] =	vst v49  }
0x5ff: {  	v54 =	vmul.f32 v44, v0;
	[tilespmem:s8+$0xFFFFFF80] =	vst v51  }
0x600: {  	v56 =	vmul.f32 v49, v14;
	[tilespmem:s8+$0xFFFFFF90] =	vst v53  }
0x601: {  	v1 =	vmul.f32 v49, v1;
	[tilespmem:s8+$0xFFFFFFA0] =	vst v54  }
0x602: {  	v57 =	vmul.f32 v49, v9;
	[tilespmem:s8+$0xFFFFFFC0] =	vst v56  }
0x603: {  	v58 =	vmul.f32 v49, v15;
	[tilespmem:s8+$0xFFFFFFD0] =	vst v1  }
0x604: {  	v59 =	vmul.f32 v49, v11;
	[tilespmem:s8+$0xFFFFFFE0] =	vst v57  }
0x605: {  	v60 =	vmul.f32 v49, v12;
	[tilespmem:s8+$0xFFFFFFF0] =	vst v58  }
0x606: {  	v61 =	vmul.f32 v49, v8;
	[tilespmem:s8+$0x0] =	vst v59  }
0x607: {  	v62 =	vmul.f32 v49, v10;
	[tilespmem:s8+$0x10] =	vst v60  }
0x608: {  	[tilespmem:s8+$0x20] =	vst v61;
	v3 =	vmul.f32 v35, v5  }
0x609: {  	[tilespmem:s8+$0x30] =	vst v62  }
0x60a: {  	[tilespmem:s21+$0x30] =	vst v3  }
0x60b: {  	v0 =	vld [tilespmem:$0x3140]  }
0x60c: {  	v1 =	vld [tilespmem:$0x4140];
	_ =	sdelay $0x4  }
0x60d: {  	v0 =	vsub.bf16 v0, v1  }
0x60e: {  	v63 =	vimm.bf16 $0.0e+00  }
0x60f: {  	v1 =	vsub.bf16 v63, v0  }
0x610: {  	v12 =	vimm.bf16 $1.4450e+00  }
0x611: {  	v1 =	vmul.bf16 v12, v1;
	_ =	sdelay $0x1  }
0x612: {  	(erf) = vpow2.bf16 v1;
	_ =	sdelay $0x2  }
0x613: {  	v13 =	vld [tilespmem:$0x3150]  }
0x614: {  	v14 =	vld [tilespmem:$0x4150];
	_ =	sdelay $0x4  }
0x615: {  	v1 =	vsub.bf16 v13, v14  }
0x616: {  	v15 =	vpop (erf)  }
0x617: {  	v16 =	vsub.bf16 v63, v1;
	v2 =	vadd.bf16 v52, v15;
	_ =	sdelay $0x1  }
0x618: {  	v17 =	vmul.bf16 v12, v16;
	(erf) = vrcp.bf16 v2;
	_ =	sdelay $0x1  }
0x619: {  	(erf) = vpow2.bf16 v17;
	_ =	sdelay $0x2  }
0x61a: {  	v18 =	vld [tilespmem:$0x3160]  }
0x61b: {  	v19 =	vld [tilespmem:$0x4160];
	_ =	sdelay $0x4  }
0x61c: {  	v2 =	vsub.bf16 v18, v19;
	v20 =	vpop (erf)  }
0x61d: {  	v21 =	vpop (erf)  }
0x61e: {  	v22 =	vsub.bf16 v63, v2;
	v3 =	vadd.bf16 v52, v21;
	_ =	sdelay $0x1  }
0x61f: {  	v23 =	vmul.bf16 v12, v22;
	(erf) = vrcp.bf16 v3;
	_ =	sdelay $0x1  }
0x620: {  	(erf) = vpow2.bf16 v23;
	_ =	sdelay $0x2  }
0x621: {  	v28 =	vld [tilespmem:$0x3170]  }
0x622: {  	v29 =	vld [tilespmem:$0x4170];
	_ =	sdelay $0x4  }
0x623: {  	v3 =	vsub.bf16 v28, v29;
	v30 =	vpop (erf)  }
0x624: {  	v31 =	vpop (erf)  }
0x625: {  	v7 =	vsub.bf16 v63, v3;
	v5 =	vadd.bf16 v52, v31;
	_ =	sdelay $0x1  }
0x626: {  	v32 =	vmul.bf16 v12, v7;
	(erf) = vrcp.bf16 v5;
	_ =	sdelay $0x1  }
0x627: {  	(erf) = vpow2.bf16 v32;
	_ =	sdelay $0x8  }
0x628: {  	v33 =	vpop (erf)  }
0x629: {  	v34 =	vpop (erf)  }
0x62a: {  	v7 =	vadd.bf16 v52, v34;
	_ =	sdelay $0x1  }
0x62b: {  	v57 =	vld [tilespmem:$0x1FF90];
	(erf) = vrcp.bf16 v7  }
0x62c: {  	v48 =	vld [tilespmem:$0x1FFA0]  }
0x62d: {  	v60 =	vld [tilespmem:$0x1FFB0]  }
0x62e: {  	v24 =	vld [tilespmem:$0x1FFC0];
	v0 =	vmul.bf16 v20, v0;
	_ =	sdelay $0x1  }
0x62f: {  	v4 =	vunpack.i.l.bf16.f32 v0;
	v1 =	vmul.bf16 v30, v1  }
0x630: {  	v25 =	vld [tilespmem:$0x1FFD0];
	v0 =	vunpack.i.u.bf16.f32 v0;
	v35 =	vmul.f32 v4, v57  }
0x631: {  	v62 =	vld [tilespmem:$0x1FFE0];
	v36 =	vmul.f32 v0, v48;
	v37 =	vunpack.i.u.bf16.f32 v1;
	v1 =	vunpack.i.l.bf16.f32 v1  }
0x632: {  	v39 =	vmul.f32 v1, v60;
	v40 =	vmul.f32 v37, v24  }
0x633: {  	v2 =	vmul.bf16 v33, v2  }
0x634: {  	v41 =	vadd.f32 v35, v36;
	v42 =	vadd.f32 v39, v40;
	v43 =	vpop (erf)  }
0x635: {  	v44 =	vunpack.i.u.bf16.f32 v2;
	v2 =	vunpack.i.l.bf16.f32 v2;
	v3 =	vmul.bf16 v43, v3  }
0x636: {  	v45 =	vmul.f32 v2, v25;
	v46 =	vmul.f32 v44, v62  }
0x637: {  	v5 =	vadd.f32 v42, v41;
	v47 =	vunpack.i.u.bf16.f32 v3;
	v3 =	vunpack.i.l.bf16.f32 v3  }
0x638: {  	v7 =	vadd.f32 v45, v46;
	v49 =	vmul.f32 v3, v38;
	v51 =	vmul.f32 v47, v50;
	_ =	sdelay $0x1  }
0x639: {  	v5 =	vadd.f32 v7, v5;
	v53 =	vadd.f32 v49, v51;
	_ =	sdelay $0x1  }
0x63a: {  	v5 =	vadd.f32 v53, v5;
	_ =	sdelay $0x1  }
0x63b: {  	(xrf2) =	vadd.scan.msk.f32 $0xffff, v5;
	_ =	sdelay $0x9  }
0x63c: {  	v5, _, _ =	vpop (xrf2)  }
0x63d: {  	v5 =	vbroadcast v5, $0xF;
	_ =	sdelay $0x1  }
0x63e: {  	v5 =	vadd.f32 v5, v55;
	_ =	sdelay $0x1  }
0x63f: {  	v54 =	vsub.f32 $0.0e+00, v5;
	_ =	sdelay $0x1  }
0x640: {  	v7 =	vmul.f32 $1.442695020e+00, v54;
	_ =	sdelay $0x1  }
0x641: {  	(erf) = vpow2.f32 v7;
	_ =	sdelay $0x8  }
0x642: {  	v7 =	vpop (erf)  }
0x643: {  	v7 =	vadd.f32 $1.000000000e+00, v7;
	_ =	sdelay $0x1  }
0x644: {  	(erf) = vrcp.f32 v7;
	_ =	sdelay $0x8  }
0x645: {  	v7 =	vpop (erf)  }
0x646: {  	v5 =	vmul.f32 v7, v5;
	_ =	sdelay $0x1  }
0x647: {  	v5 =	vmul.f32 $1.442695020e+00, v5;
	_ =	sdelay $0x1  }
0x648: {  	(erf) = vpow2.f32 v5;
	_ =	sdelay $0x8  }
0x649: {  	v5 =	vpop (erf)  }
0x64a: {  	v4 =	vmul.f32 v5, v4  }
0x64b: {  	v0 =	vmul.f32 v5, v0;
	[tilespmem:$0x8970] =	vst v5  }
0x64c: {  	v1 =	vmul.f32 v5, v1;
	[tilespmem:$0x88F0] =	vst v4  }
0x64d: {  	v56 =	vmul.f32 v5, v37;
	[tilespmem:$0x8900] =	vst v0  }
0x64e: {  	s15 =	sadd.s32 $0x1, s15;
	v58 =	vmul.f32 v5, v2;
	[tilespmem:$0x8910] =	vst v1  }
0x64f: {  	p0 =	sne.s32 s15, $0x51;
	v59 =	vmul.f32 v5, v44;
	[tilespmem:$0x8920] =	vst v56  }
.Ltmp2:
0x650: {  	v61 =	vmul.f32 v5, v3;
	[tilespmem:$0x8930] =	vst v58;
	(pc) =	sbr.rel @p0 .LBB2_2-.Ltmp2, $4  }
0x651: {  	v63 =	vmul.f32 v5, v47;
	[tilespmem:$0x8940] =	vst v59  }
0x652: {  	[tilespmem:$0x8950] =	vst v61  }
0x653: {  	[tilespmem:$0x8960] =	vst v63  }
0x654: {  	v45 =	vimm.bf16 $1.4450e+00;
	v44 =	vimm.bf16 $0.0e+00;
	[spmem:s4] =	stream.indirect.scatter.add.f32 [tilespmem:s30], [sflag:$0x6], $0x90, s29, s24, $0xb8;
	[tilespmem:$0x1F180] =	vst v63  }
0x655: {  	_ =	swait.ge [sflag:s31], $0x2400  }
0x656: {  	[sflag:s31] =	ssyncset.done $0x0  }
0x657: {  	[sflag:s31] =	ssyncadd.s32 $0xFFFFDC00  }
0x658: {  	_ =	swait.ge [sflag:s0], $0x2400  }
0x659: {  	[sflag:s0] =	ssyncset.done $0x0  }
0x65a: {  	[sflag:s0] =	ssyncadd.s32 $0xFFFFDC00  }
0x65b: {  	[bflag:$0x0] =	sbarrier.arrive $0xFFFF  }
0x65c: {  	s7 =	rddreg [dreg:$0x8]  }
0x65d: {  	[hbm:s7], [sflag:s18] =	dma.local [spmem:s19], $0x2CEE  }
0x65e: {  	_ =	swait.ge [sflag:s16], $0x2CEE  }
0x65f: {  	s3 =	sadd.s32 $0x1, s3;
	s21 =	rddreg [dreg:$0x9]  }
0x660: {  	p0 =	sne.s32 s3, s21  }
.Ltmp3:
0x661: {  	_ = 	snop;
	(pc) =	sbr.rel @p0 .LBB2_1-.Ltmp3, $3  }
0x662: {  	_ =	sdelay $0x1  }
0x663: {  	[sflag:s16] =	ssyncset.done $0x0  }
0x664: {  	[sflag:s16] =	ssyncadd.s32 $0xFFFFD312  }
0x665: {  	_ =	sfence.sel $0x180000  }
0x666: {  	[bflag:$0x0] =	sbarrier.arrive $0xFFFF  }
0x667: {  	_ =	strace $0x90000047  }
0x668: {  	s0 =	stileid.u32;
	[bflag:$0x2] =	sbarrier.arrive $0xFFFF  }
0x669: {  	p0 =	sne.s32 s0, $0x0;
	s0 =	rddreg [dreg:$0x4]  }
0x66a: {  	s0 =	sadd.s32 @!p0 $0x100000, s0  }
0x66b: {  	[sflag:s0] =	ssyncadd.tile.s32 @!p0 $0x1;
	_ =	shalt  }
.Lfunc_end2:
_tile_overlayer_lowered:
.L_overlay_start_2:
0x66c: {  	(tag) =	ssettag $0x2  }
0x66d: {  	s0 =	rddreg [dreg:$0x0];
	s2 =	stileid.u32  }
0x66e: {  	s1 =	rddreg [dreg:$0x1];
	p0 =	sne.s32 s2, $0x0  }
0x66f: {  	s3 =	rddreg [dreg:$0x2];
	[bflag:$0x3] =	sbarrier.arrive $0xFFFF;
	s2 =	simm.s32 @!p0 $0x1C07  }
0x670: {  	[timem:s3], [sflag:s2] =	dma.local @!p0 [hbm:s0], s1  }
0x671: {  	s0 =	simm.s32 @!p0 $0x7  }
0x672: {  	_ =	swait.ge @!p0 [sflag:s0], s1  }
0x673: {  	s1 =	ssub.s32 @!p0 $0x0, s1;
	[sflag:s0] =	ssyncset.done @!p0 $0x0  }
0x674: {  	[sflag:s0] =	ssyncadd.s32 @!p0 s1  }
0x675: {  	[bflag:$0x3] =	sbarrier.arrive $0xFFFF  }
0x676: {  	_ =	shalt  }

</sc_bundles>
